<compile_context>
chip_gen: v7x
topology: tpu7x:2x2x1
jax: 0.10.2.dev20260603
libtpu: 0.0.44.dev20260713+nightly
codegen_flags: <defaults>
</compile_context>

<pallas_src>
import functools

import jax
import jax.numpy as jnp
from jax import lax
from jax.experimental import pallas as pl
from jax.experimental.pallas import tpu as pltpu
from jax.experimental.pallas import tpu_sc as plsc

N_NODES = 10000
N_EDGES = 320000
D = 128
NEG_W = 1.0 / 5.0

NC = 2
NS = 16
NW = NC * NS
L = 16

EDGES_PER_TILE = N_EDGES // NW
CHUNK = 48
NFULL = EDGES_PER_TILE // CHUNK
TAIL = EDGES_PER_TILE - NFULL * CHUNK
PB = D // 2
DP = 3 * PB



def _table_body(am_ref, ph_ref, t_ref):
    am = am_ref[...]
    ph = ph_ref[...]
    t_ref[:, 0:D] = am.astype(jnp.bfloat16)
    t_ref[:, D:2 * D] = (am * jnp.cos(ph)).astype(jnp.bfloat16)
    t_ref[:, 2 * D:3 * D] = (am * jnp.sin(ph)).astype(jnp.bfloat16)


def _build_table(am, ph):
    t = pl.pallas_call(
        _table_body,
        grid=(10,),
        in_specs=[pl.BlockSpec((N_NODES // 10, D), lambda i: (i, 0)),
                  pl.BlockSpec((N_NODES // 10, D), lambda i: (i, 0))],
        out_specs=pl.BlockSpec((N_NODES // 10, 3 * D), lambda i: (i, 0)),
        out_shape=jax.ShapeDtypeStruct((N_NODES, 3 * D), jnp.bfloat16),
    )(am, ph)
    return jax.lax.bitcast_convert_type(
        t.reshape(N_NODES, DP, 2), jnp.float32)



NBUF = 4


def _sc_body(t_hbm, idx_hbm, r_hbm, i_hbm, b_hbm,
             idx_c, bufs_s, bufs_d, res_r, res_i, res_b, sems_s, sems_d):
    wid = lax.axis_index("s") * NC + lax.axis_index("c")
    lane = lax.iota(jnp.int32, 16)

    pltpu.sync_copy(idx_hbm.at[pl.ds(wid * 2 * EDGES_PER_TILE,
                                     2 * EDGES_PER_TILE)], idx_c)

    def issue(c, n, b):
        o = c * 2 * CHUNK
        pltpu.async_copy(t_hbm.at[idx_c.at[pl.ds(o, n)]],
                         bufs_s[b].at[pl.ds(0, n)], sems_s[b])
        pltpu.async_copy(t_hbm.at[idx_c.at[pl.ds(o + n, n)]],
                         bufs_d[b].at[pl.ds(0, n)], sems_d[b])

    def wait(n, b):
        pltpu.make_async_copy(t_hbm.at[idx_c.at[pl.ds(0, n)]],
                              bufs_s[b].at[pl.ds(0, n)], sems_s[b]).wait()
        pltpu.make_async_copy(t_hbm.at[idx_c.at[pl.ds(0, n)]],
                              bufs_d[b].at[pl.ds(0, n)], sems_d[b]).wait()

    def compute(c, n, b):
        rs, rd = bufs_s[b], bufs_d[b]
        base = c * CHUNK
        def k_body(k, accs):
            ca = lane + k
            ca = jnp.where(ca >= PB, ca - PB, ca)
            cp = ca + PB
            cq = ca + 2 * PB
            out = []
            for g in range(n // L):
                rid = lane + (g * L)
                a_s = plsc.bitcast(plsc.load_gather(rs, [rid, ca]), jnp.bfloat16)
                a_d = plsc.bitcast(plsc.load_gather(rd, [rid, ca]), jnp.bfloat16)
                p_s = plsc.bitcast(plsc.load_gather(rs, [rid, cp]), jnp.bfloat16)
                p_d = plsc.bitcast(plsc.load_gather(rd, [rid, cp]), jnp.bfloat16)
                q_s = plsc.bitcast(plsc.load_gather(rs, [rid, cq]), jnp.bfloat16)
                q_d = plsc.bitcast(plsc.load_gather(rd, [rid, cq]), jnp.bfloat16)
                ar, ai, ab = accs[g]
                r0, r1 = plsc.unpack(p_s * p_d + q_s * q_d,
                                     format=plsc.PackFormat.INTERLEAVED)
                i0, i1 = plsc.unpack(q_s * p_d - p_s * q_d,
                                     format=plsc.PackFormat.INTERLEAVED)
                b0, b1 = plsc.unpack(a_s * a_d,
                                     format=plsc.PackFormat.INTERLEAVED)
                out.append((ar + r0 + r1, ai + i0 + i1, ab + b0 + b1))
            return tuple(out)

        zeros = jnp.zeros((L,), jnp.float32)
        init = tuple((zeros, zeros, zeros) for _ in range(n // L))
        accs = lax.fori_loop(0, PB, k_body, init, unroll=2)
        for g in range(n // L):
            ar, ai, ab = accs[g]
            res_r[pl.ds(base + g * L, L)] = ar
            res_i[pl.ds(base + g * L, L)] = ai
            res_b[pl.ds(base + g * L, L)] = ab

    for b in range(NBUF):
        issue(b, CHUNK, b)

    def ring_body(i, carry):
        c0 = NBUF * i
        for b in range(NBUF):
            c = c0 + b
            wait(CHUNK, b)
            nxt = c + NBUF

            @pl.when(nxt < NFULL)
            def _(nxt=nxt, b=b):
                issue(nxt, CHUNK, b)

            @pl.when(nxt == NFULL)
            def _(nxt=nxt, b=b):
                issue(NFULL, TAIL, b)

            compute(c, CHUNK, b)
        return carry

    lax.fori_loop(0, NFULL // NBUF, ring_body, 0)
    wait(TAIL, 0)
    compute(NFULL, TAIL, 0)

    tile_base = wid * EDGES_PER_TILE
    pltpu.sync_copy(res_r, r_hbm.at[pl.ds(tile_base, EDGES_PER_TILE)])
    pltpu.sync_copy(res_i, i_hbm.at[pl.ds(tile_base, EDGES_PER_TILE)])
    pltpu.sync_copy(res_b, b_hbm.at[pl.ds(tile_base, EDGES_PER_TILE)])


_sc_dots = functools.partial(
    pl.kernel,
    out_type=[jax.ShapeDtypeStruct((N_EDGES,), jnp.float32)] * 3,
    mesh=plsc.VectorSubcoreMesh(core_axis_name="c", subcore_axis_name="s"),
    compiler_params=pltpu.CompilerParams(use_tc_tiling_on_sc=False,
                                         needs_layout_passes=False),
    scratch_types=[
        pltpu.VMEM((2 * EDGES_PER_TILE,), jnp.int32),
        tuple(pltpu.VMEM((CHUNK, DP), jnp.float32) for _ in range(NBUF)),
        tuple(pltpu.VMEM((CHUNK, DP), jnp.float32) for _ in range(NBUF)),
        pltpu.VMEM((EDGES_PER_TILE,), jnp.float32),
        pltpu.VMEM((EDGES_PER_TILE,), jnp.float32),
        pltpu.VMEM((EDGES_PER_TILE,), jnp.float32),
        tuple(pltpu.SemaphoreType.DMA for _ in range(NBUF)),
        tuple(pltpu.SemaphoreType.DMA for _ in range(NBUF)),
    ],
)(_sc_body)



def _loss_body(r_ref, i_ref, b_ref, lab_ref, w_ref, out_ref):
    real = r_ref[...]
    img = i_ref[...]
    bi = b_ref[...]
    lab = lab_ref[...]
    ex_t = jnp.where(lab == 3, 0.0, 1.0)
    per = jnp.maximum(bi, 0.0) - bi * ex_t + jnp.log1p(jnp.exp(-jnp.abs(bi)))
    exist_loss = jnp.sum(per) * (1.0 / N_EDGES)

    p0 = -jnp.sqrt(real * real + (img + 1.0) ** 2)
    p1 = -jnp.sqrt(real * real + (img - 1.0) ** 2)
    p2 = -jnp.sqrt((real - 1.0) ** 2 + img * img)
    p3 = -jnp.sqrt(real * real + img * img)
    m = jnp.maximum(jnp.maximum(p0, p1), jnp.maximum(p2, p3))
    lse = m + jnp.log(jnp.exp(p0 - m) + jnp.exp(p1 - m)
                      + jnp.exp(p2 - m) + jnp.exp(p3 - m))
    plab = jnp.where(lab == 0, p0,
                     jnp.where(lab == 1, p1,
                               jnp.where(lab == 2, p2, p3)))
    wl = jnp.where(lab == 3, NEG_W, 1.0)
    ce = jnp.sum(wl * (lse - plab)) * (1.0 / N_EDGES)
    out_ref[0, 0] = ce + w_ref[0] * exist_loss


def _final_loss(r, i, b, lab, loss_weight):
    rows = N_EDGES // D
    out = pl.pallas_call(
        _loss_body,
        in_specs=[pl.BlockSpec(memory_space=pltpu.VMEM)] * 4
        + [pl.BlockSpec(memory_space=pltpu.SMEM)],
        out_specs=pl.BlockSpec(memory_space=pltpu.SMEM),
        out_shape=jax.ShapeDtypeStruct((1, 1), jnp.float32),
    )(r.reshape(rows, D), i.reshape(rows, D), b.reshape(rows, D),
      lab.reshape(rows, D), loss_weight.reshape(1))
    return out[0, 0]



def _interleave_idx(src, dst):
    sm = src.reshape(NW, EDGES_PER_TILE)
    dm = dst.reshape(NW, EDGES_PER_TILE)
    nh = NFULL * CHUNK
    head = jnp.concatenate(
        [sm[:, :nh].reshape(NW, NFULL, CHUNK),
         dm[:, :nh].reshape(NW, NFULL, CHUNK)], axis=2)
    tail = jnp.concatenate([sm[:, nh:], dm[:, nh:]], axis=1)
    return jnp.concatenate(
        [head.reshape(NW, 2 * nh), tail], axis=1).reshape(2 * N_EDGES)


def kernel(all_edges, am_outputs, ph_outputs, loss_weight):
    src = all_edges[:, 0]
    dst = all_edges[:, 1]
    lab = all_edges[:, 2]
    table = _build_table(am_outputs, ph_outputs)
    r, i, b = _sc_dots(table, _interleave_idx(src, dst))
    w = jnp.asarray(loss_weight, jnp.float32)
    return _final_loss(r, i, b, lab, w)

# --- scband reference (transcript-rebuilt; emitter-appended) ---
"""Pipeline reference for scband-four-class-loss-32684701123295 (READ-ONLY COPY).

The authoritative reference and input builder live on the scoring server;
editing this copy changes nothing except your own understanding.
"""

import jax, jax.numpy as jnp
import numpy as np

N_NODES = 10000
N_EDGES = 320000
D_FEAT = 128
NEGATIVE_RATIO = 5.0
CLASS_WEIGHT = jnp.array([1.0, 1.0, 1.0, 1.0 / NEGATIVE_RATIO], dtype=jnp.float32)


def setup_inputs(seed: int = 0) -> dict:
    key = jax.random.key(seed)
    k1, k2, k3, k4 = jax.random.split(key, 4)
    nodes = jax.random.randint(k1, (N_EDGES, 2), 0, N_NODES)
    labels = jax.random.randint(k2, (N_EDGES, 1), 0, 4)
    all_edges = jnp.concatenate([nodes, labels], axis=1)
    am_outputs = jax.random.normal(k3, (N_NODES, D_FEAT), dtype=jnp.float32)
    ph_outputs = jax.random.normal(k4, (N_NODES, D_FEAT), dtype=jnp.float32)
    loss_weight = jnp.float32(1.0)
    return {"all_edges": all_edges, "am_outputs": am_outputs,
            "ph_outputs": ph_outputs, "loss_weight": loss_weight}


def _bce_with_logits_mean(logits, targets):
    # numerically stable BCEWithLogitsLoss, reduction='mean'
    per = jnp.maximum(logits, 0.0) - logits * targets + jnp.log1p(jnp.exp(-jnp.abs(logits)))
    return jnp.mean(per)


def reference(all_edges, am_outputs, ph_outputs, loss_weight):
    src = all_edges[:, 0]
    dst = all_edges[:, 1]
    lab = all_edges[:, 2]

    idx_1 = (lab == 0)
    idx_2 = (lab == 1)
    idx_3 = (lab == 2)
    idx_4 = (lab == 3)

    ph_src = jnp.take(ph_outputs, src, axis=0)
    ph_dst = jnp.take(ph_outputs, dst, axis=0)
    am_src = jnp.take(am_outputs, src, axis=0)
    am_dst = jnp.take(am_outputs, dst, axis=0)

    diff = ph_src - ph_dst
    cos = jnp.cos(diff)
    sin = jnp.sin(diff)
    mul = am_src * am_dst

    real_part = jnp.sum(mul * cos, axis=1)
    img_part = jnp.sum(mul * sin, axis=1)
    bi_predict = jnp.sum(mul, axis=1)

    ex_target = jnp.where(idx_4, 0.0, 1.0).astype(jnp.float32)
    exist_loss = _bce_with_logits_mean(bi_predict, ex_target)

    p0 = -jnp.sqrt(real_part ** 2 + (img_part + 1.0) ** 2)
    p1 = -jnp.sqrt(real_part ** 2 + (img_part - 1.0) ** 2)
    p2 = -jnp.sqrt((real_part - 1.0) ** 2 + img_part ** 2)
    p3 = -jnp.sqrt(real_part ** 2 + img_part ** 2)
    predicted_2 = jnp.stack([p0, p1, p2, p3], axis=1)

    di_target = jnp.stack([idx_1, idx_2, idx_3, idx_4], axis=1).astype(jnp.float32)

    # torch CrossEntropyLoss with soft (probability) targets and class weights:
    # l_n = -sum_c w_c * y_{n,c} * log_softmax(x)_{n,c}; mean over batch N
    logp = jax.nn.log_softmax(predicted_2, axis=1)
    ce = jnp.mean(-jnp.sum(CLASS_WEIGHT[None, :] * di_target * logp, axis=1))

    loss = ce + loss_weight * exist_loss
    return loss

if __name__ == "__main__":
    import jax
    _d = setup_inputs()
    print(jax.jit(kernel)(*tuple(_d.values())))

</pallas_src>

<mosaic_0001>
#map = affine_map<(d0, d1) -> (0, 0)>
#map1 = affine_map<(d0, d1) -> (0)>
module attributes {stable_mosaic.version = 14 : i64} {
  func.func @_sc_body(%arg0: i32, %arg1: i32, %arg2: memref<10000x192xf32, #tpu.memory_space<hbm>>, %arg3: memref<640000xi32, #tpu.memory_space<hbm>>, %arg4: memref<320000xf32, #tpu.memory_space<hbm>>, %arg5: memref<320000xf32, #tpu.memory_space<hbm>>, %arg6: memref<320000xf32, #tpu.memory_space<hbm>>, %arg7: memref<20000xi32, #tpu.memory_space<vmem>>, %arg8: memref<48x192xf32, #tpu.memory_space<vmem>>, %arg9: memref<48x192xf32, #tpu.memory_space<vmem>>, %arg10: memref<48x192xf32, #tpu.memory_space<vmem>>, %arg11: memref<48x192xf32, #tpu.memory_space<vmem>>, %arg12: memref<48x192xf32, #tpu.memory_space<vmem>>, %arg13: memref<48x192xf32, #tpu.memory_space<vmem>>, %arg14: memref<48x192xf32, #tpu.memory_space<vmem>>, %arg15: memref<48x192xf32, #tpu.memory_space<vmem>>, %arg16: memref<10000xf32, #tpu.memory_space<vmem>>, %arg17: memref<10000xf32, #tpu.memory_space<vmem>>, %arg18: memref<10000xf32, #tpu.memory_space<vmem>>, %arg19: memref<!tpu.dma_semaphore, #tpu.memory_space<semaphore_mem>>, %arg20: memref<!tpu.dma_semaphore, #tpu.memory_space<semaphore_mem>>, %arg21: memref<!tpu.dma_semaphore, #tpu.memory_space<semaphore_mem>>, %arg22: memref<!tpu.dma_semaphore, #tpu.memory_space<semaphore_mem>>, %arg23: memref<!tpu.dma_semaphore, #tpu.memory_space<semaphore_mem>>, %arg24: memref<!tpu.dma_semaphore, #tpu.memory_space<semaphore_mem>>, %arg25: memref<!tpu.dma_semaphore, #tpu.memory_space<semaphore_mem>>, %arg26: memref<!tpu.dma_semaphore, #tpu.memory_space<semaphore_mem>>) attributes {dimension_semantics = [#tpu.dimension_semantics<core_parallel>, #tpu.dimension_semantics<subcore_parallel>], iteration_bounds = array<i64: 2, 16>, scalar_prefetch = 0 : i64, scratch_operands = 20 : i64, tpu.core_type = #tpu.core_type<sc_vector_subcore>, window_params = [{transform_indices = #map}, {transform_indices = #map1}, {transform_indices = #map1}, {transform_indices = #map1}, {transform_indices = #map1}]} {
    %mul3A = arith.constant 2 : i32
    %mul3A_0 = arith.muli %arg1, %mul3A : i32
    %add3A = arith.addi %mul3A_0, %arg0 : i32
    %iota3A = tpu.iota {dimensions = array<i32: 0>} : vector<16xi32>
    %mul3A_1 = arith.constant 2 : i32
    %mul3A_2 = arith.muli %add3A, %mul3A_1 : i32
    %mul3A_3 = arith.constant 10000 : i32
    %mul3A_4 = arith.muli %mul3A_2, %mul3A_3 : i32
    "tpu.region"() ({
      %run_scoped3A = tpu.sem_alloc : memref<!tpu.dma_semaphore, #tpu.memory_space<semaphore_mem>>
      %dma_start3A_102 = tpu.memref_slice %arg3[%mul3A_4] : memref<640000xi32, #tpu.memory_space<hbm>> -> memref<20000xi32, #tpu.memory_space<hbm>>
      %dma_start3A_103 = tpu.memref_slice %arg3[%mul3A_4] : memref<640000xi32, #tpu.memory_space<hbm>> -> memref<20000xi32, #tpu.memory_space<hbm>>
      tpu.enqueue_dma source(%dma_start3A_103 : memref<20000xi32, #tpu.memory_space<hbm>>) target(%arg7 : memref<20000xi32, #tpu.memory_space<vmem>>) target_semaphore(%run_scoped3A : memref<!tpu.dma_semaphore, #tpu.memory_space<semaphore_mem>>)
      %dma_wait3A_104 = tpu.memref_slice %arg3[%mul3A_4] : memref<640000xi32, #tpu.memory_space<hbm>> -> memref<20000xi32, #tpu.memory_space<hbm>>
      %dma_wait3A_105 = tpu.memref_slice %arg3[%mul3A_4] : memref<640000xi32, #tpu.memory_space<hbm>> -> memref<20000xi32, #tpu.memory_space<hbm>>
      tpu.wait_dma2 semaphore(%run_scoped3A : memref<!tpu.dma_semaphore, #tpu.memory_space<semaphore_mem>>) src(%dma_wait3A_105 : memref<20000xi32, #tpu.memory_space<hbm>>) dst(%arg7 : memref<20000xi32, #tpu.memory_space<vmem>>)
      tpu.yield
    }) : () -> ()
    %dma_start3A = arith.constant 0 : i32
    %dma_start3A_5 = arith.constant 0 : i32
    %dma_start3A_6 = tpu.memref_slice %arg8[%dma_start3A, %dma_start3A_5] : memref<48x192xf32, #tpu.memory_space<vmem>> -> memref<48x192xf32, #tpu.memory_space<vmem>>
    %dma_start3A_7 = arith.constant 0 : i32
    %dma_start3A_8 = tpu.memref_slice %arg7[%dma_start3A_7] : memref<20000xi32, #tpu.memory_space<vmem>> -> memref<48xi32, #tpu.memory_space<vmem>>
    %dma_start3A_9 = arith.constant 0 : i32
    %dma_start3A_10 = arith.constant 0 : i32
    %dma_start3A_11 = tpu.memref_slice %arg2[%dma_start3A_9, %dma_start3A_10] : memref<10000x192xf32, #tpu.memory_space<hbm>> -> memref<10000x192xf32, #tpu.memory_space<hbm>>
    tpu.enqueue_indirect_dma source(%dma_start3A_11 : memref<10000x192xf32, #tpu.memory_space<hbm>>) target(%dma_start3A_6 : memref<48x192xf32, #tpu.memory_space<vmem>>) offsets(%dma_start3A_8 : memref<48xi32, #tpu.memory_space<vmem>>) semaphore(%arg19 : memref<!tpu.dma_semaphore, #tpu.memory_space<semaphore_mem>>)
    %dma_start3A_12 = arith.constant 0 : i32
    %dma_start3A_13 = arith.constant 0 : i32
    %dma_start3A_14 = tpu.memref_slice %arg12[%dma_start3A_12, %dma_start3A_13] : memref<48x192xf32, #tpu.memory_space<vmem>> -> memref<48x192xf32, #tpu.memory_space<vmem>>
    %dma_start3A_15 = arith.constant 48 : i32
    %dma_start3A_16 = tpu.memref_slice %arg7[%dma_start3A_15] : memref<20000xi32, #tpu.memory_space<vmem>> -> memref<48xi32, #tpu.memory_space<vmem>>
    %dma_start3A_17 = arith.constant 0 : i32
    %dma_start3A_18 = arith.constant 0 : i32
    %dma_start3A_19 = tpu.memref_slice %arg2[%dma_start3A_17, %dma_start3A_18] : memref<10000x192xf32, #tpu.memory_space<hbm>> -> memref<10000x192xf32, #tpu.memory_space<hbm>>
    tpu.enqueue_indirect_dma source(%dma_start3A_19 : memref<10000x192xf32, #tpu.memory_space<hbm>>) target(%dma_start3A_14 : memref<48x192xf32, #tpu.memory_space<vmem>>) offsets(%dma_start3A_16 : memref<48xi32, #tpu.memory_space<vmem>>) semaphore(%arg23 : memref<!tpu.dma_semaphore, #tpu.memory_space<semaphore_mem>>)
    %dma_start3A_20 = arith.constant 0 : i32
    %dma_start3A_21 = arith.constant 0 : i32
    %dma_start3A_22 = tpu.memref_slice %arg9[%dma_start3A_20, %dma_start3A_21] : memref<48x192xf32, #tpu.memory_space<vmem>> -> memref<48x192xf32, #tpu.memory_space<vmem>>
    %dma_start3A_23 = arith.constant 96 : i32
    %dma_start3A_24 = tpu.memref_slice %arg7[%dma_start3A_23] : memref<20000xi32, #tpu.memory_space<vmem>> -> memref<48xi32, #tpu.memory_space<vmem>>
    %dma_start3A_25 = arith.constant 0 : i32
    %dma_start3A_26 = arith.constant 0 : i32
    %dma_start3A_27 = tpu.memref_slice %arg2[%dma_start3A_25, %dma_start3A_26] : memref<10000x192xf32, #tpu.memory_space<hbm>> -> memref<10000x192xf32, #tpu.memory_space<hbm>>
    tpu.enqueue_indirect_dma source(%dma_start3A_27 : memref<10000x192xf32, #tpu.memory_space<hbm>>) target(%dma_start3A_22 : memref<48x192xf32, #tpu.memory_space<vmem>>) offsets(%dma_start3A_24 : memref<48xi32, #tpu.memory_space<vmem>>) semaphore(%arg20 : memref<!tpu.dma_semaphore, #tpu.memory_space<semaphore_mem>>)
    %dma_start3A_28 = arith.constant 0 : i32
    %dma_start3A_29 = arith.constant 0 : i32
    %dma_start3A_30 = tpu.memref_slice %arg13[%dma_start3A_28, %dma_start3A_29] : memref<48x192xf32, #tpu.memory_space<vmem>> -> memref<48x192xf32, #tpu.memory_space<vmem>>
    %dma_start3A_31 = arith.constant 144 : i32
    %dma_start3A_32 = tpu.memref_slice %arg7[%dma_start3A_31] : memref<20000xi32, #tpu.memory_space<vmem>> -> memref<48xi32, #tpu.memory_space<vmem>>
    %dma_start3A_33 = arith.constant 0 : i32
    %dma_start3A_34 = arith.constant 0 : i32
    %dma_start3A_35 = tpu.memref_slice %arg2[%dma_start3A_33, %dma_start3A_34] : memref<10000x192xf32, #tpu.memory_space<hbm>> -> memref<10000x192xf32, #tpu.memory_space<hbm>>
    tpu.enqueue_indirect_dma source(%dma_start3A_35 : memref<10000x192xf32, #tpu.memory_space<hbm>>) target(%dma_start3A_30 : memref<48x192xf32, #tpu.memory_space<vmem>>) offsets(%dma_start3A_32 : memref<48xi32, #tpu.memory_space<vmem>>) semaphore(%arg24 : memref<!tpu.dma_semaphore, #tpu.memory_space<semaphore_mem>>)
    %dma_start3A_36 = arith.constant 0 : i32
    %dma_start3A_37 = arith.constant 0 : i32
    %dma_start3A_38 = tpu.memref_slice %arg10[%dma_start3A_36, %dma_start3A_37] : memref<48x192xf32, #tpu.memory_space<vmem>> -> memref<48x192xf32, #tpu.memory_space<vmem>>
    %dma_start3A_39 = arith.constant 192 : i32
    %dma_start3A_40 = tpu.memref_slice %arg7[%dma_start3A_39] : memref<20000xi32, #tpu.memory_space<vmem>> -> memref<48xi32, #tpu.memory_space<vmem>>
    %dma_start3A_41 = arith.constant 0 : i32
    %dma_start3A_42 = arith.constant 0 : i32
    %dma_start3A_43 = tpu.memref_slice %arg2[%dma_start3A_41, %dma_start3A_42] : memref<10000x192xf32, #tpu.memory_space<hbm>> -> memref<10000x192xf32, #tpu.memory_space<hbm>>
    tpu.enqueue_indirect_dma source(%dma_start3A_43 : memref<10000x192xf32, #tpu.memory_space<hbm>>) target(%dma_start3A_38 : memref<48x192xf32, #tpu.memory_space<vmem>>) offsets(%dma_start3A_40 : memref<48xi32, #tpu.memory_space<vmem>>) semaphore(%arg21 : memref<!tpu.dma_semaphore, #tpu.memory_space<semaphore_mem>>)
    %dma_start3A_44 = arith.constant 0 : i32
    %dma_start3A_45 = arith.constant 0 : i32
    %dma_start3A_46 = tpu.memref_slice %arg14[%dma_start3A_44, %dma_start3A_45] : memref<48x192xf32, #tpu.memory_space<vmem>> -> memref<48x192xf32, #tpu.memory_space<vmem>>
    %dma_start3A_47 = arith.constant 240 : i32
    %dma_start3A_48 = tpu.memref_slice %arg7[%dma_start3A_47] : memref<20000xi32, #tpu.memory_space<vmem>> -> memref<48xi32, #tpu.memory_space<vmem>>
    %dma_start3A_49 = arith.constant 0 : i32
    %dma_start3A_50 = arith.constant 0 : i32
    %dma_start3A_51 = tpu.memref_slice %arg2[%dma_start3A_49, %dma_start3A_50] : memref<10000x192xf32, #tpu.memory_space<hbm>> -> memref<10000x192xf32, #tpu.memory_space<hbm>>
    tpu.enqueue_indirect_dma source(%dma_start3A_51 : memref<10000x192xf32, #tpu.memory_space<hbm>>) target(%dma_start3A_46 : memref<48x192xf32, #tpu.memory_space<vmem>>) offsets(%dma_start3A_48 : memref<48xi32, #tpu.memory_space<vmem>>) semaphore(%arg25 : memref<!tpu.dma_semaphore, #tpu.memory_space<semaphore_mem>>)
    %dma_start3A_52 = arith.constant 0 : i32
    %dma_start3A_53 = arith.constant 0 : i32
    %dma_start3A_54 = tpu.memref_slice %arg11[%dma_start3A_52, %dma_start3A_53] : memref<48x192xf32, #tpu.memory_space<vmem>> -> memref<48x192xf32, #tpu.memory_space<vmem>>
    %dma_start3A_55 = arith.constant 288 : i32
    %dma_start3A_56 = tpu.memref_slice %arg7[%dma_start3A_55] : memref<20000xi32, #tpu.memory_space<vmem>> -> memref<48xi32, #tpu.memory_space<vmem>>
    %dma_start3A_57 = arith.constant 0 : i32
    %dma_start3A_58 = arith.constant 0 : i32
    %dma_start3A_59 = tpu.memref_slice %arg2[%dma_start3A_57, %dma_start3A_58] : memref<10000x192xf32, #tpu.memory_space<hbm>> -> memref<10000x192xf32, #tpu.memory_space<hbm>>
    tpu.enqueue_indirect_dma source(%dma_start3A_59 : memref<10000x192xf32, #tpu.memory_space<hbm>>) target(%dma_start3A_54 : memref<48x192xf32, #tpu.memory_space<vmem>>) offsets(%dma_start3A_56 : memref<48xi32, #tpu.memory_space<vmem>>) semaphore(%arg22 : memref<!tpu.dma_semaphore, #tpu.memory_space<semaphore_mem>>)
    %dma_start3A_60 = arith.constant 0 : i32
    %dma_start3A_61 = arith.constant 0 : i32
    %dma_start3A_62 = tpu.memref_slice %arg15[%dma_start3A_60, %dma_start3A_61] : memref<48x192xf32, #tpu.memory_space<vmem>> -> memref<48x192xf32, #tpu.memory_space<vmem>>
    %dma_start3A_63 = arith.constant 336 : i32
    %dma_start3A_64 = tpu.memref_slice %arg7[%dma_start3A_63] : memref<20000xi32, #tpu.memory_space<vmem>> -> memref<48xi32, #tpu.memory_space<vmem>>
    %dma_start3A_65 = arith.constant 0 : i32
    %dma_start3A_66 = arith.constant 0 : i32
    %dma_start3A_67 = tpu.memref_slice %arg2[%dma_start3A_65, %dma_start3A_66] : memref<10000x192xf32, #tpu.memory_space<hbm>> -> memref<10000x192xf32, #tpu.memory_space<hbm>>
    tpu.enqueue_indirect_dma source(%dma_start3A_67 : memref<10000x192xf32, #tpu.memory_space<hbm>>) target(%dma_start3A_62 : memref<48x192xf32, #tpu.memory_space<vmem>>) offsets(%dma_start3A_64 : memref<48xi32, #tpu.memory_space<vmem>>) semaphore(%arg26 : memref<!tpu.dma_semaphore, #tpu.memory_space<semaphore_mem>>)
    %scan3A = arith.constant 0 : i32
    %scan3A_68 = arith.constant 0 : i32
    %scan3A_69 = arith.constant 52 : i32
    %scan3A_70 = arith.addi %scan3A_68, %scan3A_69 : i32
    %scan3A_71 = arith.constant 1 : i32
    scf.for %scan3A_102 = %scan3A_68 to %scan3A_70 step %scan3A_71  : i32 {
      %mul3A_103 = arith.constant 4 : i32
      %mul3A_104 = arith.muli %mul3A_103, %scan3A_102 : i32
      %add3A_105 = arith.constant 0 : i32
      %add3A_106 = arith.addi %mul3A_104, %add3A_105 : i32
      %dma_wait3A_107 = arith.constant 0 : i32
      %dma_wait3A_108 = arith.constant 0 : i32
      %dma_wait3A_109 = tpu.memref_slice %arg8[%dma_wait3A_107, %dma_wait3A_108] : memref<48x192xf32, #tpu.memory_space<vmem>> -> memref<48x192xf32, #tpu.memory_space<vmem>>
      %dma_wait3A_110 = arith.constant 0 : i32
      %dma_wait3A_111 = tpu.memref_slice %arg7[%dma_wait3A_110] : memref<20000xi32, #tpu.memory_space<vmem>> -> memref<48xi32, #tpu.memory_space<vmem>>
      %dma_wait3A_112 = arith.constant 0 : i32
      %dma_wait3A_113 = arith.constant 0 : i32
      %dma_wait3A_114 = tpu.memref_slice %arg2[%dma_wait3A_112, %dma_wait3A_113] : memref<10000x192xf32, #tpu.memory_space<hbm>> -> memref<10000x192xf32, #tpu.memory_space<hbm>>
      tpu.wait_indirect_dma semaphore(%arg19 : memref<!tpu.dma_semaphore, #tpu.memory_space<semaphore_mem>>) src(%dma_wait3A_114 : memref<10000x192xf32, #tpu.memory_space<hbm>>) dst(%dma_wait3A_109 : memref<48x192xf32, #tpu.memory_space<vmem>>)
      %dma_wait3A_115 = arith.constant 0 : i32
      %dma_wait3A_116 = arith.constant 0 : i32
      %dma_wait3A_117 = tpu.memref_slice %arg12[%dma_wait3A_115, %dma_wait3A_116] : memref<48x192xf32, #tpu.memory_space<vmem>> -> memref<48x192xf32, #tpu.memory_space<vmem>>
      %dma_wait3A_118 = arith.constant 0 : i32
      %dma_wait3A_119 = tpu.memref_slice %arg7[%dma_wait3A_118] : memref<20000xi32, #tpu.memory_space<vmem>> -> memref<48xi32, #tpu.memory_space<vmem>>
      %dma_wait3A_120 = arith.constant 0 : i32
      %dma_wait3A_121 = arith.constant 0 : i32
      %dma_wait3A_122 = tpu.memref_slice %arg2[%dma_wait3A_120, %dma_wait3A_121] : memref<10000x192xf32, #tpu.memory_space<hbm>> -> memref<10000x192xf32, #tpu.memory_space<hbm>>
      tpu.wait_indirect_dma semaphore(%arg23 : memref<!tpu.dma_semaphore, #tpu.memory_space<semaphore_mem>>) src(%dma_wait3A_122 : memref<10000x192xf32, #tpu.memory_space<hbm>>) dst(%dma_wait3A_117 : memref<48x192xf32, #tpu.memory_space<vmem>>)
      %add3A_123 = arith.constant 4 : i32
      %add3A_124 = arith.addi %add3A_106, %add3A_123 : i32
      %lt3A = arith.constant 208 : i32
      %lt3A_125 = arith.cmpi slt, %add3A_124, %lt3A : i32
      %convert_element_type3A = arith.extui %lt3A_125 : i1 to i32
      %cond3A = arith.constant 0 : i32
      %cond3A_126 = arith.cmpi ne, %convert_element_type3A, %cond3A : i32
      scf.if %cond3A_126 {
        %mul3A_405 = arith.constant 2 : i32
        %mul3A_406 = arith.muli %add3A_124, %mul3A_405 : i32
        %mul3A_407 = arith.constant 48 : i32
        %mul3A_408 = arith.muli %mul3A_406, %mul3A_407 : i32
        %dma_start3A_409 = arith.constant 0 : i32
        %dma_start3A_410 = arith.constant 0 : i32
        %dma_start3A_411 = tpu.memref_slice %arg8[%dma_start3A_409, %dma_start3A_410] : memref<48x192xf32, #tpu.memory_space<vmem>> -> memref<48x192xf32, #tpu.memory_space<vmem>>
        %dma_start3A_412 = tpu.memref_slice %arg7[%mul3A_408] : memref<20000xi32, #tpu.memory_space<vmem>> -> memref<48xi32, #tpu.memory_space<vmem>>
        %dma_start3A_413 = arith.constant 0 : i32
        %dma_start3A_414 = arith.constant 0 : i32
        %dma_start3A_415 = tpu.memref_slice %arg2[%dma_start3A_413, %dma_start3A_414] : memref<10000x192xf32, #tpu.memory_space<hbm>> -> memref<10000x192xf32, #tpu.memory_space<hbm>>
        tpu.enqueue_indirect_dma source(%dma_start3A_415 : memref<10000x192xf32, #tpu.memory_space<hbm>>) target(%dma_start3A_411 : memref<48x192xf32, #tpu.memory_space<vmem>>) offsets(%dma_start3A_412 : memref<48xi32, #tpu.memory_space<vmem>>) semaphore(%arg19 : memref<!tpu.dma_semaphore, #tpu.memory_space<semaphore_mem>>)
        %add3A_416 = arith.constant 48 : i32
        %add3A_417 = arith.addi %mul3A_408, %add3A_416 : i32
        %dma_start3A_418 = arith.constant 0 : i32
        %dma_start3A_419 = arith.constant 0 : i32
        %dma_start3A_420 = tpu.memref_slice %arg12[%dma_start3A_418, %dma_start3A_419] : memref<48x192xf32, #tpu.memory_space<vmem>> -> memref<48x192xf32, #tpu.memory_space<vmem>>
        %dma_start3A_421 = tpu.memref_slice %arg7[%add3A_417] : memref<20000xi32, #tpu.memory_space<vmem>> -> memref<48xi32, #tpu.memory_space<vmem>>
        %dma_start3A_422 = arith.constant 0 : i32
        %dma_start3A_423 = arith.constant 0 : i32
        %dma_start3A_424 = tpu.memref_slice %arg2[%dma_start3A_422, %dma_start3A_423] : memref<10000x192xf32, #tpu.memory_space<hbm>> -> memref<10000x192xf32, #tpu.memory_space<hbm>>
        tpu.enqueue_indirect_dma source(%dma_start3A_424 : memref<10000x192xf32, #tpu.memory_space<hbm>>) target(%dma_start3A_420 : memref<48x192xf32, #tpu.memory_space<vmem>>) offsets(%dma_start3A_421 : memref<48xi32, #tpu.memory_space<vmem>>) semaphore(%arg23 : memref<!tpu.dma_semaphore, #tpu.memory_space<semaphore_mem>>)
      } else {
      }
      %eq3A = arith.constant 208 : i32
      %eq3A_127 = arith.cmpi eq, %add3A_124, %eq3A : i32
      %convert_element_type3A_128 = arith.extui %eq3A_127 : i1 to i32
      %cond3A_129 = arith.constant 0 : i32
      %cond3A_130 = arith.cmpi ne, %convert_element_type3A_128, %cond3A_129 : i32
      scf.if %cond3A_130 {
        %dma_start3A_405 = arith.constant 0 : i32
        %dma_start3A_406 = arith.constant 0 : i32
        %dma_start3A_407 = tpu.memref_slice %arg8[%dma_start3A_405, %dma_start3A_406] : memref<48x192xf32, #tpu.memory_space<vmem>> -> memref<16x192xf32, #tpu.memory_space<vmem>>
        %dma_start3A_408 = arith.constant 19968 : i32
        %dma_start3A_409 = tpu.memref_slice %arg7[%dma_start3A_408] : memref<20000xi32, #tpu.memory_space<vmem>> -> memref<16xi32, #tpu.memory_space<vmem>>
        %dma_start3A_410 = arith.constant 0 : i32
        %dma_start3A_411 = arith.constant 0 : i32
        %dma_start3A_412 = tpu.memref_slice %arg2[%dma_start3A_410, %dma_start3A_411] : memref<10000x192xf32, #tpu.memory_space<hbm>> -> memref<10000x192xf32, #tpu.memory_space<hbm>>
        tpu.enqueue_indirect_dma source(%dma_start3A_412 : memref<10000x192xf32, #tpu.memory_space<hbm>>) target(%dma_start3A_407 : memref<16x192xf32, #tpu.memory_space<vmem>>) offsets(%dma_start3A_409 : memref<16xi32, #tpu.memory_space<vmem>>) semaphore(%arg19 : memref<!tpu.dma_semaphore, #tpu.memory_space<semaphore_mem>>)
        %dma_start3A_413 = arith.constant 0 : i32
        %dma_start3A_414 = arith.constant 0 : i32
        %dma_start3A_415 = tpu.memref_slice %arg12[%dma_start3A_413, %dma_start3A_414] : memref<48x192xf32, #tpu.memory_space<vmem>> -> memref<16x192xf32, #tpu.memory_space<vmem>>
        %dma_start3A_416 = arith.constant 19984 : i32
        %dma_start3A_417 = tpu.memref_slice %arg7[%dma_start3A_416] : memref<20000xi32, #tpu.memory_space<vmem>> -> memref<16xi32, #tpu.memory_space<vmem>>
        %dma_start3A_418 = arith.constant 0 : i32
        %dma_start3A_419 = arith.constant 0 : i32
        %dma_start3A_420 = tpu.memref_slice %arg2[%dma_start3A_418, %dma_start3A_419] : memref<10000x192xf32, #tpu.memory_space<hbm>> -> memref<10000x192xf32, #tpu.memory_space<hbm>>
        tpu.enqueue_indirect_dma source(%dma_start3A_420 : memref<10000x192xf32, #tpu.memory_space<hbm>>) target(%dma_start3A_415 : memref<16x192xf32, #tpu.memory_space<vmem>>) offsets(%dma_start3A_417 : memref<16xi32, #tpu.memory_space<vmem>>) semaphore(%arg23 : memref<!tpu.dma_semaphore, #tpu.memory_space<semaphore_mem>>)
      } else {
      }
      %mul3A_131 = arith.constant 48 : i32
      %mul3A_132 = arith.muli %add3A_106, %mul3A_131 : i32
      %broadcast_in_dim3A_133 = arith.constant 0.000000e+00 : f32
      %broadcast_in_dim3A_134 = vector.broadcast %broadcast_in_dim3A_133 : f32 to vector<16xf32>
      %scan3A_135 = arith.constant 0 : i32
      %scan3A_136 = arith.constant 64 : i32
      %scan3A_137 = arith.addi %scan3A_135, %scan3A_136 : i32
      %scan3A_138 = arith.constant 2 : i32
      %scan3A_139:9 = scf.for %scan3A_405 = %scan3A_135 to %scan3A_137 step %scan3A_138 iter_args(%scan3A_406 = %broadcast_in_dim3A_134, %scan3A_407 = %broadcast_in_dim3A_134, %scan3A_408 = %broadcast_in_dim3A_134, %scan3A_409 = %broadcast_in_dim3A_134, %scan3A_410 = %broadcast_in_dim3A_134, %scan3A_411 = %broadcast_in_dim3A_134, %scan3A_412 = %broadcast_in_dim3A_134, %scan3A_413 = %broadcast_in_dim3A_134, %scan3A_414 = %broadcast_in_dim3A_134) -> (vector<16xf32>, vector<16xf32>, vector<16xf32>, vector<16xf32>, vector<16xf32>, vector<16xf32>, vector<16xf32>, vector<16xf32>, vector<16xf32>)  : i32 {
        %add3A_415 = vector.broadcast %scan3A_405 : i32 to vector<16xi32>
        %add3A_416 = arith.addi %iota3A, %add3A_415 : vector<16xi32>
        %ge3A = arith.constant 64 : i32
        %ge3A_417 = vector.broadcast %ge3A : i32 to vector<16xi32>
        %ge3A_418 = arith.cmpi sge, %add3A_416, %ge3A_417 : vector<16xi32>
        %sub3A = arith.constant 64 : i32
        %sub3A_419 = vector.broadcast %sub3A : i32 to vector<16xi32>
        %sub3A_420 = arith.subi %add3A_416, %sub3A_419 : vector<16xi32>
        %select_n3A = arith.select %ge3A_418, %sub3A_420, %add3A_416 : vector<16xi1>, vector<16xi32>
        %add3A_421 = arith.constant 64 : i32
        %add3A_422 = vector.broadcast %add3A_421 : i32 to vector<16xi32>
        %add3A_423 = arith.addi %select_n3A, %add3A_422 : vector<16xi32>
        %add3A_424 = arith.constant 128 : i32
        %add3A_425 = vector.broadcast %add3A_424 : i32 to vector<16xi32>
        %add3A_426 = arith.addi %select_n3A, %add3A_425 : vector<16xi32>
        %add3A_427 = arith.constant 0 : i32
        %add3A_428 = vector.broadcast %add3A_427 : i32 to vector<16xi32>
        %add3A_429 = arith.addi %iota3A, %add3A_428 : vector<16xi32>
        %gather3A = tpu.vector_load_idx %arg8[%add3A_429, %select_n3A] : memref<48x192xf32, #tpu.memory_space<vmem>>[vector<16xi32>, vector<16xi32>], vector<16xf32>,
        %bitcast3A = vector.bitcast %gather3A : vector<16xf32> to vector<32xbf16>
        %gather3A_430 = tpu.vector_load_idx %arg12[%add3A_429, %select_n3A] : memref<48x192xf32, #tpu.memory_space<vmem>>[vector<16xi32>, vector<16xi32>], vector<16xf32>,
        %bitcast3A_431 = vector.bitcast %gather3A_430 : vector<16xf32> to vector<32xbf16>
        %gather3A_432 = tpu.vector_load_idx %arg8[%add3A_429, %add3A_423] : memref<48x192xf32, #tpu.memory_space<vmem>>[vector<16xi32>, vector<16xi32>], vector<16xf32>,
        %bitcast3A_433 = vector.bitcast %gather3A_432 : vector<16xf32> to vector<32xbf16>
        %gather3A_434 = tpu.vector_load_idx %arg12[%add3A_429, %add3A_423] : memref<48x192xf32, #tpu.memory_space<vmem>>[vector<16xi32>, vector<16xi32>], vector<16xf32>,
        %bitcast3A_435 = vector.bitcast %gather3A_434 : vector<16xf32> to vector<32xbf16>
        %gather3A_436 = tpu.vector_load_idx %arg8[%add3A_429, %add3A_426] : memref<48x192xf32, #tpu.memory_space<vmem>>[vector<16xi32>, vector<16xi32>], vector<16xf32>,
        %bitcast3A_437 = vector.bitcast %gather3A_436 : vector<16xf32> to vector<32xbf16>
        %gather3A_438 = tpu.vector_load_idx %arg12[%add3A_429, %add3A_426] : memref<48x192xf32, #tpu.memory_space<vmem>>[vector<16xi32>, vector<16xi32>], vector<16xf32>,
        %bitcast3A_439 = vector.bitcast %gather3A_438 : vector<16xf32> to vector<32xbf16>
        %mul3A_440 = arith.mulf %bitcast3A_433, %bitcast3A_435 : vector<32xbf16>
        %mul3A_441 = arith.mulf %bitcast3A_437, %bitcast3A_439 : vector<32xbf16>
        %add3A_442 = arith.addf %mul3A_440, %mul3A_441 : vector<32xbf16>
        %unpack3A = tpu.unpack_subelements %add3A_442, 0 {pack_format = #tpu.pack_format<interleaved>} : vector<32xbf16> -> vector<16xf32>
        %unpack3A_443 = tpu.unpack_subelements %add3A_442, 1 {pack_format = #tpu.pack_format<interleaved>} : vector<32xbf16> -> vector<16xf32>
        %mul3A_444 = arith.mulf %bitcast3A_437, %bitcast3A_435 : vector<32xbf16>
        %mul3A_445 = arith.mulf %bitcast3A_433, %bitcast3A_439 : vector<32xbf16>
        %sub3A_446 = arith.subf %mul3A_444, %mul3A_445 : vector<32xbf16>
        %unpack3A_447 = tpu.unpack_subelements %sub3A_446, 0 {pack_format = #tpu.pack_format<interleaved>} : vector<32xbf16> -> vector<16xf32>
        %unpack3A_448 = tpu.unpack_subelements %sub3A_446, 1 {pack_format = #tpu.pack_format<interleaved>} : vector<32xbf16> -> vector<16xf32>
        %mul3A_449 = arith.mulf %bitcast3A, %bitcast3A_431 : vector<32xbf16>
        %unpack3A_450 = tpu.unpack_subelements %mul3A_449, 0 {pack_format = #tpu.pack_format<interleaved>} : vector<32xbf16> -> vector<16xf32>
        %unpack3A_451 = tpu.unpack_subelements %mul3A_449, 1 {pack_format = #tpu.pack_format<interleaved>} : vector<32xbf16> -> vector<16xf32>
        %add3A_452 = arith.addf %scan3A_406, %unpack3A : vector<16xf32>
        %add3A_453 = arith.addf %add3A_452, %unpack3A_443 : vector<16xf32>
        %add3A_454 = arith.addf %scan3A_407, %unpack3A_447 : vector<16xf32>
        %add3A_455 = arith.addf %add3A_454, %unpack3A_448 : vector<16xf32>
        %add3A_456 = arith.addf %scan3A_408, %unpack3A_450 : vector<16xf32>
        %add3A_457 = arith.addf %add3A_456, %unpack3A_451 : vector<16xf32>
        %add3A_458 = arith.constant 16 : i32
        %add3A_459 = vector.broadcast %add3A_458 : i32 to vector<16xi32>
        %add3A_460 = arith.addi %iota3A, %add3A_459 : vector<16xi32>
        %gather3A_461 = tpu.vector_load_idx %arg8[%add3A_460, %select_n3A] : memref<48x192xf32, #tpu.memory_space<vmem>>[vector<16xi32>, vector<16xi32>], vector<16xf32>,
        %bitcast3A_462 = vector.bitcast %gather3A_461 : vector<16xf32> to vector<32xbf16>
        %gather3A_463 = tpu.vector_load_idx %arg12[%add3A_460, %select_n3A] : memref<48x192xf32, #tpu.memory_space<vmem>>[vector<16xi32>, vector<16xi32>], vector<16xf32>,
        %bitcast3A_464 = vector.bitcast %gather3A_463 : vector<16xf32> to vector<32xbf16>
        %gather3A_465 = tpu.vector_load_idx %arg8[%add3A_460, %add3A_423] : memref<48x192xf32, #tpu.memory_space<vmem>>[vector<16xi32>, vector<16xi32>], vector<16xf32>,
        %bitcast3A_466 = vector.bitcast %gather3A_465 : vector<16xf32> to vector<32xbf16>
        %gather3A_467 = tpu.vector_load_idx %arg12[%add3A_460, %add3A_423] : memref<48x192xf32, #tpu.memory_space<vmem>>[vector<16xi32>, vector<16xi32>], vector<16xf32>,
        %bitcast3A_468 = vector.bitcast %gather3A_467 : vector<16xf32> to vector<32xbf16>
        %gather3A_469 = tpu.vector_load_idx %arg8[%add3A_460, %add3A_426] : memref<48x192xf32, #tpu.memory_space<vmem>>[vector<16xi32>, vector<16xi32>], vector<16xf32>,
        %bitcast3A_470 = vector.bitcast %gather3A_469 : vector<16xf32> to vector<32xbf16>
        %gather3A_471 = tpu.vector_load_idx %arg12[%add3A_460, %add3A_426] : memref<48x192xf32, #tpu.memory_space<vmem>>[vector<16xi32>, vector<16xi32>], vector<16xf32>,
        %bitcast3A_472 = vector.bitcast %gather3A_471 : vector<16xf32> to vector<32xbf16>
        %mul3A_473 = arith.mulf %bitcast3A_466, %bitcast3A_468 : vector<32xbf16>
        %mul3A_474 = arith.mulf %bitcast3A_470, %bitcast3A_472 : vector<32xbf16>
        %add3A_475 = arith.addf %mul3A_473, %mul3A_474 : vector<32xbf16>
        %unpack3A_476 = tpu.unpack_subelements %add3A_475, 0 {pack_format = #tpu.pack_format<interleaved>} : vector<32xbf16> -> vector<16xf32>
        %unpack3A_477 = tpu.unpack_subelements %add3A_475, 1 {pack_format = #tpu.pack_format<interleaved>} : vector<32xbf16> -> vector<16xf32>
        %mul3A_478 = arith.mulf %bitcast3A_470, %bitcast3A_468 : vector<32xbf16>
        %mul3A_479 = arith.mulf %bitcast3A_466, %bitcast3A_472 : vector<32xbf16>
        %sub3A_480 = arith.subf %mul3A_478, %mul3A_479 : vector<32xbf16>
        %unpack3A_481 = tpu.unpack_subelements %sub3A_480, 0 {pack_format = #tpu.pack_format<interleaved>} : vector<32xbf16> -> vector<16xf32>
        %unpack3A_482 = tpu.unpack_subelements %sub3A_480, 1 {pack_format = #tpu.pack_format<interleaved>} : vector<32xbf16> -> vector<16xf32>
        %mul3A_483 = arith.mulf %bitcast3A_462, %bitcast3A_464 : vector<32xbf16>
        %unpack3A_484 = tpu.unpack_subelements %mul3A_483, 0 {pack_format = #tpu.pack_format<interleaved>} : vector<32xbf16> -> vector<16xf32>
        %unpack3A_485 = tpu.unpack_subelements %mul3A_483, 1 {pack_format = #tpu.pack_format<interleaved>} : vector<32xbf16> -> vector<16xf32>
        %add3A_486 = arith.addf %scan3A_409, %unpack3A_476 : vector<16xf32>
        %add3A_487 = arith.addf %add3A_486, %unpack3A_477 : vector<16xf32>
        %add3A_488 = arith.addf %scan3A_410, %unpack3A_481 : vector<16xf32>
        %add3A_489 = arith.addf %add3A_488, %unpack3A_482 : vector<16xf32>
        %add3A_490 = arith.addf %scan3A_411, %unpack3A_484 : vector<16xf32>
        %add3A_491 = arith.addf %add3A_490, %unpack3A_485 : vector<16xf32>
        %add3A_492 = arith.constant 32 : i32
        %add3A_493 = vector.broadcast %add3A_492 : i32 to vector<16xi32>
        %add3A_494 = arith.addi %iota3A, %add3A_493 : vector<16xi32>
        %gather3A_495 = tpu.vector_load_idx %arg8[%add3A_494, %select_n3A] : memref<48x192xf32, #tpu.memory_space<vmem>>[vector<16xi32>, vector<16xi32>], vector<16xf32>,
        %bitcast3A_496 = vector.bitcast %gather3A_495 : vector<16xf32> to vector<32xbf16>
        %gather3A_497 = tpu.vector_load_idx %arg12[%add3A_494, %select_n3A] : memref<48x192xf32, #tpu.memory_space<vmem>>[vector<16xi32>, vector<16xi32>], vector<16xf32>,
        %bitcast3A_498 = vector.bitcast %gather3A_497 : vector<16xf32> to vector<32xbf16>
        %gather3A_499 = tpu.vector_load_idx %arg8[%add3A_494, %add3A_423] : memref<48x192xf32, #tpu.memory_space<vmem>>[vector<16xi32>, vector<16xi32>], vector<16xf32>,
        %bitcast3A_500 = vector.bitcast %gather3A_499 : vector<16xf32> to vector<32xbf16>
        %gather3A_501 = tpu.vector_load_idx %arg12[%add3A_494, %add3A_423] : memref<48x192xf32, #tpu.memory_space<vmem>>[vector<16xi32>, vector<16xi32>], vector<16xf32>,
        %bitcast3A_502 = vector.bitcast %gather3A_501 : vector<16xf32> to vector<32xbf16>
        %gather3A_503 = tpu.vector_load_idx %arg8[%add3A_494, %add3A_426] : memref<48x192xf32, #tpu.memory_space<vmem>>[vector<16xi32>, vector<16xi32>], vector<16xf32>,
        %bitcast3A_504 = vector.bitcast %gather3A_503 : vector<16xf32> to vector<32xbf16>
        %gather3A_505 = tpu.vector_load_idx %arg12[%add3A_494, %add3A_426] : memref<48x192xf32, #tpu.memory_space<vmem>>[vector<16xi32>, vector<16xi32>], vector<16xf32>,
        %bitcast3A_506 = vector.bitcast %gather3A_505 : vector<16xf32> to vector<32xbf16>
        %mul3A_507 = arith.mulf %bitcast3A_500, %bitcast3A_502 : vector<32xbf16>
        %mul3A_508 = arith.mulf %bitcast3A_504, %bitcast3A_506 : vector<32xbf16>
        %add3A_509 = arith.addf %mul3A_507, %mul3A_508 : vector<32xbf16>
        %unpack3A_510 = tpu.unpack_subelements %add3A_509, 0 {pack_format = #tpu.pack_format<interleaved>} : vector<32xbf16> -> vector<16xf32>
        %unpack3A_511 = tpu.unpack_subelements %add3A_509, 1 {pack_format = #tpu.pack_format<interleaved>} : vector<32xbf16> -> vector<16xf32>
        %mul3A_512 = arith.mulf %bitcast3A_504, %bitcast3A_502 : vector<32xbf16>
        %mul3A_513 = arith.mulf %bitcast3A_500, %bitcast3A_506 : vector<32xbf16>
        %sub3A_514 = arith.subf %mul3A_512, %mul3A_513 : vector<32xbf16>
        %unpack3A_515 = tpu.unpack_subelements %sub3A_514, 0 {pack_format = #tpu.pack_format<interleaved>} : vector<32xbf16> -> vector<16xf32>
        %unpack3A_516 = tpu.unpack_subelements %sub3A_514, 1 {pack_format = #tpu.pack_format<interleaved>} : vector<32xbf16> -> vector<16xf32>
        %mul3A_517 = arith.mulf %bitcast3A_496, %bitcast3A_498 : vector<32xbf16>
        %unpack3A_518 = tpu.unpack_subelements %mul3A_517, 0 {pack_format = #tpu.pack_format<interleaved>} : vector<32xbf16> -> vector<16xf32>
        %unpack3A_519 = tpu.unpack_subelements %mul3A_517, 1 {pack_format = #tpu.pack_format<interleaved>} : vector<32xbf16> -> vector<16xf32>
        %add3A_520 = arith.addf %scan3A_412, %unpack3A_510 : vector<16xf32>
        %add3A_521 = arith.addf %add3A_520, %unpack3A_511 : vector<16xf32>
        %add3A_522 = arith.addf %scan3A_413, %unpack3A_515 : vector<16xf32>
        %add3A_523 = arith.addf %add3A_522, %unpack3A_516 : vector<16xf32>
        %add3A_524 = arith.addf %scan3A_414, %unpack3A_518 : vector<16xf32>
        %add3A_525 = arith.addf %add3A_524, %unpack3A_519 : vector<16xf32>
        %scan3A_526 = arith.constant 1 : i32
        %scan3A_527 = arith.addi %scan3A_405, %scan3A_526 : i32
        %add3A_528 = vector.broadcast %scan3A_527 : i32 to vector<16xi32>
        %add3A_529 = arith.addi %iota3A, %add3A_528 : vector<16xi32>
        %ge3A_530 = arith.constant 64 : i32
        %ge3A_531 = vector.broadcast %ge3A_530 : i32 to vector<16xi32>
        %ge3A_532 = arith.cmpi sge, %add3A_529, %ge3A_531 : vector<16xi32>
        %sub3A_533 = arith.constant 64 : i32
        %sub3A_534 = vector.broadcast %sub3A_533 : i32 to vector<16xi32>
        %sub3A_535 = arith.subi %add3A_529, %sub3A_534 : vector<16xi32>
        %select_n3A_536 = arith.select %ge3A_532, %sub3A_535, %add3A_529 : vector<16xi1>, vector<16xi32>
        %add3A_537 = arith.constant 64 : i32
        %add3A_538 = vector.broadcast %add3A_537 : i32 to vector<16xi32>
        %add3A_539 = arith.addi %select_n3A_536, %add3A_538 : vector<16xi32>
        %add3A_540 = arith.constant 128 : i32
        %add3A_541 = vector.broadcast %add3A_540 : i32 to vector<16xi32>
        %add3A_542 = arith.addi %select_n3A_536, %add3A_541 : vector<16xi32>
        %add3A_543 = arith.constant 0 : i32
        %add3A_544 = vector.broadcast %add3A_543 : i32 to vector<16xi32>
        %add3A_545 = arith.addi %iota3A, %add3A_544 : vector<16xi32>
        %gather3A_546 = tpu.vector_load_idx %arg8[%add3A_545, %select_n3A_536] : memref<48x192xf32, #tpu.memory_space<vmem>>[vector<16xi32>, vector<16xi32>], vector<16xf32>,
        %bitcast3A_547 = vector.bitcast %gather3A_546 : vector<16xf32> to vector<32xbf16>
        %gather3A_548 = tpu.vector_load_idx %arg12[%add3A_545, %select_n3A_536] : memref<48x192xf32, #tpu.memory_space<vmem>>[vector<16xi32>, vector<16xi32>], vector<16xf32>,
        %bitcast3A_549 = vector.bitcast %gather3A_548 : vector<16xf32> to vector<32xbf16>
        %gather3A_550 = tpu.vector_load_idx %arg8[%add3A_545, %add3A_539] : memref<48x192xf32, #tpu.memory_space<vmem>>[vector<16xi32>, vector<16xi32>], vector<16xf32>,
        %bitcast3A_551 = vector.bitcast %gather3A_550 : vector<16xf32> to vector<32xbf16>
        %gather3A_552 = tpu.vector_load_idx %arg12[%add3A_545, %add3A_539] : memref<48x192xf32, #tpu.memory_space<vmem>>[vector<16xi32>, vector<16xi32>], vector<16xf32>,
        %bitcast3A_553 = vector.bitcast %gather3A_552 : vector<16xf32> to vector<32xbf16>
        %gather3A_554 = tpu.vector_load_idx %arg8[%add3A_545, %add3A_542] : memref<48x192xf32, #tpu.memory_space<vmem>>[vector<16xi32>, vector<16xi32>], vector<16xf32>,
        %bitcast3A_555 = vector.bitcast %gather3A_554 : vector<16xf32> to vector<32xbf16>
        %gather3A_556 = tpu.vector_load_idx %arg12[%add3A_545, %add3A_542] : memref<48x192xf32, #tpu.memory_space<vmem>>[vector<16xi32>, vector<16xi32>], vector<16xf32>,
        %bitcast3A_557 = vector.bitcast %gather3A_556 : vector<16xf32> to vector<32xbf16>
        %mul3A_558 = arith.mulf %bitcast3A_551, %bitcast3A_553 : vector<32xbf16>
        %mul3A_559 = arith.mulf %bitcast3A_555, %bitcast3A_557 : vector<32xbf16>
        %add3A_560 = arith.addf %mul3A_558, %mul3A_559 : vector<32xbf16>
        %unpack3A_561 = tpu.unpack_subelements %add3A_560, 0 {pack_format = #tpu.pack_format<interleaved>} : vector<32xbf16> -> vector<16xf32>
        %unpack3A_562 = tpu.unpack_subelements %add3A_560, 1 {pack_format = #tpu.pack_format<interleaved>} : vector<32xbf16> -> vector<16xf32>
        %mul3A_563 = arith.mulf %bitcast3A_555, %bitcast3A_553 : vector<32xbf16>
        %mul3A_564 = arith.mulf %bitcast3A_551, %bitcast3A_557 : vector<32xbf16>
        %sub3A_565 = arith.subf %mul3A_563, %mul3A_564 : vector<32xbf16>
        %unpack3A_566 = tpu.unpack_subelements %sub3A_565, 0 {pack_format = #tpu.pack_format<interleaved>} : vector<32xbf16> -> vector<16xf32>
        %unpack3A_567 = tpu.unpack_subelements %sub3A_565, 1 {pack_format = #tpu.pack_format<interleaved>} : vector<32xbf16> -> vector<16xf32>
        %mul3A_568 = arith.mulf %bitcast3A_547, %bitcast3A_549 : vector<32xbf16>
        %unpack3A_569 = tpu.unpack_subelements %mul3A_568, 0 {pack_format = #tpu.pack_format<interleaved>} : vector<32xbf16> -> vector<16xf32>
        %unpack3A_570 = tpu.unpack_subelements %mul3A_568, 1 {pack_format = #tpu.pack_format<interleaved>} : vector<32xbf16> -> vector<16xf32>
        %add3A_571 = arith.addf %add3A_453, %unpack3A_561 : vector<16xf32>
        %add3A_572 = arith.addf %add3A_571, %unpack3A_562 : vector<16xf32>
        %add3A_573 = arith.addf %add3A_455, %unpack3A_566 : vector<16xf32>
        %add3A_574 = arith.addf %add3A_573, %unpack3A_567 : vector<16xf32>
        %add3A_575 = arith.addf %add3A_457, %unpack3A_569 : vector<16xf32>
        %add3A_576 = arith.addf %add3A_575, %unpack3A_570 : vector<16xf32>
        %add3A_577 = arith.constant 16 : i32
        %add3A_578 = vector.broadcast %add3A_577 : i32 to vector<16xi32>
        %add3A_579 = arith.addi %iota3A, %add3A_578 : vector<16xi32>
        %gather3A_580 = tpu.vector_load_idx %arg8[%add3A_579, %select_n3A_536] : memref<48x192xf32, #tpu.memory_space<vmem>>[vector<16xi32>, vector<16xi32>], vector<16xf32>,
        %bitcast3A_581 = vector.bitcast %gather3A_580 : vector<16xf32> to vector<32xbf16>
        %gather3A_582 = tpu.vector_load_idx %arg12[%add3A_579, %select_n3A_536] : memref<48x192xf32, #tpu.memory_space<vmem>>[vector<16xi32>, vector<16xi32>], vector<16xf32>,
        %bitcast3A_583 = vector.bitcast %gather3A_582 : vector<16xf32> to vector<32xbf16>
        %gather3A_584 = tpu.vector_load_idx %arg8[%add3A_579, %add3A_539] : memref<48x192xf32, #tpu.memory_space<vmem>>[vector<16xi32>, vector<16xi32>], vector<16xf32>,
        %bitcast3A_585 = vector.bitcast %gather3A_584 : vector<16xf32> to vector<32xbf16>
        %gather3A_586 = tpu.vector_load_idx %arg12[%add3A_579, %add3A_539] : memref<48x192xf32, #tpu.memory_space<vmem>>[vector<16xi32>, vector<16xi32>], vector<16xf32>,
        %bitcast3A_587 = vector.bitcast %gather3A_586 : vector<16xf32> to vector<32xbf16>
        %gather3A_588 = tpu.vector_load_idx %arg8[%add3A_579, %add3A_542] : memref<48x192xf32, #tpu.memory_space<vmem>>[vector<16xi32>, vector<16xi32>], vector<16xf32>,
        %bitcast3A_589 = vector.bitcast %gather3A_588 : vector<16xf32> to vector<32xbf16>
        %gather3A_590 = tpu.vector_load_idx %arg12[%add3A_579, %add3A_542] : memref<48x192xf32, #tpu.memory_space<vmem>>[vector<16xi32>, vector<16xi32>], vector<16xf32>,
        %bitcast3A_591 = vector.bitcast %gather3A_590 : vector<16xf32> to vector<32xbf16>
        %mul3A_592 = arith.mulf %bitcast3A_585, %bitcast3A_587 : vector<32xbf16>
        %mul3A_593 = arith.mulf %bitcast3A_589, %bitcast3A_591 : vector<32xbf16>
        %add3A_594 = arith.addf %mul3A_592, %mul3A_593 : vector<32xbf16>
        %unpack3A_595 = tpu.unpack_subelements %add3A_594, 0 {pack_format = #tpu.pack_format<interleaved>} : vector<32xbf16> -> vector<16xf32>
        %unpack3A_596 = tpu.unpack_subelements %add3A_594, 1 {pack_format = #tpu.pack_format<interleaved>} : vector<32xbf16> -> vector<16xf32>
        %mul3A_597 = arith.mulf %bitcast3A_589, %bitcast3A_587 : vector<32xbf16>
        %mul3A_598 = arith.mulf %bitcast3A_585, %bitcast3A_591 : vector<32xbf16>
        %sub3A_599 = arith.subf %mul3A_597, %mul3A_598 : vector<32xbf16>
        %unpack3A_600 = tpu.unpack_subelements %sub3A_599, 0 {pack_format = #tpu.pack_format<interleaved>} : vector<32xbf16> -> vector<16xf32>
        %unpack3A_601 = tpu.unpack_subelements %sub3A_599, 1 {pack_format = #tpu.pack_format<interleaved>} : vector<32xbf16> -> vector<16xf32>
        %mul3A_602 = arith.mulf %bitcast3A_581, %bitcast3A_583 : vector<32xbf16>
        %unpack3A_603 = tpu.unpack_subelements %mul3A_602, 0 {pack_format = #tpu.pack_format<interleaved>} : vector<32xbf16> -> vector<16xf32>
        %unpack3A_604 = tpu.unpack_subelements %mul3A_602, 1 {pack_format = #tpu.pack_format<interleaved>} : vector<32xbf16> -> vector<16xf32>
        %add3A_605 = arith.addf %add3A_487, %unpack3A_595 : vector<16xf32>
        %add3A_606 = arith.addf %add3A_605, %unpack3A_596 : vector<16xf32>
        %add3A_607 = arith.addf %add3A_489, %unpack3A_600 : vector<16xf32>
        %add3A_608 = arith.addf %add3A_607, %unpack3A_601 : vector<16xf32>
        %add3A_609 = arith.addf %add3A_491, %unpack3A_603 : vector<16xf32>
        %add3A_610 = arith.addf %add3A_609, %unpack3A_604 : vector<16xf32>
        %add3A_611 = arith.constant 32 : i32
        %add3A_612 = vector.broadcast %add3A_611 : i32 to vector<16xi32>
        %add3A_613 = arith.addi %iota3A, %add3A_612 : vector<16xi32>
        %gather3A_614 = tpu.vector_load_idx %arg8[%add3A_613, %select_n3A_536] : memref<48x192xf32, #tpu.memory_space<vmem>>[vector<16xi32>, vector<16xi32>], vector<16xf32>,
        %bitcast3A_615 = vector.bitcast %gather3A_614 : vector<16xf32> to vector<32xbf16>
        %gather3A_616 = tpu.vector_load_idx %arg12[%add3A_613, %select_n3A_536] : memref<48x192xf32, #tpu.memory_space<vmem>>[vector<16xi32>, vector<16xi32>], vector<16xf32>,
        %bitcast3A_617 = vector.bitcast %gather3A_616 : vector<16xf32> to vector<32xbf16>
        %gather3A_618 = tpu.vector_load_idx %arg8[%add3A_613, %add3A_539] : memref<48x192xf32, #tpu.memory_space<vmem>>[vector<16xi32>, vector<16xi32>], vector<16xf32>,
        %bitcast3A_619 = vector.bitcast %gather3A_618 : vector<16xf32> to vector<32xbf16>
        %gather3A_620 = tpu.vector_load_idx %arg12[%add3A_613, %add3A_539] : memref<48x192xf32, #tpu.memory_space<vmem>>[vector<16xi32>, vector<16xi32>], vector<16xf32>,
        %bitcast3A_621 = vector.bitcast %gather3A_620 : vector<16xf32> to vector<32xbf16>
        %gather3A_622 = tpu.vector_load_idx %arg8[%add3A_613, %add3A_542] : memref<48x192xf32, #tpu.memory_space<vmem>>[vector<16xi32>, vector<16xi32>], vector<16xf32>,
        %bitcast3A_623 = vector.bitcast %gather3A_622 : vector<16xf32> to vector<32xbf16>
        %gather3A_624 = tpu.vector_load_idx %arg12[%add3A_613, %add3A_542] : memref<48x192xf32, #tpu.memory_space<vmem>>[vector<16xi32>, vector<16xi32>], vector<16xf32>,
        %bitcast3A_625 = vector.bitcast %gather3A_624 : vector<16xf32> to vector<32xbf16>
        %mul3A_626 = arith.mulf %bitcast3A_619, %bitcast3A_621 : vector<32xbf16>
        %mul3A_627 = arith.mulf %bitcast3A_623, %bitcast3A_625 : vector<32xbf16>
        %add3A_628 = arith.addf %mul3A_626, %mul3A_627 : vector<32xbf16>
        %unpack3A_629 = tpu.unpack_subelements %add3A_628, 0 {pack_format = #tpu.pack_format<interleaved>} : vector<32xbf16> -> vector<16xf32>
        %unpack3A_630 = tpu.unpack_subelements %add3A_628, 1 {pack_format = #tpu.pack_format<interleaved>} : vector<32xbf16> -> vector<16xf32>
        %mul3A_631 = arith.mulf %bitcast3A_623, %bitcast3A_621 : vector<32xbf16>
        %mul3A_632 = arith.mulf %bitcast3A_619, %bitcast3A_625 : vector<32xbf16>
        %sub3A_633 = arith.subf %mul3A_631, %mul3A_632 : vector<32xbf16>
        %unpack3A_634 = tpu.unpack_subelements %sub3A_633, 0 {pack_format = #tpu.pack_format<interleaved>} : vector<32xbf16> -> vector<16xf32>
        %unpack3A_635 = tpu.unpack_subelements %sub3A_633, 1 {pack_format = #tpu.pack_format<interleaved>} : vector<32xbf16> -> vector<16xf32>
        %mul3A_636 = arith.mulf %bitcast3A_615, %bitcast3A_617 : vector<32xbf16>
        %unpack3A_637 = tpu.unpack_subelements %mul3A_636, 0 {pack_format = #tpu.pack_format<interleaved>} : vector<32xbf16> -> vector<16xf32>
        %unpack3A_638 = tpu.unpack_subelements %mul3A_636, 1 {pack_format = #tpu.pack_format<interleaved>} : vector<32xbf16> -> vector<16xf32>
        %add3A_639 = arith.addf %add3A_521, %unpack3A_629 : vector<16xf32>
        %add3A_640 = arith.addf %add3A_639, %unpack3A_630 : vector<16xf32>
        %add3A_641 = arith.addf %add3A_523, %unpack3A_634 : vector<16xf32>
        %add3A_642 = arith.addf %add3A_641, %unpack3A_635 : vector<16xf32>
        %add3A_643 = arith.addf %add3A_525, %unpack3A_637 : vector<16xf32>
        %add3A_644 = arith.addf %add3A_643, %unpack3A_638 : vector<16xf32>
        scf.yield %add3A_572, %add3A_574, %add3A_576, %add3A_606, %add3A_608, %add3A_610, %add3A_640, %add3A_642, %add3A_644 : vector<16xf32>, vector<16xf32>, vector<16xf32>, vector<16xf32>, vector<16xf32>, vector<16xf32>, vector<16xf32>, vector<16xf32>, vector<16xf32>
      }
      %scan3A_140 = arith.constant 64 : i32
      %add3A_141 = arith.constant 0 : i32
      %add3A_142 = arith.addi %mul3A_132, %add3A_141 : i32
      %swap3A_143 = arith.index_cast %add3A_142 : i32 to index
      %swap3A_144 = tpu.vector_load %arg16[%swap3A_143] {strides = array<i32>} : memref<10000xf32, #tpu.memory_space<vmem>>, vector<16xf32>,
      tpu.vector_store %arg16[%swap3A_143], %scan3A_139#0 {strides = array<i32>} : memref<10000xf32, #tpu.memory_space<vmem>>, vector<16xf32>,
      %add3A_145 = arith.constant 0 : i32
      %add3A_146 = arith.addi %mul3A_132, %add3A_145 : i32
      %swap3A_147 = arith.index_cast %add3A_146 : i32 to index
      %swap3A_148 = tpu.vector_load %arg17[%swap3A_147] {strides = array<i32>} : memref<10000xf32, #tpu.memory_space<vmem>>, vector<16xf32>,
      tpu.vector_store %arg17[%swap3A_147], %scan3A_139#1 {strides = array<i32>} : memref<10000xf32, #tpu.memory_space<vmem>>, vector<16xf32>,
      %add3A_149 = arith.constant 0 : i32
      %add3A_150 = arith.addi %mul3A_132, %add3A_149 : i32
      %swap3A_151 = arith.index_cast %add3A_150 : i32 to index
      %swap3A_152 = tpu.vector_load %arg18[%swap3A_151] {strides = array<i32>} : memref<10000xf32, #tpu.memory_space<vmem>>, vector<16xf32>,
      tpu.vector_store %arg18[%swap3A_151], %scan3A_139#2 {strides = array<i32>} : memref<10000xf32, #tpu.memory_space<vmem>>, vector<16xf32>,
      %add3A_153 = arith.constant 16 : i32
      %add3A_154 = arith.addi %mul3A_132, %add3A_153 : i32
      %swap3A_155 = arith.index_cast %add3A_154 : i32 to index
      %swap3A_156 = tpu.vector_load %arg16[%swap3A_155] {strides = array<i32>} : memref<10000xf32, #tpu.memory_space<vmem>>, vector<16xf32>,
      tpu.vector_store %arg16[%swap3A_155], %scan3A_139#3 {strides = array<i32>} : memref<10000xf32, #tpu.memory_space<vmem>>, vector<16xf32>,
      %add3A_157 = arith.constant 16 : i32
      %add3A_158 = arith.addi %mul3A_132, %add3A_157 : i32
      %swap3A_159 = arith.index_cast %add3A_158 : i32 to index
      %swap3A_160 = tpu.vector_load %arg17[%swap3A_159] {strides = array<i32>} : memref<10000xf32, #tpu.memory_space<vmem>>, vector<16xf32>,
      tpu.vector_store %arg17[%swap3A_159], %scan3A_139#4 {strides = array<i32>} : memref<10000xf32, #tpu.memory_space<vmem>>, vector<16xf32>,
      %add3A_161 = arith.constant 16 : i32
      %add3A_162 = arith.addi %mul3A_132, %add3A_161 : i32
      %swap3A_163 = arith.index_cast %add3A_162 : i32 to index
      %swap3A_164 = tpu.vector_load %arg18[%swap3A_163] {strides = array<i32>} : memref<10000xf32, #tpu.memory_space<vmem>>, vector<16xf32>,
      tpu.vector_store %arg18[%swap3A_163], %scan3A_139#5 {strides = array<i32>} : memref<10000xf32, #tpu.memory_space<vmem>>, vector<16xf32>,
      %add3A_165 = arith.constant 32 : i32
      %add3A_166 = arith.addi %mul3A_132, %add3A_165 : i32
      %swap3A_167 = arith.index_cast %add3A_166 : i32 to index
      %swap3A_168 = tpu.vector_load %arg16[%swap3A_167] {strides = array<i32>} : memref<10000xf32, #tpu.memory_space<vmem>>, vector<16xf32>,
      tpu.vector_store %arg16[%swap3A_167], %scan3A_139#6 {strides = array<i32>} : memref<10000xf32, #tpu.memory_space<vmem>>, vector<16xf32>,
      %add3A_169 = arith.constant 32 : i32
      %add3A_170 = arith.addi %mul3A_132, %add3A_169 : i32
      %swap3A_171 = arith.index_cast %add3A_170 : i32 to index
      %swap3A_172 = tpu.vector_load %arg17[%swap3A_171] {strides = array<i32>} : memref<10000xf32, #tpu.memory_space<vmem>>, vector<16xf32>,
      tpu.vector_store %arg17[%swap3A_171], %scan3A_139#7 {strides = array<i32>} : memref<10000xf32, #tpu.memory_space<vmem>>, vector<16xf32>,
      %add3A_173 = arith.constant 32 : i32
      %add3A_174 = arith.addi %mul3A_132, %add3A_173 : i32
      %swap3A_175 = arith.index_cast %add3A_174 : i32 to index
      %swap3A_176 = tpu.vector_load %arg18[%swap3A_175] {strides = array<i32>} : memref<10000xf32, #tpu.memory_space<vmem>>, vector<16xf32>,
      tpu.vector_store %arg18[%swap3A_175], %scan3A_139#8 {strides = array<i32>} : memref<10000xf32, #tpu.memory_space<vmem>>, vector<16xf32>,
      %add3A_177 = arith.constant 1 : i32
      %add3A_178 = arith.addi %mul3A_104, %add3A_177 : i32
      %dma_wait3A_179 = arith.constant 0 : i32
      %dma_wait3A_180 = arith.constant 0 : i32
      %dma_wait3A_181 = tpu.memref_slice %arg9[%dma_wait3A_179, %dma_wait3A_180] : memref<48x192xf32, #tpu.memory_space<vmem>> -> memref<48x192xf32, #tpu.memory_space<vmem>>
      %dma_wait3A_182 = arith.constant 0 : i32
      %dma_wait3A_183 = tpu.memref_slice %arg7[%dma_wait3A_182] : memref<20000xi32, #tpu.memory_space<vmem>> -> memref<48xi32, #tpu.memory_space<vmem>>
      %dma_wait3A_184 = arith.constant 0 : i32
      %dma_wait3A_185 = arith.constant 0 : i32
      %dma_wait3A_186 = tpu.memref_slice %arg2[%dma_wait3A_184, %dma_wait3A_185] : memref<10000x192xf32, #tpu.memory_space<hbm>> -> memref<10000x192xf32, #tpu.memory_space<hbm>>
      tpu.wait_indirect_dma semaphore(%arg20 : memref<!tpu.dma_semaphore, #tpu.memory_space<semaphore_mem>>) src(%dma_wait3A_186 : memref<10000x192xf32, #tpu.memory_space<hbm>>) dst(%dma_wait3A_181 : memref<48x192xf32, #tpu.memory_space<vmem>>)
      %dma_wait3A_187 = arith.constant 0 : i32
      %dma_wait3A_188 = arith.constant 0 : i32
      %dma_wait3A_189 = tpu.memref_slice %arg13[%dma_wait3A_187, %dma_wait3A_188] : memref<48x192xf32, #tpu.memory_space<vmem>> -> memref<48x192xf32, #tpu.memory_space<vmem>>
      %dma_wait3A_190 = arith.constant 0 : i32
      %dma_wait3A_191 = tpu.memref_slice %arg7[%dma_wait3A_190] : memref<20000xi32, #tpu.memory_space<vmem>> -> memref<48xi32, #tpu.memory_space<vmem>>
      %dma_wait3A_192 = arith.constant 0 : i32
      %dma_wait3A_193 = arith.constant 0 : i32
      %dma_wait3A_194 = tpu.memref_slice %arg2[%dma_wait3A_192, %dma_wait3A_193] : memref<10000x192xf32, #tpu.memory_space<hbm>> -> memref<10000x192xf32, #tpu.memory_space<hbm>>
      tpu.wait_indirect_dma semaphore(%arg24 : memref<!tpu.dma_semaphore, #tpu.memory_space<semaphore_mem>>) src(%dma_wait3A_194 : memref<10000x192xf32, #tpu.memory_space<hbm>>) dst(%dma_wait3A_189 : memref<48x192xf32, #tpu.memory_space<vmem>>)
      %add3A_195 = arith.constant 4 : i32
      %add3A_196 = arith.addi %add3A_178, %add3A_195 : i32
      %lt3A_197 = arith.constant 208 : i32
      %lt3A_198 = arith.cmpi slt, %add3A_196, %lt3A_197 : i32
      %convert_element_type3A_199 = arith.extui %lt3A_198 : i1 to i32
      %cond3A_200 = arith.constant 0 : i32
      %cond3A_201 = arith.cmpi ne, %convert_element_type3A_199, %cond3A_200 : i32
      scf.if %cond3A_201 {
        %mul3A_405 = arith.constant 2 : i32
        %mul3A_406 = arith.muli %add3A_196, %mul3A_405 : i32
        %mul3A_407 = arith.constant 48 : i32
        %mul3A_408 = arith.muli %mul3A_406, %mul3A_407 : i32
        %dma_start3A_409 = arith.constant 0 : i32
        %dma_start3A_410 = arith.constant 0 : i32
        %dma_start3A_411 = tpu.memref_slice %arg9[%dma_start3A_409, %dma_start3A_410] : memref<48x192xf32, #tpu.memory_space<vmem>> -> memref<48x192xf32, #tpu.memory_space<vmem>>
        %dma_start3A_412 = tpu.memref_slice %arg7[%mul3A_408] : memref<20000xi32, #tpu.memory_space<vmem>> -> memref<48xi32, #tpu.memory_space<vmem>>
        %dma_start3A_413 = arith.constant 0 : i32
        %dma_start3A_414 = arith.constant 0 : i32
        %dma_start3A_415 = tpu.memref_slice %arg2[%dma_start3A_413, %dma_start3A_414] : memref<10000x192xf32, #tpu.memory_space<hbm>> -> memref<10000x192xf32, #tpu.memory_space<hbm>>
        tpu.enqueue_indirect_dma source(%dma_start3A_415 : memref<10000x192xf32, #tpu.memory_space<hbm>>) target(%dma_start3A_411 : memref<48x192xf32, #tpu.memory_space<vmem>>) offsets(%dma_start3A_412 : memref<48xi32, #tpu.memory_space<vmem>>) semaphore(%arg20 : memref<!tpu.dma_semaphore, #tpu.memory_space<semaphore_mem>>)
        %add3A_416 = arith.constant 48 : i32
        %add3A_417 = arith.addi %mul3A_408, %add3A_416 : i32
        %dma_start3A_418 = arith.constant 0 : i32
        %dma_start3A_419 = arith.constant 0 : i32
        %dma_start3A_420 = tpu.memref_slice %arg13[%dma_start3A_418, %dma_start3A_419] : memref<48x192xf32, #tpu.memory_space<vmem>> -> memref<48x192xf32, #tpu.memory_space<vmem>>
        %dma_start3A_421 = tpu.memref_slice %arg7[%add3A_417] : memref<20000xi32, #tpu.memory_space<vmem>> -> memref<48xi32, #tpu.memory_space<vmem>>
        %dma_start3A_422 = arith.constant 0 : i32
        %dma_start3A_423 = arith.constant 0 : i32
        %dma_start3A_424 = tpu.memref_slice %arg2[%dma_start3A_422, %dma_start3A_423] : memref<10000x192xf32, #tpu.memory_space<hbm>> -> memref<10000x192xf32, #tpu.memory_space<hbm>>
        tpu.enqueue_indirect_dma source(%dma_start3A_424 : memref<10000x192xf32, #tpu.memory_space<hbm>>) target(%dma_start3A_420 : memref<48x192xf32, #tpu.memory_space<vmem>>) offsets(%dma_start3A_421 : memref<48xi32, #tpu.memory_space<vmem>>) semaphore(%arg24 : memref<!tpu.dma_semaphore, #tpu.memory_space<semaphore_mem>>)
      } else {
      }
      %eq3A_202 = arith.constant 208 : i32
      %eq3A_203 = arith.cmpi eq, %add3A_196, %eq3A_202 : i32
      %convert_element_type3A_204 = arith.extui %eq3A_203 : i1 to i32
      %cond3A_205 = arith.constant 0 : i32
      %cond3A_206 = arith.cmpi ne, %convert_element_type3A_204, %cond3A_205 : i32
      scf.if %cond3A_206 {
        %dma_start3A_405 = arith.constant 0 : i32
        %dma_start3A_406 = arith.constant 0 : i32
        %dma_start3A_407 = tpu.memref_slice %arg9[%dma_start3A_405, %dma_start3A_406] : memref<48x192xf32, #tpu.memory_space<vmem>> -> memref<16x192xf32, #tpu.memory_space<vmem>>
        %dma_start3A_408 = arith.constant 19968 : i32
        %dma_start3A_409 = tpu.memref_slice %arg7[%dma_start3A_408] : memref<20000xi32, #tpu.memory_space<vmem>> -> memref<16xi32, #tpu.memory_space<vmem>>
        %dma_start3A_410 = arith.constant 0 : i32
        %dma_start3A_411 = arith.constant 0 : i32
        %dma_start3A_412 = tpu.memref_slice %arg2[%dma_start3A_410, %dma_start3A_411] : memref<10000x192xf32, #tpu.memory_space<hbm>> -> memref<10000x192xf32, #tpu.memory_space<hbm>>
        tpu.enqueue_indirect_dma source(%dma_start3A_412 : memref<10000x192xf32, #tpu.memory_space<hbm>>) target(%dma_start3A_407 : memref<16x192xf32, #tpu.memory_space<vmem>>) offsets(%dma_start3A_409 : memref<16xi32, #tpu.memory_space<vmem>>) semaphore(%arg20 : memref<!tpu.dma_semaphore, #tpu.memory_space<semaphore_mem>>)
        %dma_start3A_413 = arith.constant 0 : i32
        %dma_start3A_414 = arith.constant 0 : i32
        %dma_start3A_415 = tpu.memref_slice %arg13[%dma_start3A_413, %dma_start3A_414] : memref<48x192xf32, #tpu.memory_space<vmem>> -> memref<16x192xf32, #tpu.memory_space<vmem>>
        %dma_start3A_416 = arith.constant 19984 : i32
        %dma_start3A_417 = tpu.memref_slice %arg7[%dma_start3A_416] : memref<20000xi32, #tpu.memory_space<vmem>> -> memref<16xi32, #tpu.memory_space<vmem>>
        %dma_start3A_418 = arith.constant 0 : i32
        %dma_start3A_419 = arith.constant 0 : i32
        %dma_start3A_420 = tpu.memref_slice %arg2[%dma_start3A_418, %dma_start3A_419] : memref<10000x192xf32, #tpu.memory_space<hbm>> -> memref<10000x192xf32, #tpu.memory_space<hbm>>
        tpu.enqueue_indirect_dma source(%dma_start3A_420 : memref<10000x192xf32, #tpu.memory_space<hbm>>) target(%dma_start3A_415 : memref<16x192xf32, #tpu.memory_space<vmem>>) offsets(%dma_start3A_417 : memref<16xi32, #tpu.memory_space<vmem>>) semaphore(%arg24 : memref<!tpu.dma_semaphore, #tpu.memory_space<semaphore_mem>>)
      } else {
      }
      %mul3A_207 = arith.constant 48 : i32
      %mul3A_208 = arith.muli %add3A_178, %mul3A_207 : i32
      %broadcast_in_dim3A_209 = arith.constant 0.000000e+00 : f32
      %broadcast_in_dim3A_210 = vector.broadcast %broadcast_in_dim3A_209 : f32 to vector<16xf32>
      %scan3A_211 = arith.constant 0 : i32
      %scan3A_212 = arith.constant 64 : i32
      %scan3A_213 = arith.addi %scan3A_211, %scan3A_212 : i32
      %scan3A_214 = arith.constant 2 : i32
      %scan3A_215:9 = scf.for %scan3A_405 = %scan3A_211 to %scan3A_213 step %scan3A_214 iter_args(%scan3A_406 = %broadcast_in_dim3A_210, %scan3A_407 = %broadcast_in_dim3A_210, %scan3A_408 = %broadcast_in_dim3A_210, %scan3A_409 = %broadcast_in_dim3A_210, %scan3A_410 = %broadcast_in_dim3A_210, %scan3A_411 = %broadcast_in_dim3A_210, %scan3A_412 = %broadcast_in_dim3A_210, %scan3A_413 = %broadcast_in_dim3A_210, %scan3A_414 = %broadcast_in_dim3A_210) -> (vector<16xf32>, vector<16xf32>, vector<16xf32>, vector<16xf32>, vector<16xf32>, vector<16xf32>, vector<16xf32>, vector<16xf32>, vector<16xf32>)  : i32 {
        %add3A_415 = vector.broadcast %scan3A_405 : i32 to vector<16xi32>
        %add3A_416 = arith.addi %iota3A, %add3A_415 : vector<16xi32>
        %ge3A = arith.constant 64 : i32
        %ge3A_417 = vector.broadcast %ge3A : i32 to vector<16xi32>
        %ge3A_418 = arith.cmpi sge, %add3A_416, %ge3A_417 : vector<16xi32>
        %sub3A = arith.constant 64 : i32
        %sub3A_419 = vector.broadcast %sub3A : i32 to vector<16xi32>
        %sub3A_420 = arith.subi %add3A_416, %sub3A_419 : vector<16xi32>
        %select_n3A = arith.select %ge3A_418, %sub3A_420, %add3A_416 : vector<16xi1>, vector<16xi32>
        %add3A_421 = arith.constant 64 : i32
        %add3A_422 = vector.broadcast %add3A_421 : i32 to vector<16xi32>
        %add3A_423 = arith.addi %select_n3A, %add3A_422 : vector<16xi32>
        %add3A_424 = arith.constant 128 : i32
        %add3A_425 = vector.broadcast %add3A_424 : i32 to vector<16xi32>
        %add3A_426 = arith.addi %select_n3A, %add3A_425 : vector<16xi32>
        %add3A_427 = arith.constant 0 : i32
        %add3A_428 = vector.broadcast %add3A_427 : i32 to vector<16xi32>
        %add3A_429 = arith.addi %iota3A, %add3A_428 : vector<16xi32>
        %gather3A = tpu.vector_load_idx %arg9[%add3A_429, %select_n3A] : memref<48x192xf32, #tpu.memory_space<vmem>>[vector<16xi32>, vector<16xi32>], vector<16xf32>,
        %bitcast3A = vector.bitcast %gather3A : vector<16xf32> to vector<32xbf16>
        %gather3A_430 = tpu.vector_load_idx %arg13[%add3A_429, %select_n3A] : memref<48x192xf32, #tpu.memory_space<vmem>>[vector<16xi32>, vector<16xi32>], vector<16xf32>,
        %bitcast3A_431 = vector.bitcast %gather3A_430 : vector<16xf32> to vector<32xbf16>
        %gather3A_432 = tpu.vector_load_idx %arg9[%add3A_429, %add3A_423] : memref<48x192xf32, #tpu.memory_space<vmem>>[vector<16xi32>, vector<16xi32>], vector<16xf32>,
        %bitcast3A_433 = vector.bitcast %gather3A_432 : vector<16xf32> to vector<32xbf16>
        %gather3A_434 = tpu.vector_load_idx %arg13[%add3A_429, %add3A_423] : memref<48x192xf32, #tpu.memory_space<vmem>>[vector<16xi32>, vector<16xi32>], vector<16xf32>,
        %bitcast3A_435 = vector.bitcast %gather3A_434 : vector<16xf32> to vector<32xbf16>
        %gather3A_436 = tpu.vector_load_idx %arg9[%add3A_429, %add3A_426] : memref<48x192xf32, #tpu.memory_space<vmem>>[vector<16xi32>, vector<16xi32>], vector<16xf32>,
        %bitcast3A_437 = vector.bitcast %gather3A_436 : vector<16xf32> to vector<32xbf16>
        %gather3A_438 = tpu.vector_load_idx %arg13[%add3A_429, %add3A_426] : memref<48x192xf32, #tpu.memory_space<vmem>>[vector<16xi32>, vector<16xi32>], vector<16xf32>,
        %bitcast3A_439 = vector.bitcast %gather3A_438 : vector<16xf32> to vector<32xbf16>
        %mul3A_440 = arith.mulf %bitcast3A_433, %bitcast3A_435 : vector<32xbf16>
        %mul3A_441 = arith.mulf %bitcast3A_437, %bitcast3A_439 : vector<32xbf16>
        %add3A_442 = arith.addf %mul3A_440, %mul3A_441 : vector<32xbf16>
        %unpack3A = tpu.unpack_subelements %add3A_442, 0 {pack_format = #tpu.pack_format<interleaved>} : vector<32xbf16> -> vector<16xf32>
        %unpack3A_443 = tpu.unpack_subelements %add3A_442, 1 {pack_format = #tpu.pack_format<interleaved>} : vector<32xbf16> -> vector<16xf32>
        %mul3A_444 = arith.mulf %bitcast3A_437, %bitcast3A_435 : vector<32xbf16>
        %mul3A_445 = arith.mulf %bitcast3A_433, %bitcast3A_439 : vector<32xbf16>
        %sub3A_446 = arith.subf %mul3A_444, %mul3A_445 : vector<32xbf16>
        %unpack3A_447 = tpu.unpack_subelements %sub3A_446, 0 {pack_format = #tpu.pack_format<interleaved>} : vector<32xbf16> -> vector<16xf32>
        %unpack3A_448 = tpu.unpack_subelements %sub3A_446, 1 {pack_format = #tpu.pack_format<interleaved>} : vector<32xbf16> -> vector<16xf32>
        %mul3A_449 = arith.mulf %bitcast3A, %bitcast3A_431 : vector<32xbf16>
        %unpack3A_450 = tpu.unpack_subelements %mul3A_449, 0 {pack_format = #tpu.pack_format<interleaved>} : vector<32xbf16> -> vector<16xf32>
        %unpack3A_451 = tpu.unpack_subelements %mul3A_449, 1 {pack_format = #tpu.pack_format<interleaved>} : vector<32xbf16> -> vector<16xf32>
        %add3A_452 = arith.addf %scan3A_406, %unpack3A : vector<16xf32>
        %add3A_453 = arith.addf %add3A_452, %unpack3A_443 : vector<16xf32>
        %add3A_454 = arith.addf %scan3A_407, %unpack3A_447 : vector<16xf32>
        %add3A_455 = arith.addf %add3A_454, %unpack3A_448 : vector<16xf32>
        %add3A_456 = arith.addf %scan3A_408, %unpack3A_450 : vector<16xf32>
        %add3A_457 = arith.addf %add3A_456, %unpack3A_451 : vector<16xf32>
        %add3A_458 = arith.constant 16 : i32
        %add3A_459 = vector.broadcast %add3A_458 : i32 to vector<16xi32>
        %add3A_460 = arith.addi %iota3A, %add3A_459 : vector<16xi32>
        %gather3A_461 = tpu.vector_load_idx %arg9[%add3A_460, %select_n3A] : memref<48x192xf32, #tpu.memory_space<vmem>>[vector<16xi32>, vector<16xi32>], vector<16xf32>,
        %bitcast3A_462 = vector.bitcast %gather3A_461 : vector<16xf32> to vector<32xbf16>
        %gather3A_463 = tpu.vector_load_idx %arg13[%add3A_460, %select_n3A] : memref<48x192xf32, #tpu.memory_space<vmem>>[vector<16xi32>, vector<16xi32>], vector<16xf32>,
        %bitcast3A_464 = vector.bitcast %gather3A_463 : vector<16xf32> to vector<32xbf16>
        %gather3A_465 = tpu.vector_load_idx %arg9[%add3A_460, %add3A_423] : memref<48x192xf32, #tpu.memory_space<vmem>>[vector<16xi32>, vector<16xi32>], vector<16xf32>,
        %bitcast3A_466 = vector.bitcast %gather3A_465 : vector<16xf32> to vector<32xbf16>
        %gather3A_467 = tpu.vector_load_idx %arg13[%add3A_460, %add3A_423] : memref<48x192xf32, #tpu.memory_space<vmem>>[vector<16xi32>, vector<16xi32>], vector<16xf32>,
        %bitcast3A_468 = vector.bitcast %gather3A_467 : vector<16xf32> to vector<32xbf16>
        %gather3A_469 = tpu.vector_load_idx %arg9[%add3A_460, %add3A_426] : memref<48x192xf32, #tpu.memory_space<vmem>>[vector<16xi32>, vector<16xi32>], vector<16xf32>,
        %bitcast3A_470 = vector.bitcast %gather3A_469 : vector<16xf32> to vector<32xbf16>
        %gather3A_471 = tpu.vector_load_idx %arg13[%add3A_460, %add3A_426] : memref<48x192xf32, #tpu.memory_space<vmem>>[vector<16xi32>, vector<16xi32>], vector<16xf32>,
        %bitcast3A_472 = vector.bitcast %gather3A_471 : vector<16xf32> to vector<32xbf16>
        %mul3A_473 = arith.mulf %bitcast3A_466, %bitcast3A_468 : vector<32xbf16>
        %mul3A_474 = arith.mulf %bitcast3A_470, %bitcast3A_472 : vector<32xbf16>
        %add3A_475 = arith.addf %mul3A_473, %mul3A_474 : vector<32xbf16>
        %unpack3A_476 = tpu.unpack_subelements %add3A_475, 0 {pack_format = #tpu.pack_format<interleaved>} : vector<32xbf16> -> vector<16xf32>
        %unpack3A_477 = tpu.unpack_subelements %add3A_475, 1 {pack_format = #tpu.pack_format<interleaved>} : vector<32xbf16> -> vector<16xf32>
        %mul3A_478 = arith.mulf %bitcast3A_470, %bitcast3A_468 : vector<32xbf16>
        %mul3A_479 = arith.mulf %bitcast3A_466, %bitcast3A_472 : vector<32xbf16>
        %sub3A_480 = arith.subf %mul3A_478, %mul3A_479 : vector<32xbf16>
        %unpack3A_481 = tpu.unpack_subelements %sub3A_480, 0 {pack_format = #tpu.pack_format<interleaved>} : vector<32xbf16> -> vector<16xf32>
        %unpack3A_482 = tpu.unpack_subelements %sub3A_480, 1 {pack_format = #tpu.pack_format<interleaved>} : vector<32xbf16> -> vector<16xf32>
        %mul3A_483 = arith.mulf %bitcast3A_462, %bitcast3A_464 : vector<32xbf16>
        %unpack3A_484 = tpu.unpack_subelements %mul3A_483, 0 {pack_format = #tpu.pack_format<interleaved>} : vector<32xbf16> -> vector<16xf32>
        %unpack3A_485 = tpu.unpack_subelements %mul3A_483, 1 {pack_format = #tpu.pack_format<interleaved>} : vector<32xbf16> -> vector<16xf32>
        %add3A_486 = arith.addf %scan3A_409, %unpack3A_476 : vector<16xf32>
        %add3A_487 = arith.addf %add3A_486, %unpack3A_477 : vector<16xf32>
        %add3A_488 = arith.addf %scan3A_410, %unpack3A_481 : vector<16xf32>
        %add3A_489 = arith.addf %add3A_488, %unpack3A_482 : vector<16xf32>
        %add3A_490 = arith.addf %scan3A_411, %unpack3A_484 : vector<16xf32>
        %add3A_491 = arith.addf %add3A_490, %unpack3A_485 : vector<16xf32>
        %add3A_492 = arith.constant 32 : i32
        %add3A_493 = vector.broadcast %add3A_492 : i32 to vector<16xi32>
        %add3A_494 = arith.addi %iota3A, %add3A_493 : vector<16xi32>
        %gather3A_495 = tpu.vector_load_idx %arg9[%add3A_494, %select_n3A] : memref<48x192xf32, #tpu.memory_space<vmem>>[vector<16xi32>, vector<16xi32>], vector<16xf32>,
        %bitcast3A_496 = vector.bitcast %gather3A_495 : vector<16xf32> to vector<32xbf16>
        %gather3A_497 = tpu.vector_load_idx %arg13[%add3A_494, %select_n3A] : memref<48x192xf32, #tpu.memory_space<vmem>>[vector<16xi32>, vector<16xi32>], vector<16xf32>,
        %bitcast3A_498 = vector.bitcast %gather3A_497 : vector<16xf32> to vector<32xbf16>
        %gather3A_499 = tpu.vector_load_idx %arg9[%add3A_494, %add3A_423] : memref<48x192xf32, #tpu.memory_space<vmem>>[vector<16xi32>, vector<16xi32>], vector<16xf32>,
        %bitcast3A_500 = vector.bitcast %gather3A_499 : vector<16xf32> to vector<32xbf16>
        %gather3A_501 = tpu.vector_load_idx %arg13[%add3A_494, %add3A_423] : memref<48x192xf32, #tpu.memory_space<vmem>>[vector<16xi32>, vector<16xi32>], vector<16xf32>,
        %bitcast3A_502 = vector.bitcast %gather3A_501 : vector<16xf32> to vector<32xbf16>
        %gather3A_503 = tpu.vector_load_idx %arg9[%add3A_494, %add3A_426] : memref<48x192xf32, #tpu.memory_space<vmem>>[vector<16xi32>, vector<16xi32>], vector<16xf32>,
        %bitcast3A_504 = vector.bitcast %gather3A_503 : vector<16xf32> to vector<32xbf16>
        %gather3A_505 = tpu.vector_load_idx %arg13[%add3A_494, %add3A_426] : memref<48x192xf32, #tpu.memory_space<vmem>>[vector<16xi32>, vector<16xi32>], vector<16xf32>,
        %bitcast3A_506 = vector.bitcast %gather3A_505 : vector<16xf32> to vector<32xbf16>
        %mul3A_507 = arith.mulf %bitcast3A_500, %bitcast3A_502 : vector<32xbf16>
        %mul3A_508 = arith.mulf %bitcast3A_504, %bitcast3A_506 : vector<32xbf16>
        %add3A_509 = arith.addf %mul3A_507, %mul3A_508 : vector<32xbf16>
        %unpack3A_510 = tpu.unpack_subelements %add3A_509, 0 {pack_format = #tpu.pack_format<interleaved>} : vector<32xbf16> -> vector<16xf32>
        %unpack3A_511 = tpu.unpack_subelements %add3A_509, 1 {pack_format = #tpu.pack_format<interleaved>} : vector<32xbf16> -> vector<16xf32>
        %mul3A_512 = arith.mulf %bitcast3A_504, %bitcast3A_502 : vector<32xbf16>
        %mul3A_513 = arith.mulf %bitcast3A_500, %bitcast3A_506 : vector<32xbf16>
        %sub3A_514 = arith.subf %mul3A_512, %mul3A_513 : vector<32xbf16>
        %unpack3A_515 = tpu.unpack_subelements %sub3A_514, 0 {pack_format = #tpu.pack_format<interleaved>} : vector<32xbf16> -> vector<16xf32>
        %unpack3A_516 = tpu.unpack_subelements %sub3A_514, 1 {pack_format = #tpu.pack_format<interleaved>} : vector<32xbf16> -> vector<16xf32>
        %mul3A_517 = arith.mulf %bitcast3A_496, %bitcast3A_498 : vector<32xbf16>
        %unpack3A_518 = tpu.unpack_subelements %mul3A_517, 0 {pack_format = #tpu.pack_format<interleaved>} : vector<32xbf16> -> vector<16xf32>
        %unpack3A_519 = tpu.unpack_subelements %mul3A_517, 1 {pack_format = #tpu.pack_format<interleaved>} : vector<32xbf16> -> vector<16xf32>
        %add3A_520 = arith.addf %scan3A_412, %unpack3A_510 : vector<16xf32>
        %add3A_521 = arith.addf %add3A_520, %unpack3A_511 : vector<16xf32>
        %add3A_522 = arith.addf %scan3A_413, %unpack3A_515 : vector<16xf32>
        %add3A_523 = arith.addf %add3A_522, %unpack3A_516 : vector<16xf32>
        %add3A_524 = arith.addf %scan3A_414, %unpack3A_518 : vector<16xf32>
        %add3A_525 = arith.addf %add3A_524, %unpack3A_519 : vector<16xf32>
        %scan3A_526 = arith.constant 1 : i32
        %scan3A_527 = arith.addi %scan3A_405, %scan3A_526 : i32
        %add3A_528 = vector.broadcast %scan3A_527 : i32 to vector<16xi32>
        %add3A_529 = arith.addi %iota3A, %add3A_528 : vector<16xi32>
        %ge3A_530 = arith.constant 64 : i32
        %ge3A_531 = vector.broadcast %ge3A_530 : i32 to vector<16xi32>
        %ge3A_532 = arith.cmpi sge, %add3A_529, %ge3A_531 : vector<16xi32>
        %sub3A_533 = arith.constant 64 : i32
        %sub3A_534 = vector.broadcast %sub3A_533 : i32 to vector<16xi32>
        %sub3A_535 = arith.subi %add3A_529, %sub3A_534 : vector<16xi32>
        %select_n3A_536 = arith.select %ge3A_532, %sub3A_535, %add3A_529 : vector<16xi1>, vector<16xi32>
        %add3A_537 = arith.constant 64 : i32
        %add3A_538 = vector.broadcast %add3A_537 : i32 to vector<16xi32>
        %add3A_539 = arith.addi %select_n3A_536, %add3A_538 : vector<16xi32>
        %add3A_540 = arith.constant 128 : i32
        %add3A_541 = vector.broadcast %add3A_540 : i32 to vector<16xi32>
        %add3A_542 = arith.addi %select_n3A_536, %add3A_541 : vector<16xi32>
        %add3A_543 = arith.constant 0 : i32
        %add3A_544 = vector.broadcast %add3A_543 : i32 to vector<16xi32>
        %add3A_545 = arith.addi %iota3A, %add3A_544 : vector<16xi32>
        %gather3A_546 = tpu.vector_load_idx %arg9[%add3A_545, %select_n3A_536] : memref<48x192xf32, #tpu.memory_space<vmem>>[vector<16xi32>, vector<16xi32>], vector<16xf32>,
        %bitcast3A_547 = vector.bitcast %gather3A_546 : vector<16xf32> to vector<32xbf16>
        %gather3A_548 = tpu.vector_load_idx %arg13[%add3A_545, %select_n3A_536] : memref<48x192xf32, #tpu.memory_space<vmem>>[vector<16xi32>, vector<16xi32>], vector<16xf32>,
        %bitcast3A_549 = vector.bitcast %gather3A_548 : vector<16xf32> to vector<32xbf16>
        %gather3A_550 = tpu.vector_load_idx %arg9[%add3A_545, %add3A_539] : memref<48x192xf32, #tpu.memory_space<vmem>>[vector<16xi32>, vector<16xi32>], vector<16xf32>,
        %bitcast3A_551 = vector.bitcast %gather3A_550 : vector<16xf32> to vector<32xbf16>
        %gather3A_552 = tpu.vector_load_idx %arg13[%add3A_545, %add3A_539] : memref<48x192xf32, #tpu.memory_space<vmem>>[vector<16xi32>, vector<16xi32>], vector<16xf32>,
        %bitcast3A_553 = vector.bitcast %gather3A_552 : vector<16xf32> to vector<32xbf16>
        %gather3A_554 = tpu.vector_load_idx %arg9[%add3A_545, %add3A_542] : memref<48x192xf32, #tpu.memory_space<vmem>>[vector<16xi32>, vector<16xi32>], vector<16xf32>,
        %bitcast3A_555 = vector.bitcast %gather3A_554 : vector<16xf32> to vector<32xbf16>
        %gather3A_556 = tpu.vector_load_idx %arg13[%add3A_545, %add3A_542] : memref<48x192xf32, #tpu.memory_space<vmem>>[vector<16xi32>, vector<16xi32>], vector<16xf32>,
        %bitcast3A_557 = vector.bitcast %gather3A_556 : vector<16xf32> to vector<32xbf16>
        %mul3A_558 = arith.mulf %bitcast3A_551, %bitcast3A_553 : vector<32xbf16>
        %mul3A_559 = arith.mulf %bitcast3A_555, %bitcast3A_557 : vector<32xbf16>
        %add3A_560 = arith.addf %mul3A_558, %mul3A_559 : vector<32xbf16>
        %unpack3A_561 = tpu.unpack_subelements %add3A_560, 0 {pack_format = #tpu.pack_format<interleaved>} : vector<32xbf16> -> vector<16xf32>
        %unpack3A_562 = tpu.unpack_subelements %add3A_560, 1 {pack_format = #tpu.pack_format<interleaved>} : vector<32xbf16> -> vector<16xf32>
        %mul3A_563 = arith.mulf %bitcast3A_555, %bitcast3A_553 : vector<32xbf16>
        %mul3A_564 = arith.mulf %bitcast3A_551, %bitcast3A_557 : vector<32xbf16>
        %sub3A_565 = arith.subf %mul3A_563, %mul3A_564 : vector<32xbf16>
        %unpack3A_566 = tpu.unpack_subelements %sub3A_565, 0 {pack_format = #tpu.pack_format<interleaved>} : vector<32xbf16> -> vector<16xf32>
        %unpack3A_567 = tpu.unpack_subelements %sub3A_565, 1 {pack_format = #tpu.pack_format<interleaved>} : vector<32xbf16> -> vector<16xf32>
        %mul3A_568 = arith.mulf %bitcast3A_547, %bitcast3A_549 : vector<32xbf16>
        %unpack3A_569 = tpu.unpack_subelements %mul3A_568, 0 {pack_format = #tpu.pack_format<interleaved>} : vector<32xbf16> -> vector<16xf32>
        %unpack3A_570 = tpu.unpack_subelements %mul3A_568, 1 {pack_format = #tpu.pack_format<interleaved>} : vector<32xbf16> -> vector<16xf32>
        %add3A_571 = arith.addf %add3A_453, %unpack3A_561 : vector<16xf32>
        %add3A_572 = arith.addf %add3A_571, %unpack3A_562 : vector<16xf32>
        %add3A_573 = arith.addf %add3A_455, %unpack3A_566 : vector<16xf32>
        %add3A_574 = arith.addf %add3A_573, %unpack3A_567 : vector<16xf32>
        %add3A_575 = arith.addf %add3A_457, %unpack3A_569 : vector<16xf32>
        %add3A_576 = arith.addf %add3A_575, %unpack3A_570 : vector<16xf32>
        %add3A_577 = arith.constant 16 : i32
        %add3A_578 = vector.broadcast %add3A_577 : i32 to vector<16xi32>
        %add3A_579 = arith.addi %iota3A, %add3A_578 : vector<16xi32>
        %gather3A_580 = tpu.vector_load_idx %arg9[%add3A_579, %select_n3A_536] : memref<48x192xf32, #tpu.memory_space<vmem>>[vector<16xi32>, vector<16xi32>], vector<16xf32>,
        %bitcast3A_581 = vector.bitcast %gather3A_580 : vector<16xf32> to vector<32xbf16>
        %gather3A_582 = tpu.vector_load_idx %arg13[%add3A_579, %select_n3A_536] : memref<48x192xf32, #tpu.memory_space<vmem>>[vector<16xi32>, vector<16xi32>], vector<16xf32>,
        %bitcast3A_583 = vector.bitcast %gather3A_582 : vector<16xf32> to vector<32xbf16>
        %gather3A_584 = tpu.vector_load_idx %arg9[%add3A_579, %add3A_539] : memref<48x192xf32, #tpu.memory_space<vmem>>[vector<16xi32>, vector<16xi32>], vector<16xf32>,
        %bitcast3A_585 = vector.bitcast %gather3A_584 : vector<16xf32> to vector<32xbf16>
        %gather3A_586 = tpu.vector_load_idx %arg13[%add3A_579, %add3A_539] : memref<48x192xf32, #tpu.memory_space<vmem>>[vector<16xi32>, vector<16xi32>], vector<16xf32>,
        %bitcast3A_587 = vector.bitcast %gather3A_586 : vector<16xf32> to vector<32xbf16>
        %gather3A_588 = tpu.vector_load_idx %arg9[%add3A_579, %add3A_542] : memref<48x192xf32, #tpu.memory_space<vmem>>[vector<16xi32>, vector<16xi32>], vector<16xf32>,
        %bitcast3A_589 = vector.bitcast %gather3A_588 : vector<16xf32> to vector<32xbf16>
        %gather3A_590 = tpu.vector_load_idx %arg13[%add3A_579, %add3A_542] : memref<48x192xf32, #tpu.memory_space<vmem>>[vector<16xi32>, vector<16xi32>], vector<16xf32>,
        %bitcast3A_591 = vector.bitcast %gather3A_590 : vector<16xf32> to vector<32xbf16>
        %mul3A_592 = arith.mulf %bitcast3A_585, %bitcast3A_587 : vector<32xbf16>
        %mul3A_593 = arith.mulf %bitcast3A_589, %bitcast3A_591 : vector<32xbf16>
        %add3A_594 = arith.addf %mul3A_592, %mul3A_593 : vector<32xbf16>
        %unpack3A_595 = tpu.unpack_subelements %add3A_594, 0 {pack_format = #tpu.pack_format<interleaved>} : vector<32xbf16> -> vector<16xf32>
        %unpack3A_596 = tpu.unpack_subelements %add3A_594, 1 {pack_format = #tpu.pack_format<interleaved>} : vector<32xbf16> -> vector<16xf32>
        %mul3A_597 = arith.mulf %bitcast3A_589, %bitcast3A_587 : vector<32xbf16>
        %mul3A_598 = arith.mulf %bitcast3A_585, %bitcast3A_591 : vector<32xbf16>
        %sub3A_599 = arith.subf %mul3A_597, %mul3A_598 : vector<32xbf16>
        %unpack3A_600 = tpu.unpack_subelements %sub3A_599, 0 {pack_format = #tpu.pack_format<interleaved>} : vector<32xbf16> -> vector<16xf32>
        %unpack3A_601 = tpu.unpack_subelements %sub3A_599, 1 {pack_format = #tpu.pack_format<interleaved>} : vector<32xbf16> -> vector<16xf32>
        %mul3A_602 = arith.mulf %bitcast3A_581, %bitcast3A_583 : vector<32xbf16>
        %unpack3A_603 = tpu.unpack_subelements %mul3A_602, 0 {pack_format = #tpu.pack_format<interleaved>} : vector<32xbf16> -> vector<16xf32>
        %unpack3A_604 = tpu.unpack_subelements %mul3A_602, 1 {pack_format = #tpu.pack_format<interleaved>} : vector<32xbf16> -> vector<16xf32>
        %add3A_605 = arith.addf %add3A_487, %unpack3A_595 : vector<16xf32>
        %add3A_606 = arith.addf %add3A_605, %unpack3A_596 : vector<16xf32>
        %add3A_607 = arith.addf %add3A_489, %unpack3A_600 : vector<16xf32>
        %add3A_608 = arith.addf %add3A_607, %unpack3A_601 : vector<16xf32>
        %add3A_609 = arith.addf %add3A_491, %unpack3A_603 : vector<16xf32>
        %add3A_610 = arith.addf %add3A_609, %unpack3A_604 : vector<16xf32>
        %add3A_611 = arith.constant 32 : i32
        %add3A_612 = vector.broadcast %add3A_611 : i32 to vector<16xi32>
        %add3A_613 = arith.addi %iota3A, %add3A_612 : vector<16xi32>
        %gather3A_614 = tpu.vector_load_idx %arg9[%add3A_613, %select_n3A_536] : memref<48x192xf32, #tpu.memory_space<vmem>>[vector<16xi32>, vector<16xi32>], vector<16xf32>,
        %bitcast3A_615 = vector.bitcast %gather3A_614 : vector<16xf32> to vector<32xbf16>
        %gather3A_616 = tpu.vector_load_idx %arg13[%add3A_613, %select_n3A_536] : memref<48x192xf32, #tpu.memory_space<vmem>>[vector<16xi32>, vector<16xi32>], vector<16xf32>,
        %bitcast3A_617 = vector.bitcast %gather3A_616 : vector<16xf32> to vector<32xbf16>
        %gather3A_618 = tpu.vector_load_idx %arg9[%add3A_613, %add3A_539] : memref<48x192xf32, #tpu.memory_space<vmem>>[vector<16xi32>, vector<16xi32>], vector<16xf32>,
        %bitcast3A_619 = vector.bitcast %gather3A_618 : vector<16xf32> to vector<32xbf16>
        %gather3A_620 = tpu.vector_load_idx %arg13[%add3A_613, %add3A_539] : memref<48x192xf32, #tpu.memory_space<vmem>>[vector<16xi32>, vector<16xi32>], vector<16xf32>,
        %bitcast3A_621 = vector.bitcast %gather3A_620 : vector<16xf32> to vector<32xbf16>
        %gather3A_622 = tpu.vector_load_idx %arg9[%add3A_613, %add3A_542] : memref<48x192xf32, #tpu.memory_space<vmem>>[vector<16xi32>, vector<16xi32>], vector<16xf32>,
        %bitcast3A_623 = vector.bitcast %gather3A_622 : vector<16xf32> to vector<32xbf16>
        %gather3A_624 = tpu.vector_load_idx %arg13[%add3A_613, %add3A_542] : memref<48x192xf32, #tpu.memory_space<vmem>>[vector<16xi32>, vector<16xi32>], vector<16xf32>,
        %bitcast3A_625 = vector.bitcast %gather3A_624 : vector<16xf32> to vector<32xbf16>
        %mul3A_626 = arith.mulf %bitcast3A_619, %bitcast3A_621 : vector<32xbf16>
        %mul3A_627 = arith.mulf %bitcast3A_623, %bitcast3A_625 : vector<32xbf16>
        %add3A_628 = arith.addf %mul3A_626, %mul3A_627 : vector<32xbf16>
        %unpack3A_629 = tpu.unpack_subelements %add3A_628, 0 {pack_format = #tpu.pack_format<interleaved>} : vector<32xbf16> -> vector<16xf32>
        %unpack3A_630 = tpu.unpack_subelements %add3A_628, 1 {pack_format = #tpu.pack_format<interleaved>} : vector<32xbf16> -> vector<16xf32>
        %mul3A_631 = arith.mulf %bitcast3A_623, %bitcast3A_621 : vector<32xbf16>
        %mul3A_632 = arith.mulf %bitcast3A_619, %bitcast3A_625 : vector<32xbf16>
        %sub3A_633 = arith.subf %mul3A_631, %mul3A_632 : vector<32xbf16>
        %unpack3A_634 = tpu.unpack_subelements %sub3A_633, 0 {pack_format = #tpu.pack_format<interleaved>} : vector<32xbf16> -> vector<16xf32>
        %unpack3A_635 = tpu.unpack_subelements %sub3A_633, 1 {pack_format = #tpu.pack_format<interleaved>} : vector<32xbf16> -> vector<16xf32>
        %mul3A_636 = arith.mulf %bitcast3A_615, %bitcast3A_617 : vector<32xbf16>
        %unpack3A_637 = tpu.unpack_subelements %mul3A_636, 0 {pack_format = #tpu.pack_format<interleaved>} : vector<32xbf16> -> vector<16xf32>
        %unpack3A_638 = tpu.unpack_subelements %mul3A_636, 1 {pack_format = #tpu.pack_format<interleaved>} : vector<32xbf16> -> vector<16xf32>
        %add3A_639 = arith.addf %add3A_521, %unpack3A_629 : vector<16xf32>
        %add3A_640 = arith.addf %add3A_639, %unpack3A_630 : vector<16xf32>
        %add3A_641 = arith.addf %add3A_523, %unpack3A_634 : vector<16xf32>
        %add3A_642 = arith.addf %add3A_641, %unpack3A_635 : vector<16xf32>
        %add3A_643 = arith.addf %add3A_525, %unpack3A_637 : vector<16xf32>
        %add3A_644 = arith.addf %add3A_643, %unpack3A_638 : vector<16xf32>
        scf.yield %add3A_572, %add3A_574, %add3A_576, %add3A_606, %add3A_608, %add3A_610, %add3A_640, %add3A_642, %add3A_644 : vector<16xf32>, vector<16xf32>, vector<16xf32>, vector<16xf32>, vector<16xf32>, vector<16xf32>, vector<16xf32>, vector<16xf32>, vector<16xf32>
      }
      %scan3A_216 = arith.constant 64 : i32
      %add3A_217 = arith.constant 0 : i32
      %add3A_218 = arith.addi %mul3A_208, %add3A_217 : i32
      %swap3A_219 = arith.index_cast %add3A_218 : i32 to index
      %swap3A_220 = tpu.vector_load %arg16[%swap3A_219] {strides = array<i32>} : memref<10000xf32, #tpu.memory_space<vmem>>, vector<16xf32>,
      tpu.vector_store %arg16[%swap3A_219], %scan3A_215#0 {strides = array<i32>} : memref<10000xf32, #tpu.memory_space<vmem>>, vector<16xf32>,
      %add3A_221 = arith.constant 0 : i32
      %add3A_222 = arith.addi %mul3A_208, %add3A_221 : i32
      %swap3A_223 = arith.index_cast %add3A_222 : i32 to index
      %swap3A_224 = tpu.vector_load %arg17[%swap3A_223] {strides = array<i32>} : memref<10000xf32, #tpu.memory_space<vmem>>, vector<16xf32>,
      tpu.vector_store %arg17[%swap3A_223], %scan3A_215#1 {strides = array<i32>} : memref<10000xf32, #tpu.memory_space<vmem>>, vector<16xf32>,
      %add3A_225 = arith.constant 0 : i32
      %add3A_226 = arith.addi %mul3A_208, %add3A_225 : i32
      %swap3A_227 = arith.index_cast %add3A_226 : i32 to index
      %swap3A_228 = tpu.vector_load %arg18[%swap3A_227] {strides = array<i32>} : memref<10000xf32, #tpu.memory_space<vmem>>, vector<16xf32>,
      tpu.vector_store %arg18[%swap3A_227], %scan3A_215#2 {strides = array<i32>} : memref<10000xf32, #tpu.memory_space<vmem>>, vector<16xf32>,
      %add3A_229 = arith.constant 16 : i32
      %add3A_230 = arith.addi %mul3A_208, %add3A_229 : i32
      %swap3A_231 = arith.index_cast %add3A_230 : i32 to index
      %swap3A_232 = tpu.vector_load %arg16[%swap3A_231] {strides = array<i32>} : memref<10000xf32, #tpu.memory_space<vmem>>, vector<16xf32>,
      tpu.vector_store %arg16[%swap3A_231], %scan3A_215#3 {strides = array<i32>} : memref<10000xf32, #tpu.memory_space<vmem>>, vector<16xf32>,
      %add3A_233 = arith.constant 16 : i32
      %add3A_234 = arith.addi %mul3A_208, %add3A_233 : i32
      %swap3A_235 = arith.index_cast %add3A_234 : i32 to index
      %swap3A_236 = tpu.vector_load %arg17[%swap3A_235] {strides = array<i32>} : memref<10000xf32, #tpu.memory_space<vmem>>, vector<16xf32>,
      tpu.vector_store %arg17[%swap3A_235], %scan3A_215#4 {strides = array<i32>} : memref<10000xf32, #tpu.memory_space<vmem>>, vector<16xf32>,
      %add3A_237 = arith.constant 16 : i32
      %add3A_238 = arith.addi %mul3A_208, %add3A_237 : i32
      %swap3A_239 = arith.index_cast %add3A_238 : i32 to index
      %swap3A_240 = tpu.vector_load %arg18[%swap3A_239] {strides = array<i32>} : memref<10000xf32, #tpu.memory_space<vmem>>, vector<16xf32>,
      tpu.vector_store %arg18[%swap3A_239], %scan3A_215#5 {strides = array<i32>} : memref<10000xf32, #tpu.memory_space<vmem>>, vector<16xf32>,
      %add3A_241 = arith.constant 32 : i32
      %add3A_242 = arith.addi %mul3A_208, %add3A_241 : i32
      %swap3A_243 = arith.index_cast %add3A_242 : i32 to index
      %swap3A_244 = tpu.vector_load %arg16[%swap3A_243] {strides = array<i32>} : memref<10000xf32, #tpu.memory_space<vmem>>, vector<16xf32>,
      tpu.vector_store %arg16[%swap3A_243], %scan3A_215#6 {strides = array<i32>} : memref<10000xf32, #tpu.memory_space<vmem>>, vector<16xf32>,
      %add3A_245 = arith.constant 32 : i32
      %add3A_246 = arith.addi %mul3A_208, %add3A_245 : i32
      %swap3A_247 = arith.index_cast %add3A_246 : i32 to index
      %swap3A_248 = tpu.vector_load %arg17[%swap3A_247] {strides = array<i32>} : memref<10000xf32, #tpu.memory_space<vmem>>, vector<16xf32>,
      tpu.vector_store %arg17[%swap3A_247], %scan3A_215#7 {strides = array<i32>} : memref<10000xf32, #tpu.memory_space<vmem>>, vector<16xf32>,
      %add3A_249 = arith.constant 32 : i32
      %add3A_250 = arith.addi %mul3A_208, %add3A_249 : i32
      %swap3A_251 = arith.index_cast %add3A_250 : i32 to index
      %swap3A_252 = tpu.vector_load %arg18[%swap3A_251] {strides = array<i32>} : memref<10000xf32, #tpu.memory_space<vmem>>, vector<16xf32>,
      tpu.vector_store %arg18[%swap3A_251], %scan3A_215#8 {strides = array<i32>} : memref<10000xf32, #tpu.memory_space<vmem>>, vector<16xf32>,
      %add3A_253 = arith.constant 2 : i32
      %add3A_254 = arith.addi %mul3A_104, %add3A_253 : i32
      %dma_wait3A_255 = arith.constant 0 : i32
      %dma_wait3A_256 = arith.constant 0 : i32
      %dma_wait3A_257 = tpu.memref_slice %arg10[%dma_wait3A_255, %dma_wait3A_256] : memref<48x192xf32, #tpu.memory_space<vmem>> -> memref<48x192xf32, #tpu.memory_space<vmem>>
      %dma_wait3A_258 = arith.constant 0 : i32
      %dma_wait3A_259 = tpu.memref_slice %arg7[%dma_wait3A_258] : memref<20000xi32, #tpu.memory_space<vmem>> -> memref<48xi32, #tpu.memory_space<vmem>>
      %dma_wait3A_260 = arith.constant 0 : i32
      %dma_wait3A_261 = arith.constant 0 : i32
      %dma_wait3A_262 = tpu.memref_slice %arg2[%dma_wait3A_260, %dma_wait3A_261] : memref<10000x192xf32, #tpu.memory_space<hbm>> -> memref<10000x192xf32, #tpu.memory_space<hbm>>
      tpu.wait_indirect_dma semaphore(%arg21 : memref<!tpu.dma_semaphore, #tpu.memory_space<semaphore_mem>>) src(%dma_wait3A_262 : memref<10000x192xf32, #tpu.memory_space<hbm>>) dst(%dma_wait3A_257 : memref<48x192xf32, #tpu.memory_space<vmem>>)
      %dma_wait3A_263 = arith.constant 0 : i32
      %dma_wait3A_264 = arith.constant 0 : i32
      %dma_wait3A_265 = tpu.memref_slice %arg14[%dma_wait3A_263, %dma_wait3A_264] : memref<48x192xf32, #tpu.memory_space<vmem>> -> memref<48x192xf32, #tpu.memory_space<vmem>>
      %dma_wait3A_266 = arith.constant 0 : i32
      %dma_wait3A_267 = tpu.memref_slice %arg7[%dma_wait3A_266] : memref<20000xi32, #tpu.memory_space<vmem>> -> memref<48xi32, #tpu.memory_space<vmem>>
      %dma_wait3A_268 = arith.constant 0 : i32
      %dma_wait3A_269 = arith.constant 0 : i32
      %dma_wait3A_270 = tpu.memref_slice %arg2[%dma_wait3A_268, %dma_wait3A_269] : memref<10000x192xf32, #tpu.memory_space<hbm>> -> memref<10000x192xf32, #tpu.memory_space<hbm>>
      tpu.wait_indirect_dma semaphore(%arg25 : memref<!tpu.dma_semaphore, #tpu.memory_space<semaphore_mem>>) src(%dma_wait3A_270 : memref<10000x192xf32, #tpu.memory_space<hbm>>) dst(%dma_wait3A_265 : memref<48x192xf32, #tpu.memory_space<vmem>>)
      %add3A_271 = arith.constant 4 : i32
      %add3A_272 = arith.addi %add3A_254, %add3A_271 : i32
      %lt3A_273 = arith.constant 208 : i32
      %lt3A_274 = arith.cmpi slt, %add3A_272, %lt3A_273 : i32
      %convert_element_type3A_275 = arith.extui %lt3A_274 : i1 to i32
      %cond3A_276 = arith.constant 0 : i32
      %cond3A_277 = arith.cmpi ne, %convert_element_type3A_275, %cond3A_276 : i32
      scf.if %cond3A_277 {
        %mul3A_405 = arith.constant 2 : i32
        %mul3A_406 = arith.muli %add3A_272, %mul3A_405 : i32
        %mul3A_407 = arith.constant 48 : i32
        %mul3A_408 = arith.muli %mul3A_406, %mul3A_407 : i32
        %dma_start3A_409 = arith.constant 0 : i32
        %dma_start3A_410 = arith.constant 0 : i32
        %dma_start3A_411 = tpu.memref_slice %arg10[%dma_start3A_409, %dma_start3A_410] : memref<48x192xf32, #tpu.memory_space<vmem>> -> memref<48x192xf32, #tpu.memory_space<vmem>>
        %dma_start3A_412 = tpu.memref_slice %arg7[%mul3A_408] : memref<20000xi32, #tpu.memory_space<vmem>> -> memref<48xi32, #tpu.memory_space<vmem>>
        %dma_start3A_413 = arith.constant 0 : i32
        %dma_start3A_414 = arith.constant 0 : i32
        %dma_start3A_415 = tpu.memref_slice %arg2[%dma_start3A_413, %dma_start3A_414] : memref<10000x192xf32, #tpu.memory_space<hbm>> -> memref<10000x192xf32, #tpu.memory_space<hbm>>
        tpu.enqueue_indirect_dma source(%dma_start3A_415 : memref<10000x192xf32, #tpu.memory_space<hbm>>) target(%dma_start3A_411 : memref<48x192xf32, #tpu.memory_space<vmem>>) offsets(%dma_start3A_412 : memref<48xi32, #tpu.memory_space<vmem>>) semaphore(%arg21 : memref<!tpu.dma_semaphore, #tpu.memory_space<semaphore_mem>>)
        %add3A_416 = arith.constant 48 : i32
        %add3A_417 = arith.addi %mul3A_408, %add3A_416 : i32
        %dma_start3A_418 = arith.constant 0 : i32
        %dma_start3A_419 = arith.constant 0 : i32
        %dma_start3A_420 = tpu.memref_slice %arg14[%dma_start3A_418, %dma_start3A_419] : memref<48x192xf32, #tpu.memory_space<vmem>> -> memref<48x192xf32, #tpu.memory_space<vmem>>
        %dma_start3A_421 = tpu.memref_slice %arg7[%add3A_417] : memref<20000xi32, #tpu.memory_space<vmem>> -> memref<48xi32, #tpu.memory_space<vmem>>
        %dma_start3A_422 = arith.constant 0 : i32
        %dma_start3A_423 = arith.constant 0 : i32
        %dma_start3A_424 = tpu.memref_slice %arg2[%dma_start3A_422, %dma_start3A_423] : memref<10000x192xf32, #tpu.memory_space<hbm>> -> memref<10000x192xf32, #tpu.memory_space<hbm>>
        tpu.enqueue_indirect_dma source(%dma_start3A_424 : memref<10000x192xf32, #tpu.memory_space<hbm>>) target(%dma_start3A_420 : memref<48x192xf32, #tpu.memory_space<vmem>>) offsets(%dma_start3A_421 : memref<48xi32, #tpu.memory_space<vmem>>) semaphore(%arg25 : memref<!tpu.dma_semaphore, #tpu.memory_space<semaphore_mem>>)
      } else {
      }
      %eq3A_278 = arith.constant 208 : i32
      %eq3A_279 = arith.cmpi eq, %add3A_272, %eq3A_278 : i32
      %convert_element_type3A_280 = arith.extui %eq3A_279 : i1 to i32
      %cond3A_281 = arith.constant 0 : i32
      %cond3A_282 = arith.cmpi ne, %convert_element_type3A_280, %cond3A_281 : i32
      scf.if %cond3A_282 {
        %dma_start3A_405 = arith.constant 0 : i32
        %dma_start3A_406 = arith.constant 0 : i32
        %dma_start3A_407 = tpu.memref_slice %arg10[%dma_start3A_405, %dma_start3A_406] : memref<48x192xf32, #tpu.memory_space<vmem>> -> memref<16x192xf32, #tpu.memory_space<vmem>>
        %dma_start3A_408 = arith.constant 19968 : i32
        %dma_start3A_409 = tpu.memref_slice %arg7[%dma_start3A_408] : memref<20000xi32, #tpu.memory_space<vmem>> -> memref<16xi32, #tpu.memory_space<vmem>>
        %dma_start3A_410 = arith.constant 0 : i32
        %dma_start3A_411 = arith.constant 0 : i32
        %dma_start3A_412 = tpu.memref_slice %arg2[%dma_start3A_410, %dma_start3A_411] : memref<10000x192xf32, #tpu.memory_space<hbm>> -> memref<10000x192xf32, #tpu.memory_space<hbm>>
        tpu.enqueue_indirect_dma source(%dma_start3A_412 : memref<10000x192xf32, #tpu.memory_space<hbm>>) target(%dma_start3A_407 : memref<16x192xf32, #tpu.memory_space<vmem>>) offsets(%dma_start3A_409 : memref<16xi32, #tpu.memory_space<vmem>>) semaphore(%arg21 : memref<!tpu.dma_semaphore, #tpu.memory_space<semaphore_mem>>)
        %dma_start3A_413 = arith.constant 0 : i32
        %dma_start3A_414 = arith.constant 0 : i32
        %dma_start3A_415 = tpu.memref_slice %arg14[%dma_start3A_413, %dma_start3A_414] : memref<48x192xf32, #tpu.memory_space<vmem>> -> memref<16x192xf32, #tpu.memory_space<vmem>>
        %dma_start3A_416 = arith.constant 19984 : i32
        %dma_start3A_417 = tpu.memref_slice %arg7[%dma_start3A_416] : memref<20000xi32, #tpu.memory_space<vmem>> -> memref<16xi32, #tpu.memory_space<vmem>>
        %dma_start3A_418 = arith.constant 0 : i32
        %dma_start3A_419 = arith.constant 0 : i32
        %dma_start3A_420 = tpu.memref_slice %arg2[%dma_start3A_418, %dma_start3A_419] : memref<10000x192xf32, #tpu.memory_space<hbm>> -> memref<10000x192xf32, #tpu.memory_space<hbm>>
        tpu.enqueue_indirect_dma source(%dma_start3A_420 : memref<10000x192xf32, #tpu.memory_space<hbm>>) target(%dma_start3A_415 : memref<16x192xf32, #tpu.memory_space<vmem>>) offsets(%dma_start3A_417 : memref<16xi32, #tpu.memory_space<vmem>>) semaphore(%arg25 : memref<!tpu.dma_semaphore, #tpu.memory_space<semaphore_mem>>)
      } else {
      }
      %mul3A_283 = arith.constant 48 : i32
      %mul3A_284 = arith.muli %add3A_254, %mul3A_283 : i32
      %broadcast_in_dim3A_285 = arith.constant 0.000000e+00 : f32
      %broadcast_in_dim3A_286 = vector.broadcast %broadcast_in_dim3A_285 : f32 to vector<16xf32>
      %scan3A_287 = arith.constant 0 : i32
      %scan3A_288 = arith.constant 64 : i32
      %scan3A_289 = arith.addi %scan3A_287, %scan3A_288 : i32
      %scan3A_290 = arith.constant 2 : i32
      %scan3A_291:9 = scf.for %scan3A_405 = %scan3A_287 to %scan3A_289 step %scan3A_290 iter_args(%scan3A_406 = %broadcast_in_dim3A_286, %scan3A_407 = %broadcast_in_dim3A_286, %scan3A_408 = %broadcast_in_dim3A_286, %scan3A_409 = %broadcast_in_dim3A_286, %scan3A_410 = %broadcast_in_dim3A_286, %scan3A_411 = %broadcast_in_dim3A_286, %scan3A_412 = %broadcast_in_dim3A_286, %scan3A_413 = %broadcast_in_dim3A_286, %scan3A_414 = %broadcast_in_dim3A_286) -> (vector<16xf32>, vector<16xf32>, vector<16xf32>, vector<16xf32>, vector<16xf32>, vector<16xf32>, vector<16xf32>, vector<16xf32>, vector<16xf32>)  : i32 {
        %add3A_415 = vector.broadcast %scan3A_405 : i32 to vector<16xi32>
        %add3A_416 = arith.addi %iota3A, %add3A_415 : vector<16xi32>
        %ge3A = arith.constant 64 : i32
        %ge3A_417 = vector.broadcast %ge3A : i32 to vector<16xi32>
        %ge3A_418 = arith.cmpi sge, %add3A_416, %ge3A_417 : vector<16xi32>
        %sub3A = arith.constant 64 : i32
        %sub3A_419 = vector.broadcast %sub3A : i32 to vector<16xi32>
        %sub3A_420 = arith.subi %add3A_416, %sub3A_419 : vector<16xi32>
        %select_n3A = arith.select %ge3A_418, %sub3A_420, %add3A_416 : vector<16xi1>, vector<16xi32>
        %add3A_421 = arith.constant 64 : i32
        %add3A_422 = vector.broadcast %add3A_421 : i32 to vector<16xi32>
        %add3A_423 = arith.addi %select_n3A, %add3A_422 : vector<16xi32>
        %add3A_424 = arith.constant 128 : i32
        %add3A_425 = vector.broadcast %add3A_424 : i32 to vector<16xi32>
        %add3A_426 = arith.addi %select_n3A, %add3A_425 : vector<16xi32>
        %add3A_427 = arith.constant 0 : i32
        %add3A_428 = vector.broadcast %add3A_427 : i32 to vector<16xi32>
        %add3A_429 = arith.addi %iota3A, %add3A_428 : vector<16xi32>
        %gather3A = tpu.vector_load_idx %arg10[%add3A_429, %select_n3A] : memref<48x192xf32, #tpu.memory_space<vmem>>[vector<16xi32>, vector<16xi32>], vector<16xf32>,
        %bitcast3A = vector.bitcast %gather3A : vector<16xf32> to vector<32xbf16>
        %gather3A_430 = tpu.vector_load_idx %arg14[%add3A_429, %select_n3A] : memref<48x192xf32, #tpu.memory_space<vmem>>[vector<16xi32>, vector<16xi32>], vector<16xf32>,
        %bitcast3A_431 = vector.bitcast %gather3A_430 : vector<16xf32> to vector<32xbf16>
        %gather3A_432 = tpu.vector_load_idx %arg10[%add3A_429, %add3A_423] : memref<48x192xf32, #tpu.memory_space<vmem>>[vector<16xi32>, vector<16xi32>], vector<16xf32>,
        %bitcast3A_433 = vector.bitcast %gather3A_432 : vector<16xf32> to vector<32xbf16>
        %gather3A_434 = tpu.vector_load_idx %arg14[%add3A_429, %add3A_423] : memref<48x192xf32, #tpu.memory_space<vmem>>[vector<16xi32>, vector<16xi32>], vector<16xf32>,
        %bitcast3A_435 = vector.bitcast %gather3A_434 : vector<16xf32> to vector<32xbf16>
        %gather3A_436 = tpu.vector_load_idx %arg10[%add3A_429, %add3A_426] : memref<48x192xf32, #tpu.memory_space<vmem>>[vector<16xi32>, vector<16xi32>], vector<16xf32>,
        %bitcast3A_437 = vector.bitcast %gather3A_436 : vector<16xf32> to vector<32xbf16>
        %gather3A_438 = tpu.vector_load_idx %arg14[%add3A_429, %add3A_426] : memref<48x192xf32, #tpu.memory_space<vmem>>[vector<16xi32>, vector<16xi32>], vector<16xf32>,
        %bitcast3A_439 = vector.bitcast %gather3A_438 : vector<16xf32> to vector<32xbf16>
        %mul3A_440 = arith.mulf %bitcast3A_433, %bitcast3A_435 : vector<32xbf16>
        %mul3A_441 = arith.mulf %bitcast3A_437, %bitcast3A_439 : vector<32xbf16>
        %add3A_442 = arith.addf %mul3A_440, %mul3A_441 : vector<32xbf16>
        %unpack3A = tpu.unpack_subelements %add3A_442, 0 {pack_format = #tpu.pack_format<interleaved>} : vector<32xbf16> -> vector<16xf32>
        %unpack3A_443 = tpu.unpack_subelements %add3A_442, 1 {pack_format = #tpu.pack_format<interleaved>} : vector<32xbf16> -> vector<16xf32>
        %mul3A_444 = arith.mulf %bitcast3A_437, %bitcast3A_435 : vector<32xbf16>
        %mul3A_445 = arith.mulf %bitcast3A_433, %bitcast3A_439 : vector<32xbf16>
        %sub3A_446 = arith.subf %mul3A_444, %mul3A_445 : vector<32xbf16>
        %unpack3A_447 = tpu.unpack_subelements %sub3A_446, 0 {pack_format = #tpu.pack_format<interleaved>} : vector<32xbf16> -> vector<16xf32>
        %unpack3A_448 = tpu.unpack_subelements %sub3A_446, 1 {pack_format = #tpu.pack_format<interleaved>} : vector<32xbf16> -> vector<16xf32>
        %mul3A_449 = arith.mulf %bitcast3A, %bitcast3A_431 : vector<32xbf16>
        %unpack3A_450 = tpu.unpack_subelements %mul3A_449, 0 {pack_format = #tpu.pack_format<interleaved>} : vector<32xbf16> -> vector<16xf32>
        %unpack3A_451 = tpu.unpack_subelements %mul3A_449, 1 {pack_format = #tpu.pack_format<interleaved>} : vector<32xbf16> -> vector<16xf32>
        %add3A_452 = arith.addf %scan3A_406, %unpack3A : vector<16xf32>
        %add3A_453 = arith.addf %add3A_452, %unpack3A_443 : vector<16xf32>
        %add3A_454 = arith.addf %scan3A_407, %unpack3A_447 : vector<16xf32>
        %add3A_455 = arith.addf %add3A_454, %unpack3A_448 : vector<16xf32>
        %add3A_456 = arith.addf %scan3A_408, %unpack3A_450 : vector<16xf32>
        %add3A_457 = arith.addf %add3A_456, %unpack3A_451 : vector<16xf32>
        %add3A_458 = arith.constant 16 : i32
        %add3A_459 = vector.broadcast %add3A_458 : i32 to vector<16xi32>
        %add3A_460 = arith.addi %iota3A, %add3A_459 : vector<16xi32>
        %gather3A_461 = tpu.vector_load_idx %arg10[%add3A_460, %select_n3A] : memref<48x192xf32, #tpu.memory_space<vmem>>[vector<16xi32>, vector<16xi32>], vector<16xf32>,
        %bitcast3A_462 = vector.bitcast %gather3A_461 : vector<16xf32> to vector<32xbf16>
        %gather3A_463 = tpu.vector_load_idx %arg14[%add3A_460, %select_n3A] : memref<48x192xf32, #tpu.memory_space<vmem>>[vector<16xi32>, vector<16xi32>], vector<16xf32>,
        %bitcast3A_464 = vector.bitcast %gather3A_463 : vector<16xf32> to vector<32xbf16>
        %gather3A_465 = tpu.vector_load_idx %arg10[%add3A_460, %add3A_423] : memref<48x192xf32, #tpu.memory_space<vmem>>[vector<16xi32>, vector<16xi32>], vector<16xf32>,
        %bitcast3A_466 = vector.bitcast %gather3A_465 : vector<16xf32> to vector<32xbf16>
        %gather3A_467 = tpu.vector_load_idx %arg14[%add3A_460, %add3A_423] : memref<48x192xf32, #tpu.memory_space<vmem>>[vector<16xi32>, vector<16xi32>], vector<16xf32>,
        %bitcast3A_468 = vector.bitcast %gather3A_467 : vector<16xf32> to vector<32xbf16>
        %gather3A_469 = tpu.vector_load_idx %arg10[%add3A_460, %add3A_426] : memref<48x192xf32, #tpu.memory_space<vmem>>[vector<16xi32>, vector<16xi32>], vector<16xf32>,
        %bitcast3A_470 = vector.bitcast %gather3A_469 : vector<16xf32> to vector<32xbf16>
        %gather3A_471 = tpu.vector_load_idx %arg14[%add3A_460, %add3A_426] : memref<48x192xf32, #tpu.memory_space<vmem>>[vector<16xi32>, vector<16xi32>], vector<16xf32>,
        %bitcast3A_472 = vector.bitcast %gather3A_471 : vector<16xf32> to vector<32xbf16>
        %mul3A_473 = arith.mulf %bitcast3A_466, %bitcast3A_468 : vector<32xbf16>
        %mul3A_474 = arith.mulf %bitcast3A_470, %bitcast3A_472 : vector<32xbf16>
        %add3A_475 = arith.addf %mul3A_473, %mul3A_474 : vector<32xbf16>
        %unpack3A_476 = tpu.unpack_subelements %add3A_475, 0 {pack_format = #tpu.pack_format<interleaved>} : vector<32xbf16> -> vector<16xf32>
        %unpack3A_477 = tpu.unpack_subelements %add3A_475, 1 {pack_format = #tpu.pack_format<interleaved>} : vector<32xbf16> -> vector<16xf32>
        %mul3A_478 = arith.mulf %bitcast3A_470, %bitcast3A_468 : vector<32xbf16>
        %mul3A_479 = arith.mulf %bitcast3A_466, %bitcast3A_472 : vector<32xbf16>
        %sub3A_480 = arith.subf %mul3A_478, %mul3A_479 : vector<32xbf16>
        %unpack3A_481 = tpu.unpack_subelements %sub3A_480, 0 {pack_format = #tpu.pack_format<interleaved>} : vector<32xbf16> -> vector<16xf32>
        %unpack3A_482 = tpu.unpack_subelements %sub3A_480, 1 {pack_format = #tpu.pack_format<interleaved>} : vector<32xbf16> -> vector<16xf32>
        %mul3A_483 = arith.mulf %bitcast3A_462, %bitcast3A_464 : vector<32xbf16>
        %unpack3A_484 = tpu.unpack_subelements %mul3A_483, 0 {pack_format = #tpu.pack_format<interleaved>} : vector<32xbf16> -> vector<16xf32>
        %unpack3A_485 = tpu.unpack_subelements %mul3A_483, 1 {pack_format = #tpu.pack_format<interleaved>} : vector<32xbf16> -> vector<16xf32>
        %add3A_486 = arith.addf %scan3A_409, %unpack3A_476 : vector<16xf32>
        %add3A_487 = arith.addf %add3A_486, %unpack3A_477 : vector<16xf32>
        %add3A_488 = arith.addf %scan3A_410, %unpack3A_481 : vector<16xf32>
        %add3A_489 = arith.addf %add3A_488, %unpack3A_482 : vector<16xf32>
        %add3A_490 = arith.addf %scan3A_411, %unpack3A_484 : vector<16xf32>
        %add3A_491 = arith.addf %add3A_490, %unpack3A_485 : vector<16xf32>
        %add3A_492 = arith.constant 32 : i32
        %add3A_493 = vector.broadcast %add3A_492 : i32 to vector<16xi32>
        %add3A_494 = arith.addi %iota3A, %add3A_493 : vector<16xi32>
        %gather3A_495 = tpu.vector_load_idx %arg10[%add3A_494, %select_n3A] : memref<48x192xf32, #tpu.memory_space<vmem>>[vector<16xi32>, vector<16xi32>], vector<16xf32>,
        %bitcast3A_496 = vector.bitcast %gather3A_495 : vector<16xf32> to vector<32xbf16>
        %gather3A_497 = tpu.vector_load_idx %arg14[%add3A_494, %select_n3A] : memref<48x192xf32, #tpu.memory_space<vmem>>[vector<16xi32>, vector<16xi32>], vector<16xf32>,
        %bitcast3A_498 = vector.bitcast %gather3A_497 : vector<16xf32> to vector<32xbf16>
        %gather3A_499 = tpu.vector_load_idx %arg10[%add3A_494, %add3A_423] : memref<48x192xf32, #tpu.memory_space<vmem>>[vector<16xi32>, vector<16xi32>], vector<16xf32>,
        %bitcast3A_500 = vector.bitcast %gather3A_499 : vector<16xf32> to vector<32xbf16>
        %gather3A_501 = tpu.vector_load_idx %arg14[%add3A_494, %add3A_423] : memref<48x192xf32, #tpu.memory_space<vmem>>[vector<16xi32>, vector<16xi32>], vector<16xf32>,
        %bitcast3A_502 = vector.bitcast %gather3A_501 : vector<16xf32> to vector<32xbf16>
        %gather3A_503 = tpu.vector_load_idx %arg10[%add3A_494, %add3A_426] : memref<48x192xf32, #tpu.memory_space<vmem>>[vector<16xi32>, vector<16xi32>], vector<16xf32>,
        %bitcast3A_504 = vector.bitcast %gather3A_503 : vector<16xf32> to vector<32xbf16>
        %gather3A_505 = tpu.vector_load_idx %arg14[%add3A_494, %add3A_426] : memref<48x192xf32, #tpu.memory_space<vmem>>[vector<16xi32>, vector<16xi32>], vector<16xf32>,
        %bitcast3A_506 = vector.bitcast %gather3A_505 : vector<16xf32> to vector<32xbf16>
        %mul3A_507 = arith.mulf %bitcast3A_500, %bitcast3A_502 : vector<32xbf16>
        %mul3A_508 = arith.mulf %bitcast3A_504, %bitcast3A_506 : vector<32xbf16>
        %add3A_509 = arith.addf %mul3A_507, %mul3A_508 : vector<32xbf16>
        %unpack3A_510 = tpu.unpack_subelements %add3A_509, 0 {pack_format = #tpu.pack_format<interleaved>} : vector<32xbf16> -> vector<16xf32>
        %unpack3A_511 = tpu.unpack_subelements %add3A_509, 1 {pack_format = #tpu.pack_format<interleaved>} : vector<32xbf16> -> vector<16xf32>
        %mul3A_512 = arith.mulf %bitcast3A_504, %bitcast3A_502 : vector<32xbf16>
        %mul3A_513 = arith.mulf %bitcast3A_500, %bitcast3A_506 : vector<32xbf16>
        %sub3A_514 = arith.subf %mul3A_512, %mul3A_513 : vector<32xbf16>
        %unpack3A_515 = tpu.unpack_subelements %sub3A_514, 0 {pack_format = #tpu.pack_format<interleaved>} : vector<32xbf16> -> vector<16xf32>
        %unpack3A_516 = tpu.unpack_subelements %sub3A_514, 1 {pack_format = #tpu.pack_format<interleaved>} : vector<32xbf16> -> vector<16xf32>
        %mul3A_517 = arith.mulf %bitcast3A_496, %bitcast3A_498 : vector<32xbf16>
        %unpack3A_518 = tpu.unpack_subelements %mul3A_517, 0 {pack_format = #tpu.pack_format<interleaved>} : vector<32xbf16> -> vector<16xf32>
        %unpack3A_519 = tpu.unpack_subelements %mul3A_517, 1 {pack_format = #tpu.pack_format<interleaved>} : vector<32xbf16> -> vector<16xf32>
        %add3A_520 = arith.addf %scan3A_412, %unpack3A_510 : vector<16xf32>
        %add3A_521 = arith.addf %add3A_520, %unpack3A_511 : vector<16xf32>
        %add3A_522 = arith.addf %scan3A_413, %unpack3A_515 : vector<16xf32>
        %add3A_523 = arith.addf %add3A_522, %unpack3A_516 : vector<16xf32>
        %add3A_524 = arith.addf %scan3A_414, %unpack3A_518 : vector<16xf32>
        %add3A_525 = arith.addf %add3A_524, %unpack3A_519 : vector<16xf32>
        %scan3A_526 = arith.constant 1 : i32
        %scan3A_527 = arith.addi %scan3A_405, %scan3A_526 : i32
        %add3A_528 = vector.broadcast %scan3A_527 : i32 to vector<16xi32>
        %add3A_529 = arith.addi %iota3A, %add3A_528 : vector<16xi32>
        %ge3A_530 = arith.constant 64 : i32
        %ge3A_531 = vector.broadcast %ge3A_530 : i32 to vector<16xi32>
        %ge3A_532 = arith.cmpi sge, %add3A_529, %ge3A_531 : vector<16xi32>
        %sub3A_533 = arith.constant 64 : i32
        %sub3A_534 = vector.broadcast %sub3A_533 : i32 to vector<16xi32>
        %sub3A_535 = arith.subi %add3A_529, %sub3A_534 : vector<16xi32>
        %select_n3A_536 = arith.select %ge3A_532, %sub3A_535, %add3A_529 : vector<16xi1>, vector<16xi32>
        %add3A_537 = arith.constant 64 : i32
        %add3A_538 = vector.broadcast %add3A_537 : i32 to vector<16xi32>
        %add3A_539 = arith.addi %select_n3A_536, %add3A_538 : vector<16xi32>
        %add3A_540 = arith.constant 128 : i32
        %add3A_541 = vector.broadcast %add3A_540 : i32 to vector<16xi32>
        %add3A_542 = arith.addi %select_n3A_536, %add3A_541 : vector<16xi32>
        %add3A_543 = arith.constant 0 : i32
        %add3A_544 = vector.broadcast %add3A_543 : i32 to vector<16xi32>
        %add3A_545 = arith.addi %iota3A, %add3A_544 : vector<16xi32>
        %gather3A_546 = tpu.vector_load_idx %arg10[%add3A_545, %select_n3A_536] : memref<48x192xf32, #tpu.memory_space<vmem>>[vector<16xi32>, vector<16xi32>], vector<16xf32>,
        %bitcast3A_547 = vector.bitcast %gather3A_546 : vector<16xf32> to vector<32xbf16>
        %gather3A_548 = tpu.vector_load_idx %arg14[%add3A_545, %select_n3A_536] : memref<48x192xf32, #tpu.memory_space<vmem>>[vector<16xi32>, vector<16xi32>], vector<16xf32>,
        %bitcast3A_549 = vector.bitcast %gather3A_548 : vector<16xf32> to vector<32xbf16>
        %gather3A_550 = tpu.vector_load_idx %arg10[%add3A_545, %add3A_539] : memref<48x192xf32, #tpu.memory_space<vmem>>[vector<16xi32>, vector<16xi32>], vector<16xf32>,
        %bitcast3A_551 = vector.bitcast %gather3A_550 : vector<16xf32> to vector<32xbf16>
        %gather3A_552 = tpu.vector_load_idx %arg14[%add3A_545, %add3A_539] : memref<48x192xf32, #tpu.memory_space<vmem>>[vector<16xi32>, vector<16xi32>], vector<16xf32>,
        %bitcast3A_553 = vector.bitcast %gather3A_552 : vector<16xf32> to vector<32xbf16>
        %gather3A_554 = tpu.vector_load_idx %arg10[%add3A_545, %add3A_542] : memref<48x192xf32, #tpu.memory_space<vmem>>[vector<16xi32>, vector<16xi32>], vector<16xf32>,
        %bitcast3A_555 = vector.bitcast %gather3A_554 : vector<16xf32> to vector<32xbf16>
        %gather3A_556 = tpu.vector_load_idx %arg14[%add3A_545, %add3A_542] : memref<48x192xf32, #tpu.memory_space<vmem>>[vector<16xi32>, vector<16xi32>], vector<16xf32>,
        %bitcast3A_557 = vector.bitcast %gather3A_556 : vector<16xf32> to vector<32xbf16>
        %mul3A_558 = arith.mulf %bitcast3A_551, %bitcast3A_553 : vector<32xbf16>
        %mul3A_559 = arith.mulf %bitcast3A_555, %bitcast3A_557 : vector<32xbf16>
        %add3A_560 = arith.addf %mul3A_558, %mul3A_559 : vector<32xbf16>
        %unpack3A_561 = tpu.unpack_subelements %add3A_560, 0 {pack_format = #tpu.pack_format<interleaved>} : vector<32xbf16> -> vector<16xf32>
        %unpack3A_562 = tpu.unpack_subelements %add3A_560, 1 {pack_format = #tpu.pack_format<interleaved>} : vector<32xbf16> -> vector<16xf32>
        %mul3A_563 = arith.mulf %bitcast3A_555, %bitcast3A_553 : vector<32xbf16>
        %mul3A_564 = arith.mulf %bitcast3A_551, %bitcast3A_557 : vector<32xbf16>
        %sub3A_565 = arith.subf %mul3A_563, %mul3A_564 : vector<32xbf16>
        %unpack3A_566 = tpu.unpack_subelements %sub3A_565, 0 {pack_format = #tpu.pack_format<interleaved>} : vector<32xbf16> -> vector<16xf32>
        %unpack3A_567 = tpu.unpack_subelements %sub3A_565, 1 {pack_format = #tpu.pack_format<interleaved>} : vector<32xbf16> -> vector<16xf32>
        %mul3A_568 = arith.mulf %bitcast3A_547, %bitcast3A_549 : vector<32xbf16>
        %unpack3A_569 = tpu.unpack_subelements %mul3A_568, 0 {pack_format = #tpu.pack_format<interleaved>} : vector<32xbf16> -> vector<16xf32>
        %unpack3A_570 = tpu.unpack_subelements %mul3A_568, 1 {pack_format = #tpu.pack_format<interleaved>} : vector<32xbf16> -> vector<16xf32>
        %add3A_571 = arith.addf %add3A_453, %unpack3A_561 : vector<16xf32>
        %add3A_572 = arith.addf %add3A_571, %unpack3A_562 : vector<16xf32>
        %add3A_573 = arith.addf %add3A_455, %unpack3A_566 : vector<16xf32>
        %add3A_574 = arith.addf %add3A_573, %unpack3A_567 : vector<16xf32>
        %add3A_575 = arith.addf %add3A_457, %unpack3A_569 : vector<16xf32>
        %add3A_576 = arith.addf %add3A_575, %unpack3A_570 : vector<16xf32>
        %add3A_577 = arith.constant 16 : i32
        %add3A_578 = vector.broadcast %add3A_577 : i32 to vector<16xi32>
        %add3A_579 = arith.addi %iota3A, %add3A_578 : vector<16xi32>
        %gather3A_580 = tpu.vector_load_idx %arg10[%add3A_579, %select_n3A_536] : memref<48x192xf32, #tpu.memory_space<vmem>>[vector<16xi32>, vector<16xi32>], vector<16xf32>,
        %bitcast3A_581 = vector.bitcast %gather3A_580 : vector<16xf32> to vector<32xbf16>
        %gather3A_582 = tpu.vector_load_idx %arg14[%add3A_579, %select_n3A_536] : memref<48x192xf32, #tpu.memory_space<vmem>>[vector<16xi32>, vector<16xi32>], vector<16xf32>,
        %bitcast3A_583 = vector.bitcast %gather3A_582 : vector<16xf32> to vector<32xbf16>
        %gather3A_584 = tpu.vector_load_idx %arg10[%add3A_579, %add3A_539] : memref<48x192xf32, #tpu.memory_space<vmem>>[vector<16xi32>, vector<16xi32>], vector<16xf32>,
        %bitcast3A_585 = vector.bitcast %gather3A_584 : vector<16xf32> to vector<32xbf16>
        %gather3A_586 = tpu.vector_load_idx %arg14[%add3A_579, %add3A_539] : memref<48x192xf32, #tpu.memory_space<vmem>>[vector<16xi32>, vector<16xi32>], vector<16xf32>,
        %bitcast3A_587 = vector.bitcast %gather3A_586 : vector<16xf32> to vector<32xbf16>
        %gather3A_588 = tpu.vector_load_idx %arg10[%add3A_579, %add3A_542] : memref<48x192xf32, #tpu.memory_space<vmem>>[vector<16xi32>, vector<16xi32>], vector<16xf32>,
        %bitcast3A_589 = vector.bitcast %gather3A_588 : vector<16xf32> to vector<32xbf16>
        %gather3A_590 = tpu.vector_load_idx %arg14[%add3A_579, %add3A_542] : memref<48x192xf32, #tpu.memory_space<vmem>>[vector<16xi32>, vector<16xi32>], vector<16xf32>,
        %bitcast3A_591 = vector.bitcast %gather3A_590 : vector<16xf32> to vector<32xbf16>
        %mul3A_592 = arith.mulf %bitcast3A_585, %bitcast3A_587 : vector<32xbf16>
        %mul3A_593 = arith.mulf %bitcast3A_589, %bitcast3A_591 : vector<32xbf16>
        %add3A_594 = arith.addf %mul3A_592, %mul3A_593 : vector<32xbf16>
        %unpack3A_595 = tpu.unpack_subelements %add3A_594, 0 {pack_format = #tpu.pack_format<interleaved>} : vector<32xbf16> -> vector<16xf32>
        %unpack3A_596 = tpu.unpack_subelements %add3A_594, 1 {pack_format = #tpu.pack_format<interleaved>} : vector<32xbf16> -> vector<16xf32>
        %mul3A_597 = arith.mulf %bitcast3A_589, %bitcast3A_587 : vector<32xbf16>
        %mul3A_598 = arith.mulf %bitcast3A_585, %bitcast3A_591 : vector<32xbf16>
        %sub3A_599 = arith.subf %mul3A_597, %mul3A_598 : vector<32xbf16>
        %unpack3A_600 = tpu.unpack_subelements %sub3A_599, 0 {pack_format = #tpu.pack_format<interleaved>} : vector<32xbf16> -> vector<16xf32>
        %unpack3A_601 = tpu.unpack_subelements %sub3A_599, 1 {pack_format = #tpu.pack_format<interleaved>} : vector<32xbf16> -> vector<16xf32>
        %mul3A_602 = arith.mulf %bitcast3A_581, %bitcast3A_583 : vector<32xbf16>
        %unpack3A_603 = tpu.unpack_subelements %mul3A_602, 0 {pack_format = #tpu.pack_format<interleaved>} : vector<32xbf16> -> vector<16xf32>
        %unpack3A_604 = tpu.unpack_subelements %mul3A_602, 1 {pack_format = #tpu.pack_format<interleaved>} : vector<32xbf16> -> vector<16xf32>
        %add3A_605 = arith.addf %add3A_487, %unpack3A_595 : vector<16xf32>
        %add3A_606 = arith.addf %add3A_605, %unpack3A_596 : vector<16xf32>
        %add3A_607 = arith.addf %add3A_489, %unpack3A_600 : vector<16xf32>
        %add3A_608 = arith.addf %add3A_607, %unpack3A_601 : vector<16xf32>
        %add3A_609 = arith.addf %add3A_491, %unpack3A_603 : vector<16xf32>
        %add3A_610 = arith.addf %add3A_609, %unpack3A_604 : vector<16xf32>
        %add3A_611 = arith.constant 32 : i32
        %add3A_612 = vector.broadcast %add3A_611 : i32 to vector<16xi32>
        %add3A_613 = arith.addi %iota3A, %add3A_612 : vector<16xi32>
        %gather3A_614 = tpu.vector_load_idx %arg10[%add3A_613, %select_n3A_536] : memref<48x192xf32, #tpu.memory_space<vmem>>[vector<16xi32>, vector<16xi32>], vector<16xf32>,
        %bitcast3A_615 = vector.bitcast %gather3A_614 : vector<16xf32> to vector<32xbf16>
        %gather3A_616 = tpu.vector_load_idx %arg14[%add3A_613, %select_n3A_536] : memref<48x192xf32, #tpu.memory_space<vmem>>[vector<16xi32>, vector<16xi32>], vector<16xf32>,
        %bitcast3A_617 = vector.bitcast %gather3A_616 : vector<16xf32> to vector<32xbf16>
        %gather3A_618 = tpu.vector_load_idx %arg10[%add3A_613, %add3A_539] : memref<48x192xf32, #tpu.memory_space<vmem>>[vector<16xi32>, vector<16xi32>], vector<16xf32>,
        %bitcast3A_619 = vector.bitcast %gather3A_618 : vector<16xf32> to vector<32xbf16>
        %gather3A_620 = tpu.vector_load_idx %arg14[%add3A_613, %add3A_539] : memref<48x192xf32, #tpu.memory_space<vmem>>[vector<16xi32>, vector<16xi32>], vector<16xf32>,
        %bitcast3A_621 = vector.bitcast %gather3A_620 : vector<16xf32> to vector<32xbf16>
        %gather3A_622 = tpu.vector_load_idx %arg10[%add3A_613, %add3A_542] : memref<48x192xf32, #tpu.memory_space<vmem>>[vector<16xi32>, vector<16xi32>], vector<16xf32>,
        %bitcast3A_623 = vector.bitcast %gather3A_622 : vector<16xf32> to vector<32xbf16>
        %gather3A_624 = tpu.vector_load_idx %arg14[%add3A_613, %add3A_542] : memref<48x192xf32, #tpu.memory_space<vmem>>[vector<16xi32>, vector<16xi32>], vector<16xf32>,
        %bitcast3A_625 = vector.bitcast %gather3A_624 : vector<16xf32> to vector<32xbf16>
        %mul3A_626 = arith.mulf %bitcast3A_619, %bitcast3A_621 : vector<32xbf16>
        %mul3A_627 = arith.mulf %bitcast3A_623, %bitcast3A_625 : vector<32xbf16>
        %add3A_628 = arith.addf %mul3A_626, %mul3A_627 : vector<32xbf16>
        %unpack3A_629 = tpu.unpack_subelements %add3A_628, 0 {pack_format = #tpu.pack_format<interleaved>} : vector<32xbf16> -> vector<16xf32>
        %unpack3A_630 = tpu.unpack_subelements %add3A_628, 1 {pack_format = #tpu.pack_format<interleaved>} : vector<32xbf16> -> vector<16xf32>
        %mul3A_631 = arith.mulf %bitcast3A_623, %bitcast3A_621 : vector<32xbf16>
        %mul3A_632 = arith.mulf %bitcast3A_619, %bitcast3A_625 : vector<32xbf16>
        %sub3A_633 = arith.subf %mul3A_631, %mul3A_632 : vector<32xbf16>
        %unpack3A_634 = tpu.unpack_subelements %sub3A_633, 0 {pack_format = #tpu.pack_format<interleaved>} : vector<32xbf16> -> vector<16xf32>
        %unpack3A_635 = tpu.unpack_subelements %sub3A_633, 1 {pack_format = #tpu.pack_format<interleaved>} : vector<32xbf16> -> vector<16xf32>
        %mul3A_636 = arith.mulf %bitcast3A_615, %bitcast3A_617 : vector<32xbf16>
        %unpack3A_637 = tpu.unpack_subelements %mul3A_636, 0 {pack_format = #tpu.pack_format<interleaved>} : vector<32xbf16> -> vector<16xf32>
        %unpack3A_638 = tpu.unpack_subelements %mul3A_636, 1 {pack_format = #tpu.pack_format<interleaved>} : vector<32xbf16> -> vector<16xf32>
        %add3A_639 = arith.addf %add3A_521, %unpack3A_629 : vector<16xf32>
        %add3A_640 = arith.addf %add3A_639, %unpack3A_630 : vector<16xf32>
        %add3A_641 = arith.addf %add3A_523, %unpack3A_634 : vector<16xf32>
        %add3A_642 = arith.addf %add3A_641, %unpack3A_635 : vector<16xf32>
        %add3A_643 = arith.addf %add3A_525, %unpack3A_637 : vector<16xf32>
        %add3A_644 = arith.addf %add3A_643, %unpack3A_638 : vector<16xf32>
        scf.yield %add3A_572, %add3A_574, %add3A_576, %add3A_606, %add3A_608, %add3A_610, %add3A_640, %add3A_642, %add3A_644 : vector<16xf32>, vector<16xf32>, vector<16xf32>, vector<16xf32>, vector<16xf32>, vector<16xf32>, vector<16xf32>, vector<16xf32>, vector<16xf32>
      }
      %scan3A_292 = arith.constant 64 : i32
      %add3A_293 = arith.constant 0 : i32
      %add3A_294 = arith.addi %mul3A_284, %add3A_293 : i32
      %swap3A_295 = arith.index_cast %add3A_294 : i32 to index
      %swap3A_296 = tpu.vector_load %arg16[%swap3A_295] {strides = array<i32>} : memref<10000xf32, #tpu.memory_space<vmem>>, vector<16xf32>,
      tpu.vector_store %arg16[%swap3A_295], %scan3A_291#0 {strides = array<i32>} : memref<10000xf32, #tpu.memory_space<vmem>>, vector<16xf32>,
      %add3A_297 = arith.constant 0 : i32
      %add3A_298 = arith.addi %mul3A_284, %add3A_297 : i32
      %swap3A_299 = arith.index_cast %add3A_298 : i32 to index
      %swap3A_300 = tpu.vector_load %arg17[%swap3A_299] {strides = array<i32>} : memref<10000xf32, #tpu.memory_space<vmem>>, vector<16xf32>,
      tpu.vector_store %arg17[%swap3A_299], %scan3A_291#1 {strides = array<i32>} : memref<10000xf32, #tpu.memory_space<vmem>>, vector<16xf32>,
      %add3A_301 = arith.constant 0 : i32
      %add3A_302 = arith.addi %mul3A_284, %add3A_301 : i32
      %swap3A_303 = arith.index_cast %add3A_302 : i32 to index
      %swap3A_304 = tpu.vector_load %arg18[%swap3A_303] {strides = array<i32>} : memref<10000xf32, #tpu.memory_space<vmem>>, vector<16xf32>,
      tpu.vector_store %arg18[%swap3A_303], %scan3A_291#2 {strides = array<i32>} : memref<10000xf32, #tpu.memory_space<vmem>>, vector<16xf32>,
      %add3A_305 = arith.constant 16 : i32
      %add3A_306 = arith.addi %mul3A_284, %add3A_305 : i32
      %swap3A_307 = arith.index_cast %add3A_306 : i32 to index
      %swap3A_308 = tpu.vector_load %arg16[%swap3A_307] {strides = array<i32>} : memref<10000xf32, #tpu.memory_space<vmem>>, vector<16xf32>,
      tpu.vector_store %arg16[%swap3A_307], %scan3A_291#3 {strides = array<i32>} : memref<10000xf32, #tpu.memory_space<vmem>>, vector<16xf32>,
      %add3A_309 = arith.constant 16 : i32
      %add3A_310 = arith.addi %mul3A_284, %add3A_309 : i32
      %swap3A_311 = arith.index_cast %add3A_310 : i32 to index
      %swap3A_312 = tpu.vector_load %arg17[%swap3A_311] {strides = array<i32>} : memref<10000xf32, #tpu.memory_space<vmem>>, vector<16xf32>,
      tpu.vector_store %arg17[%swap3A_311], %scan3A_291#4 {strides = array<i32>} : memref<10000xf32, #tpu.memory_space<vmem>>, vector<16xf32>,
      %add3A_313 = arith.constant 16 : i32
      %add3A_314 = arith.addi %mul3A_284, %add3A_313 : i32
      %swap3A_315 = arith.index_cast %add3A_314 : i32 to index
      %swap3A_316 = tpu.vector_load %arg18[%swap3A_315] {strides = array<i32>} : memref<10000xf32, #tpu.memory_space<vmem>>, vector<16xf32>,
      tpu.vector_store %arg18[%swap3A_315], %scan3A_291#5 {strides = array<i32>} : memref<10000xf32, #tpu.memory_space<vmem>>, vector<16xf32>,
      %add3A_317 = arith.constant 32 : i32
      %add3A_318 = arith.addi %mul3A_284, %add3A_317 : i32
      %swap3A_319 = arith.index_cast %add3A_318 : i32 to index
      %swap3A_320 = tpu.vector_load %arg16[%swap3A_319] {strides = array<i32>} : memref<10000xf32, #tpu.memory_space<vmem>>, vector<16xf32>,
      tpu.vector_store %arg16[%swap3A_319], %scan3A_291#6 {strides = array<i32>} : memref<10000xf32, #tpu.memory_space<vmem>>, vector<16xf32>,
      %add3A_321 = arith.constant 32 : i32
      %add3A_322 = arith.addi %mul3A_284, %add3A_321 : i32
      %swap3A_323 = arith.index_cast %add3A_322 : i32 to index
      %swap3A_324 = tpu.vector_load %arg17[%swap3A_323] {strides = array<i32>} : memref<10000xf32, #tpu.memory_space<vmem>>, vector<16xf32>,
      tpu.vector_store %arg17[%swap3A_323], %scan3A_291#7 {strides = array<i32>} : memref<10000xf32, #tpu.memory_space<vmem>>, vector<16xf32>,
      %add3A_325 = arith.constant 32 : i32
      %add3A_326 = arith.addi %mul3A_284, %add3A_325 : i32
      %swap3A_327 = arith.index_cast %add3A_326 : i32 to index
      %swap3A_328 = tpu.vector_load %arg18[%swap3A_327] {strides = array<i32>} : memref<10000xf32, #tpu.memory_space<vmem>>, vector<16xf32>,
      tpu.vector_store %arg18[%swap3A_327], %scan3A_291#8 {strides = array<i32>} : memref<10000xf32, #tpu.memory_space<vmem>>, vector<16xf32>,
      %add3A_329 = arith.constant 3 : i32
      %add3A_330 = arith.addi %mul3A_104, %add3A_329 : i32
      %dma_wait3A_331 = arith.constant 0 : i32
      %dma_wait3A_332 = arith.constant 0 : i32
      %dma_wait3A_333 = tpu.memref_slice %arg11[%dma_wait3A_331, %dma_wait3A_332] : memref<48x192xf32, #tpu.memory_space<vmem>> -> memref<48x192xf32, #tpu.memory_space<vmem>>
      %dma_wait3A_334 = arith.constant 0 : i32
      %dma_wait3A_335 = tpu.memref_slice %arg7[%dma_wait3A_334] : memref<20000xi32, #tpu.memory_space<vmem>> -> memref<48xi32, #tpu.memory_space<vmem>>
      %dma_wait3A_336 = arith.constant 0 : i32
      %dma_wait3A_337 = arith.constant 0 : i32
      %dma_wait3A_338 = tpu.memref_slice %arg2[%dma_wait3A_336, %dma_wait3A_337] : memref<10000x192xf32, #tpu.memory_space<hbm>> -> memref<10000x192xf32, #tpu.memory_space<hbm>>
      tpu.wait_indirect_dma semaphore(%arg22 : memref<!tpu.dma_semaphore, #tpu.memory_space<semaphore_mem>>) src(%dma_wait3A_338 : memref<10000x192xf32, #tpu.memory_space<hbm>>) dst(%dma_wait3A_333 : memref<48x192xf32, #tpu.memory_space<vmem>>)
      %dma_wait3A_339 = arith.constant 0 : i32
      %dma_wait3A_340 = arith.constant 0 : i32
      %dma_wait3A_341 = tpu.memref_slice %arg15[%dma_wait3A_339, %dma_wait3A_340] : memref<48x192xf32, #tpu.memory_space<vmem>> -> memref<48x192xf32, #tpu.memory_space<vmem>>
      %dma_wait3A_342 = arith.constant 0 : i32
      %dma_wait3A_343 = tpu.memref_slice %arg7[%dma_wait3A_342] : memref<20000xi32, #tpu.memory_space<vmem>> -> memref<48xi32, #tpu.memory_space<vmem>>
      %dma_wait3A_344 = arith.constant 0 : i32
      %dma_wait3A_345 = arith.constant 0 : i32
      %dma_wait3A_346 = tpu.memref_slice %arg2[%dma_wait3A_344, %dma_wait3A_345] : memref<10000x192xf32, #tpu.memory_space<hbm>> -> memref<10000x192xf32, #tpu.memory_space<hbm>>
      tpu.wait_indirect_dma semaphore(%arg26 : memref<!tpu.dma_semaphore, #tpu.memory_space<semaphore_mem>>) src(%dma_wait3A_346 : memref<10000x192xf32, #tpu.memory_space<hbm>>) dst(%dma_wait3A_341 : memref<48x192xf32, #tpu.memory_space<vmem>>)
      %add3A_347 = arith.constant 4 : i32
      %add3A_348 = arith.addi %add3A_330, %add3A_347 : i32
      %lt3A_349 = arith.constant 208 : i32
      %lt3A_350 = arith.cmpi slt, %add3A_348, %lt3A_349 : i32
      %convert_element_type3A_351 = arith.extui %lt3A_350 : i1 to i32
      %cond3A_352 = arith.constant 0 : i32
      %cond3A_353 = arith.cmpi ne, %convert_element_type3A_351, %cond3A_352 : i32
      scf.if %cond3A_353 {
        %mul3A_405 = arith.constant 2 : i32
        %mul3A_406 = arith.muli %add3A_348, %mul3A_405 : i32
        %mul3A_407 = arith.constant 48 : i32
        %mul3A_408 = arith.muli %mul3A_406, %mul3A_407 : i32
        %dma_start3A_409 = arith.constant 0 : i32
        %dma_start3A_410 = arith.constant 0 : i32
        %dma_start3A_411 = tpu.memref_slice %arg11[%dma_start3A_409, %dma_start3A_410] : memref<48x192xf32, #tpu.memory_space<vmem>> -> memref<48x192xf32, #tpu.memory_space<vmem>>
        %dma_start3A_412 = tpu.memref_slice %arg7[%mul3A_408] : memref<20000xi32, #tpu.memory_space<vmem>> -> memref<48xi32, #tpu.memory_space<vmem>>
        %dma_start3A_413 = arith.constant 0 : i32
        %dma_start3A_414 = arith.constant 0 : i32
        %dma_start3A_415 = tpu.memref_slice %arg2[%dma_start3A_413, %dma_start3A_414] : memref<10000x192xf32, #tpu.memory_space<hbm>> -> memref<10000x192xf32, #tpu.memory_space<hbm>>
        tpu.enqueue_indirect_dma source(%dma_start3A_415 : memref<10000x192xf32, #tpu.memory_space<hbm>>) target(%dma_start3A_411 : memref<48x192xf32, #tpu.memory_space<vmem>>) offsets(%dma_start3A_412 : memref<48xi32, #tpu.memory_space<vmem>>) semaphore(%arg22 : memref<!tpu.dma_semaphore, #tpu.memory_space<semaphore_mem>>)
        %add3A_416 = arith.constant 48 : i32
        %add3A_417 = arith.addi %mul3A_408, %add3A_416 : i32
        %dma_start3A_418 = arith.constant 0 : i32
        %dma_start3A_419 = arith.constant 0 : i32
        %dma_start3A_420 = tpu.memref_slice %arg15[%dma_start3A_418, %dma_start3A_419] : memref<48x192xf32, #tpu.memory_space<vmem>> -> memref<48x192xf32, #tpu.memory_space<vmem>>
        %dma_start3A_421 = tpu.memref_slice %arg7[%add3A_417] : memref<20000xi32, #tpu.memory_space<vmem>> -> memref<48xi32, #tpu.memory_space<vmem>>
        %dma_start3A_422 = arith.constant 0 : i32
        %dma_start3A_423 = arith.constant 0 : i32
        %dma_start3A_424 = tpu.memref_slice %arg2[%dma_start3A_422, %dma_start3A_423] : memref<10000x192xf32, #tpu.memory_space<hbm>> -> memref<10000x192xf32, #tpu.memory_space<hbm>>
        tpu.enqueue_indirect_dma source(%dma_start3A_424 : memref<10000x192xf32, #tpu.memory_space<hbm>>) target(%dma_start3A_420 : memref<48x192xf32, #tpu.memory_space<vmem>>) offsets(%dma_start3A_421 : memref<48xi32, #tpu.memory_space<vmem>>) semaphore(%arg26 : memref<!tpu.dma_semaphore, #tpu.memory_space<semaphore_mem>>)
      } else {
      }
      %eq3A_354 = arith.constant 208 : i32
      %eq3A_355 = arith.cmpi eq, %add3A_348, %eq3A_354 : i32
      %convert_element_type3A_356 = arith.extui %eq3A_355 : i1 to i32
      %cond3A_357 = arith.constant 0 : i32
      %cond3A_358 = arith.cmpi ne, %convert_element_type3A_356, %cond3A_357 : i32
      scf.if %cond3A_358 {
        %dma_start3A_405 = arith.constant 0 : i32
        %dma_start3A_406 = arith.constant 0 : i32
        %dma_start3A_407 = tpu.memref_slice %arg11[%dma_start3A_405, %dma_start3A_406] : memref<48x192xf32, #tpu.memory_space<vmem>> -> memref<16x192xf32, #tpu.memory_space<vmem>>
        %dma_start3A_408 = arith.constant 19968 : i32
        %dma_start3A_409 = tpu.memref_slice %arg7[%dma_start3A_408] : memref<20000xi32, #tpu.memory_space<vmem>> -> memref<16xi32, #tpu.memory_space<vmem>>
        %dma_start3A_410 = arith.constant 0 : i32
        %dma_start3A_411 = arith.constant 0 : i32
        %dma_start3A_412 = tpu.memref_slice %arg2[%dma_start3A_410, %dma_start3A_411] : memref<10000x192xf32, #tpu.memory_space<hbm>> -> memref<10000x192xf32, #tpu.memory_space<hbm>>
        tpu.enqueue_indirect_dma source(%dma_start3A_412 : memref<10000x192xf32, #tpu.memory_space<hbm>>) target(%dma_start3A_407 : memref<16x192xf32, #tpu.memory_space<vmem>>) offsets(%dma_start3A_409 : memref<16xi32, #tpu.memory_space<vmem>>) semaphore(%arg22 : memref<!tpu.dma_semaphore, #tpu.memory_space<semaphore_mem>>)
        %dma_start3A_413 = arith.constant 0 : i32
        %dma_start3A_414 = arith.constant 0 : i32
        %dma_start3A_415 = tpu.memref_slice %arg15[%dma_start3A_413, %dma_start3A_414] : memref<48x192xf32, #tpu.memory_space<vmem>> -> memref<16x192xf32, #tpu.memory_space<vmem>>
        %dma_start3A_416 = arith.constant 19984 : i32
        %dma_start3A_417 = tpu.memref_slice %arg7[%dma_start3A_416] : memref<20000xi32, #tpu.memory_space<vmem>> -> memref<16xi32, #tpu.memory_space<vmem>>
        %dma_start3A_418 = arith.constant 0 : i32
        %dma_start3A_419 = arith.constant 0 : i32
        %dma_start3A_420 = tpu.memref_slice %arg2[%dma_start3A_418, %dma_start3A_419] : memref<10000x192xf32, #tpu.memory_space<hbm>> -> memref<10000x192xf32, #tpu.memory_space<hbm>>
        tpu.enqueue_indirect_dma source(%dma_start3A_420 : memref<10000x192xf32, #tpu.memory_space<hbm>>) target(%dma_start3A_415 : memref<16x192xf32, #tpu.memory_space<vmem>>) offsets(%dma_start3A_417 : memref<16xi32, #tpu.memory_space<vmem>>) semaphore(%arg26 : memref<!tpu.dma_semaphore, #tpu.memory_space<semaphore_mem>>)
      } else {
      }
      %mul3A_359 = arith.constant 48 : i32
      %mul3A_360 = arith.muli %add3A_330, %mul3A_359 : i32
      %broadcast_in_dim3A_361 = arith.constant 0.000000e+00 : f32
      %broadcast_in_dim3A_362 = vector.broadcast %broadcast_in_dim3A_361 : f32 to vector<16xf32>
      %scan3A_363 = arith.constant 0 : i32
      %scan3A_364 = arith.constant 64 : i32
      %scan3A_365 = arith.addi %scan3A_363, %scan3A_364 : i32
      %scan3A_366 = arith.constant 2 : i32
      %scan3A_367:9 = scf.for %scan3A_405 = %scan3A_363 to %scan3A_365 step %scan3A_366 iter_args(%scan3A_406 = %broadcast_in_dim3A_362, %scan3A_407 = %broadcast_in_dim3A_362, %scan3A_408 = %broadcast_in_dim3A_362, %scan3A_409 = %broadcast_in_dim3A_362, %scan3A_410 = %broadcast_in_dim3A_362, %scan3A_411 = %broadcast_in_dim3A_362, %scan3A_412 = %broadcast_in_dim3A_362, %scan3A_413 = %broadcast_in_dim3A_362, %scan3A_414 = %broadcast_in_dim3A_362) -> (vector<16xf32>, vector<16xf32>, vector<16xf32>, vector<16xf32>, vector<16xf32>, vector<16xf32>, vector<16xf32>, vector<16xf32>, vector<16xf32>)  : i32 {
        %add3A_415 = vector.broadcast %scan3A_405 : i32 to vector<16xi32>
        %add3A_416 = arith.addi %iota3A, %add3A_415 : vector<16xi32>
        %ge3A = arith.constant 64 : i32
        %ge3A_417 = vector.broadcast %ge3A : i32 to vector<16xi32>
        %ge3A_418 = arith.cmpi sge, %add3A_416, %ge3A_417 : vector<16xi32>
        %sub3A = arith.constant 64 : i32
        %sub3A_419 = vector.broadcast %sub3A : i32 to vector<16xi32>
        %sub3A_420 = arith.subi %add3A_416, %sub3A_419 : vector<16xi32>
        %select_n3A = arith.select %ge3A_418, %sub3A_420, %add3A_416 : vector<16xi1>, vector<16xi32>
        %add3A_421 = arith.constant 64 : i32
        %add3A_422 = vector.broadcast %add3A_421 : i32 to vector<16xi32>
        %add3A_423 = arith.addi %select_n3A, %add3A_422 : vector<16xi32>
        %add3A_424 = arith.constant 128 : i32
        %add3A_425 = vector.broadcast %add3A_424 : i32 to vector<16xi32>
        %add3A_426 = arith.addi %select_n3A, %add3A_425 : vector<16xi32>
        %add3A_427 = arith.constant 0 : i32
        %add3A_428 = vector.broadcast %add3A_427 : i32 to vector<16xi32>
        %add3A_429 = arith.addi %iota3A, %add3A_428 : vector<16xi32>
        %gather3A = tpu.vector_load_idx %arg11[%add3A_429, %select_n3A] : memref<48x192xf32, #tpu.memory_space<vmem>>[vector<16xi32>, vector<16xi32>], vector<16xf32>,
        %bitcast3A = vector.bitcast %gather3A : vector<16xf32> to vector<32xbf16>
        %gather3A_430 = tpu.vector_load_idx %arg15[%add3A_429, %select_n3A] : memref<48x192xf32, #tpu.memory_space<vmem>>[vector<16xi32>, vector<16xi32>], vector<16xf32>,
        %bitcast3A_431 = vector.bitcast %gather3A_430 : vector<16xf32> to vector<32xbf16>
        %gather3A_432 = tpu.vector_load_idx %arg11[%add3A_429, %add3A_423] : memref<48x192xf32, #tpu.memory_space<vmem>>[vector<16xi32>, vector<16xi32>], vector<16xf32>,
        %bitcast3A_433 = vector.bitcast %gather3A_432 : vector<16xf32> to vector<32xbf16>
        %gather3A_434 = tpu.vector_load_idx %arg15[%add3A_429, %add3A_423] : memref<48x192xf32, #tpu.memory_space<vmem>>[vector<16xi32>, vector<16xi32>], vector<16xf32>,
        %bitcast3A_435 = vector.bitcast %gather3A_434 : vector<16xf32> to vector<32xbf16>
        %gather3A_436 = tpu.vector_load_idx %arg11[%add3A_429, %add3A_426] : memref<48x192xf32, #tpu.memory_space<vmem>>[vector<16xi32>, vector<16xi32>], vector<16xf32>,
        %bitcast3A_437 = vector.bitcast %gather3A_436 : vector<16xf32> to vector<32xbf16>
        %gather3A_438 = tpu.vector_load_idx %arg15[%add3A_429, %add3A_426] : memref<48x192xf32, #tpu.memory_space<vmem>>[vector<16xi32>, vector<16xi32>], vector<16xf32>,
        %bitcast3A_439 = vector.bitcast %gather3A_438 : vector<16xf32> to vector<32xbf16>
        %mul3A_440 = arith.mulf %bitcast3A_433, %bitcast3A_435 : vector<32xbf16>
        %mul3A_441 = arith.mulf %bitcast3A_437, %bitcast3A_439 : vector<32xbf16>
        %add3A_442 = arith.addf %mul3A_440, %mul3A_441 : vector<32xbf16>
        %unpack3A = tpu.unpack_subelements %add3A_442, 0 {pack_format = #tpu.pack_format<interleaved>} : vector<32xbf16> -> vector<16xf32>
        %unpack3A_443 = tpu.unpack_subelements %add3A_442, 1 {pack_format = #tpu.pack_format<interleaved>} : vector<32xbf16> -> vector<16xf32>
        %mul3A_444 = arith.mulf %bitcast3A_437, %bitcast3A_435 : vector<32xbf16>
        %mul3A_445 = arith.mulf %bitcast3A_433, %bitcast3A_439 : vector<32xbf16>
        %sub3A_446 = arith.subf %mul3A_444, %mul3A_445 : vector<32xbf16>
        %unpack3A_447 = tpu.unpack_subelements %sub3A_446, 0 {pack_format = #tpu.pack_format<interleaved>} : vector<32xbf16> -> vector<16xf32>
        %unpack3A_448 = tpu.unpack_subelements %sub3A_446, 1 {pack_format = #tpu.pack_format<interleaved>} : vector<32xbf16> -> vector<16xf32>
        %mul3A_449 = arith.mulf %bitcast3A, %bitcast3A_431 : vector<32xbf16>
        %unpack3A_450 = tpu.unpack_subelements %mul3A_449, 0 {pack_format = #tpu.pack_format<interleaved>} : vector<32xbf16> -> vector<16xf32>
        %unpack3A_451 = tpu.unpack_subelements %mul3A_449, 1 {pack_format = #tpu.pack_format<interleaved>} : vector<32xbf16> -> vector<16xf32>
        %add3A_452 = arith.addf %scan3A_406, %unpack3A : vector<16xf32>
        %add3A_453 = arith.addf %add3A_452, %unpack3A_443 : vector<16xf32>
        %add3A_454 = arith.addf %scan3A_407, %unpack3A_447 : vector<16xf32>
        %add3A_455 = arith.addf %add3A_454, %unpack3A_448 : vector<16xf32>
        %add3A_456 = arith.addf %scan3A_408, %unpack3A_450 : vector<16xf32>
        %add3A_457 = arith.addf %add3A_456, %unpack3A_451 : vector<16xf32>
        %add3A_458 = arith.constant 16 : i32
        %add3A_459 = vector.broadcast %add3A_458 : i32 to vector<16xi32>
        %add3A_460 = arith.addi %iota3A, %add3A_459 : vector<16xi32>
        %gather3A_461 = tpu.vector_load_idx %arg11[%add3A_460, %select_n3A] : memref<48x192xf32, #tpu.memory_space<vmem>>[vector<16xi32>, vector<16xi32>], vector<16xf32>,
        %bitcast3A_462 = vector.bitcast %gather3A_461 : vector<16xf32> to vector<32xbf16>
        %gather3A_463 = tpu.vector_load_idx %arg15[%add3A_460, %select_n3A] : memref<48x192xf32, #tpu.memory_space<vmem>>[vector<16xi32>, vector<16xi32>], vector<16xf32>,
        %bitcast3A_464 = vector.bitcast %gather3A_463 : vector<16xf32> to vector<32xbf16>
        %gather3A_465 = tpu.vector_load_idx %arg11[%add3A_460, %add3A_423] : memref<48x192xf32, #tpu.memory_space<vmem>>[vector<16xi32>, vector<16xi32>], vector<16xf32>,
        %bitcast3A_466 = vector.bitcast %gather3A_465 : vector<16xf32> to vector<32xbf16>
        %gather3A_467 = tpu.vector_load_idx %arg15[%add3A_460, %add3A_423] : memref<48x192xf32, #tpu.memory_space<vmem>>[vector<16xi32>, vector<16xi32>], vector<16xf32>,
        %bitcast3A_468 = vector.bitcast %gather3A_467 : vector<16xf32> to vector<32xbf16>
        %gather3A_469 = tpu.vector_load_idx %arg11[%add3A_460, %add3A_426] : memref<48x192xf32, #tpu.memory_space<vmem>>[vector<16xi32>, vector<16xi32>], vector<16xf32>,
        %bitcast3A_470 = vector.bitcast %gather3A_469 : vector<16xf32> to vector<32xbf16>
        %gather3A_471 = tpu.vector_load_idx %arg15[%add3A_460, %add3A_426] : memref<48x192xf32, #tpu.memory_space<vmem>>[vector<16xi32>, vector<16xi32>], vector<16xf32>,
        %bitcast3A_472 = vector.bitcast %gather3A_471 : vector<16xf32> to vector<32xbf16>
        %mul3A_473 = arith.mulf %bitcast3A_466, %bitcast3A_468 : vector<32xbf16>
        %mul3A_474 = arith.mulf %bitcast3A_470, %bitcast3A_472 : vector<32xbf16>
        %add3A_475 = arith.addf %mul3A_473, %mul3A_474 : vector<32xbf16>
        %unpack3A_476 = tpu.unpack_subelements %add3A_475, 0 {pack_format = #tpu.pack_format<interleaved>} : vector<32xbf16> -> vector<16xf32>
        %unpack3A_477 = tpu.unpack_subelements %add3A_475, 1 {pack_format = #tpu.pack_format<interleaved>} : vector<32xbf16> -> vector<16xf32>
        %mul3A_478 = arith.mulf %bitcast3A_470, %bitcast3A_468 : vector<32xbf16>
        %mul3A_479 = arith.mulf %bitcast3A_466, %bitcast3A_472 : vector<32xbf16>
        %sub3A_480 = arith.subf %mul3A_478, %mul3A_479 : vector<32xbf16>
        %unpack3A_481 = tpu.unpack_subelements %sub3A_480, 0 {pack_format = #tpu.pack_format<interleaved>} : vector<32xbf16> -> vector<16xf32>
        %unpack3A_482 = tpu.unpack_subelements %sub3A_480, 1 {pack_format = #tpu.pack_format<interleaved>} : vector<32xbf16> -> vector<16xf32>
        %mul3A_483 = arith.mulf %bitcast3A_462, %bitcast3A_464 : vector<32xbf16>
        %unpack3A_484 = tpu.unpack_subelements %mul3A_483, 0 {pack_format = #tpu.pack_format<interleaved>} : vector<32xbf16> -> vector<16xf32>
        %unpack3A_485 = tpu.unpack_subelements %mul3A_483, 1 {pack_format = #tpu.pack_format<interleaved>} : vector<32xbf16> -> vector<16xf32>
        %add3A_486 = arith.addf %scan3A_409, %unpack3A_476 : vector<16xf32>
        %add3A_487 = arith.addf %add3A_486, %unpack3A_477 : vector<16xf32>
        %add3A_488 = arith.addf %scan3A_410, %unpack3A_481 : vector<16xf32>
        %add3A_489 = arith.addf %add3A_488, %unpack3A_482 : vector<16xf32>
        %add3A_490 = arith.addf %scan3A_411, %unpack3A_484 : vector<16xf32>
        %add3A_491 = arith.addf %add3A_490, %unpack3A_485 : vector<16xf32>
        %add3A_492 = arith.constant 32 : i32
        %add3A_493 = vector.broadcast %add3A_492 : i32 to vector<16xi32>
        %add3A_494 = arith.addi %iota3A, %add3A_493 : vector<16xi32>
        %gather3A_495 = tpu.vector_load_idx %arg11[%add3A_494, %select_n3A] : memref<48x192xf32, #tpu.memory_space<vmem>>[vector<16xi32>, vector<16xi32>], vector<16xf32>,
        %bitcast3A_496 = vector.bitcast %gather3A_495 : vector<16xf32> to vector<32xbf16>
        %gather3A_497 = tpu.vector_load_idx %arg15[%add3A_494, %select_n3A] : memref<48x192xf32, #tpu.memory_space<vmem>>[vector<16xi32>, vector<16xi32>], vector<16xf32>,
        %bitcast3A_498 = vector.bitcast %gather3A_497 : vector<16xf32> to vector<32xbf16>
        %gather3A_499 = tpu.vector_load_idx %arg11[%add3A_494, %add3A_423] : memref<48x192xf32, #tpu.memory_space<vmem>>[vector<16xi32>, vector<16xi32>], vector<16xf32>,
        %bitcast3A_500 = vector.bitcast %gather3A_499 : vector<16xf32> to vector<32xbf16>
        %gather3A_501 = tpu.vector_load_idx %arg15[%add3A_494, %add3A_423] : memref<48x192xf32, #tpu.memory_space<vmem>>[vector<16xi32>, vector<16xi32>], vector<16xf32>,
        %bitcast3A_502 = vector.bitcast %gather3A_501 : vector<16xf32> to vector<32xbf16>
        %gather3A_503 = tpu.vector_load_idx %arg11[%add3A_494, %add3A_426] : memref<48x192xf32, #tpu.memory_space<vmem>>[vector<16xi32>, vector<16xi32>], vector<16xf32>,
        %bitcast3A_504 = vector.bitcast %gather3A_503 : vector<16xf32> to vector<32xbf16>
        %gather3A_505 = tpu.vector_load_idx %arg15[%add3A_494, %add3A_426] : memref<48x192xf32, #tpu.memory_space<vmem>>[vector<16xi32>, vector<16xi32>], vector<16xf32>,
        %bitcast3A_506 = vector.bitcast %gather3A_505 : vector<16xf32> to vector<32xbf16>
        %mul3A_507 = arith.mulf %bitcast3A_500, %bitcast3A_502 : vector<32xbf16>
        %mul3A_508 = arith.mulf %bitcast3A_504, %bitcast3A_506 : vector<32xbf16>
        %add3A_509 = arith.addf %mul3A_507, %mul3A_508 : vector<32xbf16>
        %unpack3A_510 = tpu.unpack_subelements %add3A_509, 0 {pack_format = #tpu.pack_format<interleaved>} : vector<32xbf16> -> vector<16xf32>
        %unpack3A_511 = tpu.unpack_subelements %add3A_509, 1 {pack_format = #tpu.pack_format<interleaved>} : vector<32xbf16> -> vector<16xf32>
        %mul3A_512 = arith.mulf %bitcast3A_504, %bitcast3A_502 : vector<32xbf16>
        %mul3A_513 = arith.mulf %bitcast3A_500, %bitcast3A_506 : vector<32xbf16>
        %sub3A_514 = arith.subf %mul3A_512, %mul3A_513 : vector<32xbf16>
        %unpack3A_515 = tpu.unpack_subelements %sub3A_514, 0 {pack_format = #tpu.pack_format<interleaved>} : vector<32xbf16> -> vector<16xf32>
        %unpack3A_516 = tpu.unpack_subelements %sub3A_514, 1 {pack_format = #tpu.pack_format<interleaved>} : vector<32xbf16> -> vector<16xf32>
        %mul3A_517 = arith.mulf %bitcast3A_496, %bitcast3A_498 : vector<32xbf16>
        %unpack3A_518 = tpu.unpack_subelements %mul3A_517, 0 {pack_format = #tpu.pack_format<interleaved>} : vector<32xbf16> -> vector<16xf32>
        %unpack3A_519 = tpu.unpack_subelements %mul3A_517, 1 {pack_format = #tpu.pack_format<interleaved>} : vector<32xbf16> -> vector<16xf32>
        %add3A_520 = arith.addf %scan3A_412, %unpack3A_510 : vector<16xf32>
        %add3A_521 = arith.addf %add3A_520, %unpack3A_511 : vector<16xf32>
        %add3A_522 = arith.addf %scan3A_413, %unpack3A_515 : vector<16xf32>
        %add3A_523 = arith.addf %add3A_522, %unpack3A_516 : vector<16xf32>
        %add3A_524 = arith.addf %scan3A_414, %unpack3A_518 : vector<16xf32>
        %add3A_525 = arith.addf %add3A_524, %unpack3A_519 : vector<16xf32>
        %scan3A_526 = arith.constant 1 : i32
        %scan3A_527 = arith.addi %scan3A_405, %scan3A_526 : i32
        %add3A_528 = vector.broadcast %scan3A_527 : i32 to vector<16xi32>
        %add3A_529 = arith.addi %iota3A, %add3A_528 : vector<16xi32>
        %ge3A_530 = arith.constant 64 : i32
        %ge3A_531 = vector.broadcast %ge3A_530 : i32 to vector<16xi32>
        %ge3A_532 = arith.cmpi sge, %add3A_529, %ge3A_531 : vector<16xi32>
        %sub3A_533 = arith.constant 64 : i32
        %sub3A_534 = vector.broadcast %sub3A_533 : i32 to vector<16xi32>
        %sub3A_535 = arith.subi %add3A_529, %sub3A_534 : vector<16xi32>
        %select_n3A_536 = arith.select %ge3A_532, %sub3A_535, %add3A_529 : vector<16xi1>, vector<16xi32>
        %add3A_537 = arith.constant 64 : i32
        %add3A_538 = vector.broadcast %add3A_537 : i32 to vector<16xi32>
        %add3A_539 = arith.addi %select_n3A_536, %add3A_538 : vector<16xi32>
        %add3A_540 = arith.constant 128 : i32
        %add3A_541 = vector.broadcast %add3A_540 : i32 to vector<16xi32>
        %add3A_542 = arith.addi %select_n3A_536, %add3A_541 : vector<16xi32>
        %add3A_543 = arith.constant 0 : i32
        %add3A_544 = vector.broadcast %add3A_543 : i32 to vector<16xi32>
        %add3A_545 = arith.addi %iota3A, %add3A_544 : vector<16xi32>
        %gather3A_546 = tpu.vector_load_idx %arg11[%add3A_545, %select_n3A_536] : memref<48x192xf32, #tpu.memory_space<vmem>>[vector<16xi32>, vector<16xi32>], vector<16xf32>,
        %bitcast3A_547 = vector.bitcast %gather3A_546 : vector<16xf32> to vector<32xbf16>
        %gather3A_548 = tpu.vector_load_idx %arg15[%add3A_545, %select_n3A_536] : memref<48x192xf32, #tpu.memory_space<vmem>>[vector<16xi32>, vector<16xi32>], vector<16xf32>,
        %bitcast3A_549 = vector.bitcast %gather3A_548 : vector<16xf32> to vector<32xbf16>
        %gather3A_550 = tpu.vector_load_idx %arg11[%add3A_545, %add3A_539] : memref<48x192xf32, #tpu.memory_space<vmem>>[vector<16xi32>, vector<16xi32>], vector<16xf32>,
        %bitcast3A_551 = vector.bitcast %gather3A_550 : vector<16xf32> to vector<32xbf16>
        %gather3A_552 = tpu.vector_load_idx %arg15[%add3A_545, %add3A_539] : memref<48x192xf32, #tpu.memory_space<vmem>>[vector<16xi32>, vector<16xi32>], vector<16xf32>,
        %bitcast3A_553 = vector.bitcast %gather3A_552 : vector<16xf32> to vector<32xbf16>
        %gather3A_554 = tpu.vector_load_idx %arg11[%add3A_545, %add3A_542] : memref<48x192xf32, #tpu.memory_space<vmem>>[vector<16xi32>, vector<16xi32>], vector<16xf32>,
        %bitcast3A_555 = vector.bitcast %gather3A_554 : vector<16xf32> to vector<32xbf16>
        %gather3A_556 = tpu.vector_load_idx %arg15[%add3A_545, %add3A_542] : memref<48x192xf32, #tpu.memory_space<vmem>>[vector<16xi32>, vector<16xi32>], vector<16xf32>,
        %bitcast3A_557 = vector.bitcast %gather3A_556 : vector<16xf32> to vector<32xbf16>
        %mul3A_558 = arith.mulf %bitcast3A_551, %bitcast3A_553 : vector<32xbf16>
        %mul3A_559 = arith.mulf %bitcast3A_555, %bitcast3A_557 : vector<32xbf16>
        %add3A_560 = arith.addf %mul3A_558, %mul3A_559 : vector<32xbf16>
        %unpack3A_561 = tpu.unpack_subelements %add3A_560, 0 {pack_format = #tpu.pack_format<interleaved>} : vector<32xbf16> -> vector<16xf32>
        %unpack3A_562 = tpu.unpack_subelements %add3A_560, 1 {pack_format = #tpu.pack_format<interleaved>} : vector<32xbf16> -> vector<16xf32>
        %mul3A_563 = arith.mulf %bitcast3A_555, %bitcast3A_553 : vector<32xbf16>
        %mul3A_564 = arith.mulf %bitcast3A_551, %bitcast3A_557 : vector<32xbf16>
        %sub3A_565 = arith.subf %mul3A_563, %mul3A_564 : vector<32xbf16>
        %unpack3A_566 = tpu.unpack_subelements %sub3A_565, 0 {pack_format = #tpu.pack_format<interleaved>} : vector<32xbf16> -> vector<16xf32>
        %unpack3A_567 = tpu.unpack_subelements %sub3A_565, 1 {pack_format = #tpu.pack_format<interleaved>} : vector<32xbf16> -> vector<16xf32>
        %mul3A_568 = arith.mulf %bitcast3A_547, %bitcast3A_549 : vector<32xbf16>
        %unpack3A_569 = tpu.unpack_subelements %mul3A_568, 0 {pack_format = #tpu.pack_format<interleaved>} : vector<32xbf16> -> vector<16xf32>
        %unpack3A_570 = tpu.unpack_subelements %mul3A_568, 1 {pack_format = #tpu.pack_format<interleaved>} : vector<32xbf16> -> vector<16xf32>
        %add3A_571 = arith.addf %add3A_453, %unpack3A_561 : vector<16xf32>
        %add3A_572 = arith.addf %add3A_571, %unpack3A_562 : vector<16xf32>
        %add3A_573 = arith.addf %add3A_455, %unpack3A_566 : vector<16xf32>
        %add3A_574 = arith.addf %add3A_573, %unpack3A_567 : vector<16xf32>
        %add3A_575 = arith.addf %add3A_457, %unpack3A_569 : vector<16xf32>
        %add3A_576 = arith.addf %add3A_575, %unpack3A_570 : vector<16xf32>
        %add3A_577 = arith.constant 16 : i32
        %add3A_578 = vector.broadcast %add3A_577 : i32 to vector<16xi32>
        %add3A_579 = arith.addi %iota3A, %add3A_578 : vector<16xi32>
        %gather3A_580 = tpu.vector_load_idx %arg11[%add3A_579, %select_n3A_536] : memref<48x192xf32, #tpu.memory_space<vmem>>[vector<16xi32>, vector<16xi32>], vector<16xf32>,
        %bitcast3A_581 = vector.bitcast %gather3A_580 : vector<16xf32> to vector<32xbf16>
        %gather3A_582 = tpu.vector_load_idx %arg15[%add3A_579, %select_n3A_536] : memref<48x192xf32, #tpu.memory_space<vmem>>[vector<16xi32>, vector<16xi32>], vector<16xf32>,
        %bitcast3A_583 = vector.bitcast %gather3A_582 : vector<16xf32> to vector<32xbf16>
        %gather3A_584 = tpu.vector_load_idx %arg11[%add3A_579, %add3A_539] : memref<48x192xf32, #tpu.memory_space<vmem>>[vector<16xi32>, vector<16xi32>], vector<16xf32>,
        %bitcast3A_585 = vector.bitcast %gather3A_584 : vector<16xf32> to vector<32xbf16>
        %gather3A_586 = tpu.vector_load_idx %arg15[%add3A_579, %add3A_539] : memref<48x192xf32, #tpu.memory_space<vmem>>[vector<16xi32>, vector<16xi32>], vector<16xf32>,
        %bitcast3A_587 = vector.bitcast %gather3A_586 : vector<16xf32> to vector<32xbf16>
        %gather3A_588 = tpu.vector_load_idx %arg11[%add3A_579, %add3A_542] : memref<48x192xf32, #tpu.memory_space<vmem>>[vector<16xi32>, vector<16xi32>], vector<16xf32>,
        %bitcast3A_589 = vector.bitcast %gather3A_588 : vector<16xf32> to vector<32xbf16>
        %gather3A_590 = tpu.vector_load_idx %arg15[%add3A_579, %add3A_542] : memref<48x192xf32, #tpu.memory_space<vmem>>[vector<16xi32>, vector<16xi32>], vector<16xf32>,
        %bitcast3A_591 = vector.bitcast %gather3A_590 : vector<16xf32> to vector<32xbf16>
        %mul3A_592 = arith.mulf %bitcast3A_585, %bitcast3A_587 : vector<32xbf16>
        %mul3A_593 = arith.mulf %bitcast3A_589, %bitcast3A_591 : vector<32xbf16>
        %add3A_594 = arith.addf %mul3A_592, %mul3A_593 : vector<32xbf16>
        %unpack3A_595 = tpu.unpack_subelements %add3A_594, 0 {pack_format = #tpu.pack_format<interleaved>} : vector<32xbf16> -> vector<16xf32>
        %unpack3A_596 = tpu.unpack_subelements %add3A_594, 1 {pack_format = #tpu.pack_format<interleaved>} : vector<32xbf16> -> vector<16xf32>
        %mul3A_597 = arith.mulf %bitcast3A_589, %bitcast3A_587 : vector<32xbf16>
        %mul3A_598 = arith.mulf %bitcast3A_585, %bitcast3A_591 : vector<32xbf16>
        %sub3A_599 = arith.subf %mul3A_597, %mul3A_598 : vector<32xbf16>
        %unpack3A_600 = tpu.unpack_subelements %sub3A_599, 0 {pack_format = #tpu.pack_format<interleaved>} : vector<32xbf16> -> vector<16xf32>
        %unpack3A_601 = tpu.unpack_subelements %sub3A_599, 1 {pack_format = #tpu.pack_format<interleaved>} : vector<32xbf16> -> vector<16xf32>
        %mul3A_602 = arith.mulf %bitcast3A_581, %bitcast3A_583 : vector<32xbf16>
        %unpack3A_603 = tpu.unpack_subelements %mul3A_602, 0 {pack_format = #tpu.pack_format<interleaved>} : vector<32xbf16> -> vector<16xf32>
        %unpack3A_604 = tpu.unpack_subelements %mul3A_602, 1 {pack_format = #tpu.pack_format<interleaved>} : vector<32xbf16> -> vector<16xf32>
        %add3A_605 = arith.addf %add3A_487, %unpack3A_595 : vector<16xf32>
        %add3A_606 = arith.addf %add3A_605, %unpack3A_596 : vector<16xf32>
        %add3A_607 = arith.addf %add3A_489, %unpack3A_600 : vector<16xf32>
        %add3A_608 = arith.addf %add3A_607, %unpack3A_601 : vector<16xf32>
        %add3A_609 = arith.addf %add3A_491, %unpack3A_603 : vector<16xf32>
        %add3A_610 = arith.addf %add3A_609, %unpack3A_604 : vector<16xf32>
        %add3A_611 = arith.constant 32 : i32
        %add3A_612 = vector.broadcast %add3A_611 : i32 to vector<16xi32>
        %add3A_613 = arith.addi %iota3A, %add3A_612 : vector<16xi32>
        %gather3A_614 = tpu.vector_load_idx %arg11[%add3A_613, %select_n3A_536] : memref<48x192xf32, #tpu.memory_space<vmem>>[vector<16xi32>, vector<16xi32>], vector<16xf32>,
        %bitcast3A_615 = vector.bitcast %gather3A_614 : vector<16xf32> to vector<32xbf16>
        %gather3A_616 = tpu.vector_load_idx %arg15[%add3A_613, %select_n3A_536] : memref<48x192xf32, #tpu.memory_space<vmem>>[vector<16xi32>, vector<16xi32>], vector<16xf32>,
        %bitcast3A_617 = vector.bitcast %gather3A_616 : vector<16xf32> to vector<32xbf16>
        %gather3A_618 = tpu.vector_load_idx %arg11[%add3A_613, %add3A_539] : memref<48x192xf32, #tpu.memory_space<vmem>>[vector<16xi32>, vector<16xi32>], vector<16xf32>,
        %bitcast3A_619 = vector.bitcast %gather3A_618 : vector<16xf32> to vector<32xbf16>
        %gather3A_620 = tpu.vector_load_idx %arg15[%add3A_613, %add3A_539] : memref<48x192xf32, #tpu.memory_space<vmem>>[vector<16xi32>, vector<16xi32>], vector<16xf32>,
        %bitcast3A_621 = vector.bitcast %gather3A_620 : vector<16xf32> to vector<32xbf16>
        %gather3A_622 = tpu.vector_load_idx %arg11[%add3A_613, %add3A_542] : memref<48x192xf32, #tpu.memory_space<vmem>>[vector<16xi32>, vector<16xi32>], vector<16xf32>,
        %bitcast3A_623 = vector.bitcast %gather3A_622 : vector<16xf32> to vector<32xbf16>
        %gather3A_624 = tpu.vector_load_idx %arg15[%add3A_613, %add3A_542] : memref<48x192xf32, #tpu.memory_space<vmem>>[vector<16xi32>, vector<16xi32>], vector<16xf32>,
        %bitcast3A_625 = vector.bitcast %gather3A_624 : vector<16xf32> to vector<32xbf16>
        %mul3A_626 = arith.mulf %bitcast3A_619, %bitcast3A_621 : vector<32xbf16>
        %mul3A_627 = arith.mulf %bitcast3A_623, %bitcast3A_625 : vector<32xbf16>
        %add3A_628 = arith.addf %mul3A_626, %mul3A_627 : vector<32xbf16>
        %unpack3A_629 = tpu.unpack_subelements %add3A_628, 0 {pack_format = #tpu.pack_format<interleaved>} : vector<32xbf16> -> vector<16xf32>
        %unpack3A_630 = tpu.unpack_subelements %add3A_628, 1 {pack_format = #tpu.pack_format<interleaved>} : vector<32xbf16> -> vector<16xf32>
        %mul3A_631 = arith.mulf %bitcast3A_623, %bitcast3A_621 : vector<32xbf16>
        %mul3A_632 = arith.mulf %bitcast3A_619, %bitcast3A_625 : vector<32xbf16>
        %sub3A_633 = arith.subf %mul3A_631, %mul3A_632 : vector<32xbf16>
        %unpack3A_634 = tpu.unpack_subelements %sub3A_633, 0 {pack_format = #tpu.pack_format<interleaved>} : vector<32xbf16> -> vector<16xf32>
        %unpack3A_635 = tpu.unpack_subelements %sub3A_633, 1 {pack_format = #tpu.pack_format<interleaved>} : vector<32xbf16> -> vector<16xf32>
        %mul3A_636 = arith.mulf %bitcast3A_615, %bitcast3A_617 : vector<32xbf16>
        %unpack3A_637 = tpu.unpack_subelements %mul3A_636, 0 {pack_format = #tpu.pack_format<interleaved>} : vector<32xbf16> -> vector<16xf32>
        %unpack3A_638 = tpu.unpack_subelements %mul3A_636, 1 {pack_format = #tpu.pack_format<interleaved>} : vector<32xbf16> -> vector<16xf32>
        %add3A_639 = arith.addf %add3A_521, %unpack3A_629 : vector<16xf32>
        %add3A_640 = arith.addf %add3A_639, %unpack3A_630 : vector<16xf32>
        %add3A_641 = arith.addf %add3A_523, %unpack3A_634 : vector<16xf32>
        %add3A_642 = arith.addf %add3A_641, %unpack3A_635 : vector<16xf32>
        %add3A_643 = arith.addf %add3A_525, %unpack3A_637 : vector<16xf32>
        %add3A_644 = arith.addf %add3A_643, %unpack3A_638 : vector<16xf32>
        scf.yield %add3A_572, %add3A_574, %add3A_576, %add3A_606, %add3A_608, %add3A_610, %add3A_640, %add3A_642, %add3A_644 : vector<16xf32>, vector<16xf32>, vector<16xf32>, vector<16xf32>, vector<16xf32>, vector<16xf32>, vector<16xf32>, vector<16xf32>, vector<16xf32>
      }
      %scan3A_368 = arith.constant 64 : i32
      %add3A_369 = arith.constant 0 : i32
      %add3A_370 = arith.addi %mul3A_360, %add3A_369 : i32
      %swap3A_371 = arith.index_cast %add3A_370 : i32 to index
      %swap3A_372 = tpu.vector_load %arg16[%swap3A_371] {strides = array<i32>} : memref<10000xf32, #tpu.memory_space<vmem>>, vector<16xf32>,
      tpu.vector_store %arg16[%swap3A_371], %scan3A_367#0 {strides = array<i32>} : memref<10000xf32, #tpu.memory_space<vmem>>, vector<16xf32>,
      %add3A_373 = arith.constant 0 : i32
      %add3A_374 = arith.addi %mul3A_360, %add3A_373 : i32
      %swap3A_375 = arith.index_cast %add3A_374 : i32 to index
      %swap3A_376 = tpu.vector_load %arg17[%swap3A_375] {strides = array<i32>} : memref<10000xf32, #tpu.memory_space<vmem>>, vector<16xf32>,
      tpu.vector_store %arg17[%swap3A_375], %scan3A_367#1 {strides = array<i32>} : memref<10000xf32, #tpu.memory_space<vmem>>, vector<16xf32>,
      %add3A_377 = arith.constant 0 : i32
      %add3A_378 = arith.addi %mul3A_360, %add3A_377 : i32
      %swap3A_379 = arith.index_cast %add3A_378 : i32 to index
      %swap3A_380 = tpu.vector_load %arg18[%swap3A_379] {strides = array<i32>} : memref<10000xf32, #tpu.memory_space<vmem>>, vector<16xf32>,
      tpu.vector_store %arg18[%swap3A_379], %scan3A_367#2 {strides = array<i32>} : memref<10000xf32, #tpu.memory_space<vmem>>, vector<16xf32>,
      %add3A_381 = arith.constant 16 : i32
      %add3A_382 = arith.addi %mul3A_360, %add3A_381 : i32
      %swap3A_383 = arith.index_cast %add3A_382 : i32 to index
      %swap3A_384 = tpu.vector_load %arg16[%swap3A_383] {strides = array<i32>} : memref<10000xf32, #tpu.memory_space<vmem>>, vector<16xf32>,
      tpu.vector_store %arg16[%swap3A_383], %scan3A_367#3 {strides = array<i32>} : memref<10000xf32, #tpu.memory_space<vmem>>, vector<16xf32>,
      %add3A_385 = arith.constant 16 : i32
      %add3A_386 = arith.addi %mul3A_360, %add3A_385 : i32
      %swap3A_387 = arith.index_cast %add3A_386 : i32 to index
      %swap3A_388 = tpu.vector_load %arg17[%swap3A_387] {strides = array<i32>} : memref<10000xf32, #tpu.memory_space<vmem>>, vector<16xf32>,
      tpu.vector_store %arg17[%swap3A_387], %scan3A_367#4 {strides = array<i32>} : memref<10000xf32, #tpu.memory_space<vmem>>, vector<16xf32>,
      %add3A_389 = arith.constant 16 : i32
      %add3A_390 = arith.addi %mul3A_360, %add3A_389 : i32
      %swap3A_391 = arith.index_cast %add3A_390 : i32 to index
      %swap3A_392 = tpu.vector_load %arg18[%swap3A_391] {strides = array<i32>} : memref<10000xf32, #tpu.memory_space<vmem>>, vector<16xf32>,
      tpu.vector_store %arg18[%swap3A_391], %scan3A_367#5 {strides = array<i32>} : memref<10000xf32, #tpu.memory_space<vmem>>, vector<16xf32>,
      %add3A_393 = arith.constant 32 : i32
      %add3A_394 = arith.addi %mul3A_360, %add3A_393 : i32
      %swap3A_395 = arith.index_cast %add3A_394 : i32 to index
      %swap3A_396 = tpu.vector_load %arg16[%swap3A_395] {strides = array<i32>} : memref<10000xf32, #tpu.memory_space<vmem>>, vector<16xf32>,
      tpu.vector_store %arg16[%swap3A_395], %scan3A_367#6 {strides = array<i32>} : memref<10000xf32, #tpu.memory_space<vmem>>, vector<16xf32>,
      %add3A_397 = arith.constant 32 : i32
      %add3A_398 = arith.addi %mul3A_360, %add3A_397 : i32
      %swap3A_399 = arith.index_cast %add3A_398 : i32 to index
      %swap3A_400 = tpu.vector_load %arg17[%swap3A_399] {strides = array<i32>} : memref<10000xf32, #tpu.memory_space<vmem>>, vector<16xf32>,
      tpu.vector_store %arg17[%swap3A_399], %scan3A_367#7 {strides = array<i32>} : memref<10000xf32, #tpu.memory_space<vmem>>, vector<16xf32>,
      %add3A_401 = arith.constant 32 : i32
      %add3A_402 = arith.addi %mul3A_360, %add3A_401 : i32
      %swap3A_403 = arith.index_cast %add3A_402 : i32 to index
      %swap3A_404 = tpu.vector_load %arg18[%swap3A_403] {strides = array<i32>} : memref<10000xf32, #tpu.memory_space<vmem>>, vector<16xf32>,
      tpu.vector_store %arg18[%swap3A_403], %scan3A_367#8 {strides = array<i32>} : memref<10000xf32, #tpu.memory_space<vmem>>, vector<16xf32>,
    }
    %scan3A_72 = arith.constant 52 : i32
    %dma_wait3A = arith.constant 0 : i32
    %dma_wait3A_73 = arith.constant 0 : i32
    %dma_wait3A_74 = tpu.memref_slice %arg8[%dma_wait3A, %dma_wait3A_73] : memref<48x192xf32, #tpu.memory_space<vmem>> -> memref<16x192xf32, #tpu.memory_space<vmem>>
    %dma_wait3A_75 = arith.constant 0 : i32
    %dma_wait3A_76 = tpu.memref_slice %arg7[%dma_wait3A_75] : memref<20000xi32, #tpu.memory_space<vmem>> -> memref<16xi32, #tpu.memory_space<vmem>>
    %dma_wait3A_77 = arith.constant 0 : i32
    %dma_wait3A_78 = arith.constant 0 : i32
    %dma_wait3A_79 = tpu.memref_slice %arg2[%dma_wait3A_77, %dma_wait3A_78] : memref<10000x192xf32, #tpu.memory_space<hbm>> -> memref<10000x192xf32, #tpu.memory_space<hbm>>
    tpu.wait_indirect_dma semaphore(%arg19 : memref<!tpu.dma_semaphore, #tpu.memory_space<semaphore_mem>>) src(%dma_wait3A_79 : memref<10000x192xf32, #tpu.memory_space<hbm>>) dst(%dma_wait3A_74 : memref<16x192xf32, #tpu.memory_space<vmem>>)
    %dma_wait3A_80 = arith.constant 0 : i32
    %dma_wait3A_81 = arith.constant 0 : i32
    %dma_wait3A_82 = tpu.memref_slice %arg12[%dma_wait3A_80, %dma_wait3A_81] : memref<48x192xf32, #tpu.memory_space<vmem>> -> memref<16x192xf32, #tpu.memory_space<vmem>>
    %dma_wait3A_83 = arith.constant 0 : i32
    %dma_wait3A_84 = tpu.memref_slice %arg7[%dma_wait3A_83] : memref<20000xi32, #tpu.memory_space<vmem>> -> memref<16xi32, #tpu.memory_space<vmem>>
    %dma_wait3A_85 = arith.constant 0 : i32
    %dma_wait3A_86 = arith.constant 0 : i32
    %dma_wait3A_87 = tpu.memref_slice %arg2[%dma_wait3A_85, %dma_wait3A_86] : memref<10000x192xf32, #tpu.memory_space<hbm>> -> memref<10000x192xf32, #tpu.memory_space<hbm>>
    tpu.wait_indirect_dma semaphore(%arg23 : memref<!tpu.dma_semaphore, #tpu.memory_space<semaphore_mem>>) src(%dma_wait3A_87 : memref<10000x192xf32, #tpu.memory_space<hbm>>) dst(%dma_wait3A_82 : memref<16x192xf32, #tpu.memory_space<vmem>>)
    %broadcast_in_dim3A = arith.constant 0.000000e+00 : f32
    %broadcast_in_dim3A_88 = vector.broadcast %broadcast_in_dim3A : f32 to vector<16xf32>
    %scan3A_89 = arith.constant 0 : i32
    %scan3A_90 = arith.constant 64 : i32
    %scan3A_91 = arith.addi %scan3A_89, %scan3A_90 : i32
    %scan3A_92 = arith.constant 2 : i32
    %scan3A_93:3 = scf.for %scan3A_102 = %scan3A_89 to %scan3A_91 step %scan3A_92 iter_args(%scan3A_103 = %broadcast_in_dim3A_88, %scan3A_104 = %broadcast_in_dim3A_88, %scan3A_105 = %broadcast_in_dim3A_88) -> (vector<16xf32>, vector<16xf32>, vector<16xf32>)  : i32 {
      %add3A_106 = vector.broadcast %scan3A_102 : i32 to vector<16xi32>
      %add3A_107 = arith.addi %iota3A, %add3A_106 : vector<16xi32>
      %ge3A = arith.constant 64 : i32
      %ge3A_108 = vector.broadcast %ge3A : i32 to vector<16xi32>
      %ge3A_109 = arith.cmpi sge, %add3A_107, %ge3A_108 : vector<16xi32>
      %sub3A = arith.constant 64 : i32
      %sub3A_110 = vector.broadcast %sub3A : i32 to vector<16xi32>
      %sub3A_111 = arith.subi %add3A_107, %sub3A_110 : vector<16xi32>
      %select_n3A = arith.select %ge3A_109, %sub3A_111, %add3A_107 : vector<16xi1>, vector<16xi32>
      %add3A_112 = arith.constant 64 : i32
      %add3A_113 = vector.broadcast %add3A_112 : i32 to vector<16xi32>
      %add3A_114 = arith.addi %select_n3A, %add3A_113 : vector<16xi32>
      %add3A_115 = arith.constant 128 : i32
      %add3A_116 = vector.broadcast %add3A_115 : i32 to vector<16xi32>
      %add3A_117 = arith.addi %select_n3A, %add3A_116 : vector<16xi32>
      %add3A_118 = arith.constant 0 : i32
      %add3A_119 = vector.broadcast %add3A_118 : i32 to vector<16xi32>
      %add3A_120 = arith.addi %iota3A, %add3A_119 : vector<16xi32>
      %gather3A = tpu.vector_load_idx %arg8[%add3A_120, %select_n3A] : memref<48x192xf32, #tpu.memory_space<vmem>>[vector<16xi32>, vector<16xi32>], vector<16xf32>,
      %bitcast3A = vector.bitcast %gather3A : vector<16xf32> to vector<32xbf16>
      %gather3A_121 = tpu.vector_load_idx %arg12[%add3A_120, %select_n3A] : memref<48x192xf32, #tpu.memory_space<vmem>>[vector<16xi32>, vector<16xi32>], vector<16xf32>,
      %bitcast3A_122 = vector.bitcast %gather3A_121 : vector<16xf32> to vector<32xbf16>
      %gather3A_123 = tpu.vector_load_idx %arg8[%add3A_120, %add3A_114] : memref<48x192xf32, #tpu.memory_space<vmem>>[vector<16xi32>, vector<16xi32>], vector<16xf32>,
      %bitcast3A_124 = vector.bitcast %gather3A_123 : vector<16xf32> to vector<32xbf16>
      %gather3A_125 = tpu.vector_load_idx %arg12[%add3A_120, %add3A_114] : memref<48x192xf32, #tpu.memory_space<vmem>>[vector<16xi32>, vector<16xi32>], vector<16xf32>,
      %bitcast3A_126 = vector.bitcast %gather3A_125 : vector<16xf32> to vector<32xbf16>
      %gather3A_127 = tpu.vector_load_idx %arg8[%add3A_120, %add3A_117] : memref<48x192xf32, #tpu.memory_space<vmem>>[vector<16xi32>, vector<16xi32>], vector<16xf32>,
      %bitcast3A_128 = vector.bitcast %gather3A_127 : vector<16xf32> to vector<32xbf16>
      %gather3A_129 = tpu.vector_load_idx %arg12[%add3A_120, %add3A_117] : memref<48x192xf32, #tpu.memory_space<vmem>>[vector<16xi32>, vector<16xi32>], vector<16xf32>,
      %bitcast3A_130 = vector.bitcast %gather3A_129 : vector<16xf32> to vector<32xbf16>
      %mul3A_131 = arith.mulf %bitcast3A_124, %bitcast3A_126 : vector<32xbf16>
      %mul3A_132 = arith.mulf %bitcast3A_128, %bitcast3A_130 : vector<32xbf16>
      %add3A_133 = arith.addf %mul3A_131, %mul3A_132 : vector<32xbf16>
      %unpack3A = tpu.unpack_subelements %add3A_133, 0 {pack_format = #tpu.pack_format<interleaved>} : vector<32xbf16> -> vector<16xf32>
      %unpack3A_134 = tpu.unpack_subelements %add3A_133, 1 {pack_format = #tpu.pack_format<interleaved>} : vector<32xbf16> -> vector<16xf32>
      %mul3A_135 = arith.mulf %bitcast3A_128, %bitcast3A_126 : vector<32xbf16>
      %mul3A_136 = arith.mulf %bitcast3A_124, %bitcast3A_130 : vector<32xbf16>
      %sub3A_137 = arith.subf %mul3A_135, %mul3A_136 : vector<32xbf16>
      %unpack3A_138 = tpu.unpack_subelements %sub3A_137, 0 {pack_format = #tpu.pack_format<interleaved>} : vector<32xbf16> -> vector<16xf32>
      %unpack3A_139 = tpu.unpack_subelements %sub3A_137, 1 {pack_format = #tpu.pack_format<interleaved>} : vector<32xbf16> -> vector<16xf32>
      %mul3A_140 = arith.mulf %bitcast3A, %bitcast3A_122 : vector<32xbf16>
      %unpack3A_141 = tpu.unpack_subelements %mul3A_140, 0 {pack_format = #tpu.pack_format<interleaved>} : vector<32xbf16> -> vector<16xf32>
      %unpack3A_142 = tpu.unpack_subelements %mul3A_140, 1 {pack_format = #tpu.pack_format<interleaved>} : vector<32xbf16> -> vector<16xf32>
      %add3A_143 = arith.addf %scan3A_103, %unpack3A : vector<16xf32>
      %add3A_144 = arith.addf %add3A_143, %unpack3A_134 : vector<16xf32>
      %add3A_145 = arith.addf %scan3A_104, %unpack3A_138 : vector<16xf32>
      %add3A_146 = arith.addf %add3A_145, %unpack3A_139 : vector<16xf32>
      %add3A_147 = arith.addf %scan3A_105, %unpack3A_141 : vector<16xf32>
      %add3A_148 = arith.addf %add3A_147, %unpack3A_142 : vector<16xf32>
      %scan3A_149 = arith.constant 1 : i32
      %scan3A_150 = arith.addi %scan3A_102, %scan3A_149 : i32
      %add3A_151 = vector.broadcast %scan3A_150 : i32 to vector<16xi32>
      %add3A_152 = arith.addi %iota3A, %add3A_151 : vector<16xi32>
      %ge3A_153 = arith.constant 64 : i32
      %ge3A_154 = vector.broadcast %ge3A_153 : i32 to vector<16xi32>
      %ge3A_155 = arith.cmpi sge, %add3A_152, %ge3A_154 : vector<16xi32>
      %sub3A_156 = arith.constant 64 : i32
      %sub3A_157 = vector.broadcast %sub3A_156 : i32 to vector<16xi32>
      %sub3A_158 = arith.subi %add3A_152, %sub3A_157 : vector<16xi32>
      %select_n3A_159 = arith.select %ge3A_155, %sub3A_158, %add3A_152 : vector<16xi1>, vector<16xi32>
      %add3A_160 = arith.constant 64 : i32
      %add3A_161 = vector.broadcast %add3A_160 : i32 to vector<16xi32>
      %add3A_162 = arith.addi %select_n3A_159, %add3A_161 : vector<16xi32>
      %add3A_163 = arith.constant 128 : i32
      %add3A_164 = vector.broadcast %add3A_163 : i32 to vector<16xi32>
      %add3A_165 = arith.addi %select_n3A_159, %add3A_164 : vector<16xi32>
      %add3A_166 = arith.constant 0 : i32
      %add3A_167 = vector.broadcast %add3A_166 : i32 to vector<16xi32>
      %add3A_168 = arith.addi %iota3A, %add3A_167 : vector<16xi32>
      %gather3A_169 = tpu.vector_load_idx %arg8[%add3A_168, %select_n3A_159] : memref<48x192xf32, #tpu.memory_space<vmem>>[vector<16xi32>, vector<16xi32>], vector<16xf32>,
      %bitcast3A_170 = vector.bitcast %gather3A_169 : vector<16xf32> to vector<32xbf16>
      %gather3A_171 = tpu.vector_load_idx %arg12[%add3A_168, %select_n3A_159] : memref<48x192xf32, #tpu.memory_space<vmem>>[vector<16xi32>, vector<16xi32>], vector<16xf32>,
      %bitcast3A_172 = vector.bitcast %gather3A_171 : vector<16xf32> to vector<32xbf16>
      %gather3A_173 = tpu.vector_load_idx %arg8[%add3A_168, %add3A_162] : memref<48x192xf32, #tpu.memory_space<vmem>>[vector<16xi32>, vector<16xi32>], vector<16xf32>,
      %bitcast3A_174 = vector.bitcast %gather3A_173 : vector<16xf32> to vector<32xbf16>
      %gather3A_175 = tpu.vector_load_idx %arg12[%add3A_168, %add3A_162] : memref<48x192xf32, #tpu.memory_space<vmem>>[vector<16xi32>, vector<16xi32>], vector<16xf32>,
      %bitcast3A_176 = vector.bitcast %gather3A_175 : vector<16xf32> to vector<32xbf16>
      %gather3A_177 = tpu.vector_load_idx %arg8[%add3A_168, %add3A_165] : memref<48x192xf32, #tpu.memory_space<vmem>>[vector<16xi32>, vector<16xi32>], vector<16xf32>,
      %bitcast3A_178 = vector.bitcast %gather3A_177 : vector<16xf32> to vector<32xbf16>
      %gather3A_179 = tpu.vector_load_idx %arg12[%add3A_168, %add3A_165] : memref<48x192xf32, #tpu.memory_space<vmem>>[vector<16xi32>, vector<16xi32>], vector<16xf32>,
      %bitcast3A_180 = vector.bitcast %gather3A_179 : vector<16xf32> to vector<32xbf16>
      %mul3A_181 = arith.mulf %bitcast3A_174, %bitcast3A_176 : vector<32xbf16>
      %mul3A_182 = arith.mulf %bitcast3A_178, %bitcast3A_180 : vector<32xbf16>
      %add3A_183 = arith.addf %mul3A_181, %mul3A_182 : vector<32xbf16>
      %unpack3A_184 = tpu.unpack_subelements %add3A_183, 0 {pack_format = #tpu.pack_format<interleaved>} : vector<32xbf16> -> vector<16xf32>
      %unpack3A_185 = tpu.unpack_subelements %add3A_183, 1 {pack_format = #tpu.pack_format<interleaved>} : vector<32xbf16> -> vector<16xf32>
      %mul3A_186 = arith.mulf %bitcast3A_178, %bitcast3A_176 : vector<32xbf16>
      %mul3A_187 = arith.mulf %bitcast3A_174, %bitcast3A_180 : vector<32xbf16>
      %sub3A_188 = arith.subf %mul3A_186, %mul3A_187 : vector<32xbf16>
      %unpack3A_189 = tpu.unpack_subelements %sub3A_188, 0 {pack_format = #tpu.pack_format<interleaved>} : vector<32xbf16> -> vector<16xf32>
      %unpack3A_190 = tpu.unpack_subelements %sub3A_188, 1 {pack_format = #tpu.pack_format<interleaved>} : vector<32xbf16> -> vector<16xf32>
      %mul3A_191 = arith.mulf %bitcast3A_170, %bitcast3A_172 : vector<32xbf16>
      %unpack3A_192 = tpu.unpack_subelements %mul3A_191, 0 {pack_format = #tpu.pack_format<interleaved>} : vector<32xbf16> -> vector<16xf32>
      %unpack3A_193 = tpu.unpack_subelements %mul3A_191, 1 {pack_format = #tpu.pack_format<interleaved>} : vector<32xbf16> -> vector<16xf32>
      %add3A_194 = arith.addf %add3A_144, %unpack3A_184 : vector<16xf32>
      %add3A_195 = arith.addf %add3A_194, %unpack3A_185 : vector<16xf32>
      %add3A_196 = arith.addf %add3A_146, %unpack3A_189 : vector<16xf32>
      %add3A_197 = arith.addf %add3A_196, %unpack3A_190 : vector<16xf32>
      %add3A_198 = arith.addf %add3A_148, %unpack3A_192 : vector<16xf32>
      %add3A_199 = arith.addf %add3A_198, %unpack3A_193 : vector<16xf32>
      scf.yield %add3A_195, %add3A_197, %add3A_199 : vector<16xf32>, vector<16xf32>, vector<16xf32>
    }
    %scan3A_94 = arith.constant 64 : i32
    %swap3A = arith.constant 9984 : index
    %swap3A_95 = tpu.vector_load %arg16[%swap3A] {strides = array<i32>} : memref<10000xf32, #tpu.memory_space<vmem>>, vector<16xf32>,
    tpu.vector_store %arg16[%swap3A], %scan3A_93#0 {strides = array<i32>} : memref<10000xf32, #tpu.memory_space<vmem>>, vector<16xf32>,
    %swap3A_96 = arith.constant 9984 : index
    %swap3A_97 = tpu.vector_load %arg17[%swap3A_96] {strides = array<i32>} : memref<10000xf32, #tpu.memory_space<vmem>>, vector<16xf32>,
    tpu.vector_store %arg17[%swap3A_96], %scan3A_93#1 {strides = array<i32>} : memref<10000xf32, #tpu.memory_space<vmem>>, vector<16xf32>,
    %swap3A_98 = arith.constant 9984 : index
    %swap3A_99 = tpu.vector_load %arg18[%swap3A_98] {strides = array<i32>} : memref<10000xf32, #tpu.memory_space<vmem>>, vector<16xf32>,
    tpu.vector_store %arg18[%swap3A_98], %scan3A_93#2 {strides = array<i32>} : memref<10000xf32, #tpu.memory_space<vmem>>, vector<16xf32>,
    %mul3A_100 = arith.constant 10000 : i32
    %mul3A_101 = arith.muli %add3A, %mul3A_100 : i32
    "tpu.region"() ({
      %run_scoped3A = tpu.sem_alloc : memref<!tpu.dma_semaphore, #tpu.memory_space<semaphore_mem>>
      %dma_start3A_102 = tpu.memref_slice %arg4[%mul3A_101] : memref<320000xf32, #tpu.memory_space<hbm>> -> memref<10000xf32, #tpu.memory_space<hbm>>
      %dma_start3A_103 = tpu.memref_slice %arg4[%mul3A_101] : memref<320000xf32, #tpu.memory_space<hbm>> -> memref<10000xf32, #tpu.memory_space<hbm>>
      tpu.enqueue_dma source(%arg16 : memref<10000xf32, #tpu.memory_space<vmem>>) target(%dma_start3A_103 : memref<10000xf32, #tpu.memory_space<hbm>>) target_semaphore(%run_scoped3A : memref<!tpu.dma_semaphore, #tpu.memory_space<semaphore_mem>>)
      %dma_wait3A_104 = tpu.memref_slice %arg4[%mul3A_101] : memref<320000xf32, #tpu.memory_space<hbm>> -> memref<10000xf32, #tpu.memory_space<hbm>>
      %dma_wait3A_105 = tpu.memref_slice %arg4[%mul3A_101] : memref<320000xf32, #tpu.memory_space<hbm>> -> memref<10000xf32, #tpu.memory_space<hbm>>
      tpu.wait_dma2 semaphore(%run_scoped3A : memref<!tpu.dma_semaphore, #tpu.memory_space<semaphore_mem>>) src(%arg16 : memref<10000xf32, #tpu.memory_space<vmem>>) dst(%dma_wait3A_105 : memref<10000xf32, #tpu.memory_space<hbm>>)
      tpu.yield
    }) : () -> ()
    "tpu.region"() ({
      %run_scoped3A = tpu.sem_alloc : memref<!tpu.dma_semaphore, #tpu.memory_space<semaphore_mem>>
      %dma_start3A_102 = tpu.memref_slice %arg5[%mul3A_101] : memref<320000xf32, #tpu.memory_space<hbm>> -> memref<10000xf32, #tpu.memory_space<hbm>>
      %dma_start3A_103 = tpu.memref_slice %arg5[%mul3A_101] : memref<320000xf32, #tpu.memory_space<hbm>> -> memref<10000xf32, #tpu.memory_space<hbm>>
      tpu.enqueue_dma source(%arg17 : memref<10000xf32, #tpu.memory_space<vmem>>) target(%dma_start3A_103 : memref<10000xf32, #tpu.memory_space<hbm>>) target_semaphore(%run_scoped3A : memref<!tpu.dma_semaphore, #tpu.memory_space<semaphore_mem>>)
      %dma_wait3A_104 = tpu.memref_slice %arg5[%mul3A_101] : memref<320000xf32, #tpu.memory_space<hbm>> -> memref<10000xf32, #tpu.memory_space<hbm>>
      %dma_wait3A_105 = tpu.memref_slice %arg5[%mul3A_101] : memref<320000xf32, #tpu.memory_space<hbm>> -> memref<10000xf32, #tpu.memory_space<hbm>>
      tpu.wait_dma2 semaphore(%run_scoped3A : memref<!tpu.dma_semaphore, #tpu.memory_space<semaphore_mem>>) src(%arg17 : memref<10000xf32, #tpu.memory_space<vmem>>) dst(%dma_wait3A_105 : memref<10000xf32, #tpu.memory_space<hbm>>)
      tpu.yield
    }) : () -> ()
    "tpu.region"() ({
      %run_scoped3A = tpu.sem_alloc : memref<!tpu.dma_semaphore, #tpu.memory_space<semaphore_mem>>
      %dma_start3A_102 = tpu.memref_slice %arg6[%mul3A_101] : memref<320000xf32, #tpu.memory_space<hbm>> -> memref<10000xf32, #tpu.memory_space<hbm>>
      %dma_start3A_103 = tpu.memref_slice %arg6[%mul3A_101] : memref<320000xf32, #tpu.memory_space<hbm>> -> memref<10000xf32, #tpu.memory_space<hbm>>
      tpu.enqueue_dma source(%arg18 : memref<10000xf32, #tpu.memory_space<vmem>>) target(%dma_start3A_103 : memref<10000xf32, #tpu.memory_space<hbm>>) target_semaphore(%run_scoped3A : memref<!tpu.dma_semaphore, #tpu.memory_space<semaphore_mem>>)
      %dma_wait3A_104 = tpu.memref_slice %arg6[%mul3A_101] : memref<320000xf32, #tpu.memory_space<hbm>> -> memref<10000xf32, #tpu.memory_space<hbm>>
      %dma_wait3A_105 = tpu.memref_slice %arg6[%mul3A_101] : memref<320000xf32, #tpu.memory_space<hbm>> -> memref<10000xf32, #tpu.memory_space<hbm>>
      tpu.wait_dma2 semaphore(%run_scoped3A : memref<!tpu.dma_semaphore, #tpu.memory_space<semaphore_mem>>) src(%arg18 : memref<10000xf32, #tpu.memory_space<vmem>>) dst(%dma_wait3A_105 : memref<10000xf32, #tpu.memory_space<hbm>>)
      tpu.yield
    }) : () -> ()
    return
  }
}

module attributes {stable_mosaic.version = 14 : i64} {
  func.func @_table_body(%arg0: i32, %arg1: memref<1000x128xf32, #tpu.memory_space<vmem>>, %arg2: memref<1000x128xf32, #tpu.memory_space<vmem>>, %arg3: memref<1000x384xbf16, #tpu.memory_space<vmem>>) attributes {dimension_semantics = [#tpu.dimension_semantics<arbitrary>], iteration_bounds = array<i64: 10>, scalar_prefetch = 0 : i64, scratch_operands = 0 : i64, tpu.core_type = #tpu.core_type<tc>, window_params = [{transform_indices = @transform_0, window_bounds = array<i64: 1000, 128>}, {transform_indices = @transform_1, window_bounds = array<i64: 1000, 128>}, {transform_indices = @transform_2, window_bounds = array<i64: 1000, 384>}]} {
    %get3A = arith.constant 0 : index
    %get3A_0 = arith.constant 0 : index
    %get3A_1 = vector.load %arg1[%get3A, %get3A_0] : memref<1000x128xf32, #tpu.memory_space<vmem>>, vector<1000x128xf32>
    %get3A_2 = arith.constant 0 : index
    %get3A_3 = arith.constant 0 : index
    %get3A_4 = vector.load %arg2[%get3A_2, %get3A_3] : memref<1000x128xf32, #tpu.memory_space<vmem>>, vector<1000x128xf32>
    %convert_element_type3A = arith.truncf %get3A_1 : vector<1000x128xf32> to vector<1000x128xbf16>
    %swap3A = arith.constant 0 : index
    %swap3A_5 = arith.constant 0 : index
    %swap3A_6 = vector.load %arg3[%swap3A, %swap3A_5] : memref<1000x384xbf16, #tpu.memory_space<vmem>>, vector<1000x128xbf16>
    tpu.vector_store %arg3[%swap3A, %swap3A_5], %convert_element_type3A {strides = array<i32>} : memref<1000x384xbf16, #tpu.memory_space<vmem>>, vector<1000x128xbf16>,
    %cos3A = math.cos %get3A_4 : vector<1000x128xf32>
    %mul3A = arith.mulf %get3A_1, %cos3A : vector<1000x128xf32>
    %convert_element_type3A_7 = arith.truncf %mul3A : vector<1000x128xf32> to vector<1000x128xbf16>
    %swap3A_8 = arith.constant 0 : index
    %swap3A_9 = arith.constant 128 : index
    %swap3A_10 = vector.load %arg3[%swap3A_8, %swap3A_9] : memref<1000x384xbf16, #tpu.memory_space<vmem>>, vector<1000x128xbf16>
    tpu.vector_store %arg3[%swap3A_8, %swap3A_9], %convert_element_type3A_7 {strides = array<i32>} : memref<1000x384xbf16, #tpu.memory_space<vmem>>, vector<1000x128xbf16>,
    %sin3A = math.sin %get3A_4 : vector<1000x128xf32>
    %mul3A_11 = arith.mulf %get3A_1, %sin3A : vector<1000x128xf32>
    %convert_element_type3A_12 = arith.truncf %mul3A_11 : vector<1000x128xf32> to vector<1000x128xbf16>
    %swap3A_13 = arith.constant 0 : index
    %swap3A_14 = arith.constant 256 : index
    %swap3A_15 = vector.load %arg3[%swap3A_13, %swap3A_14] : memref<1000x384xbf16, #tpu.memory_space<vmem>>, vector<1000x128xbf16>
    tpu.vector_store %arg3[%swap3A_13, %swap3A_14], %convert_element_type3A_12 {strides = array<i32>} : memref<1000x384xbf16, #tpu.memory_space<vmem>>, vector<1000x128xbf16>,
    return
  }
  func.func @transform_0(%arg0: i32) -> (i32, i32) {
    %c0_i32 = arith.constant 0 : i32
    %c0_i32_0 = arith.constant 0 : i32
    return %arg0, %c0_i32 : i32, i32
  }
  func.func @transform_1(%arg0: i32) -> (i32, i32) {
    %c0_i32 = arith.constant 0 : i32
    %c0_i32_0 = arith.constant 0 : i32
    return %arg0, %c0_i32 : i32, i32
  }
  func.func @transform_2(%arg0: i32) -> (i32, i32) {
    %c0_i32 = arith.constant 0 : i32
    %c0_i32_0 = arith.constant 0 : i32
    return %arg0, %c0_i32 : i32, i32
  }
}

module attributes {stable_mosaic.version = 14 : i64} {
  func.func @_loss_body(%arg0: memref<2500x128xf32, #tpu.memory_space<vmem>>, %arg1: memref<2500x128xf32, #tpu.memory_space<vmem>>, %arg2: memref<2500x128xf32, #tpu.memory_space<vmem>>, %arg3: memref<2500x128xi32, #tpu.memory_space<vmem>>, %arg4: memref<1xf32, #tpu.memory_space<smem>>, %arg5: memref<1x1xf32, #tpu.memory_space<smem>>) attributes {dimension_semantics = [], scalar_prefetch = 0 : i64, scratch_operands = 0 : i64, tpu.core_type = #tpu.core_type<tc>} {
    %get3A = arith.constant 0 : index
    %get3A_0 = arith.constant 0 : index
    %get3A_1 = vector.load %arg0[%get3A, %get3A_0] : memref<2500x128xf32, #tpu.memory_space<vmem>>, vector<2500x128xf32>
    %get3A_2 = arith.constant 0 : index
    %get3A_3 = arith.constant 0 : index
    %get3A_4 = vector.load %arg1[%get3A_2, %get3A_3] : memref<2500x128xf32, #tpu.memory_space<vmem>>, vector<2500x128xf32>
    %get3A_5 = arith.constant 0 : index
    %get3A_6 = arith.constant 0 : index
    %get3A_7 = vector.load %arg2[%get3A_5, %get3A_6] : memref<2500x128xf32, #tpu.memory_space<vmem>>, vector<2500x128xf32>
    %get3A_8 = arith.constant 0 : index
    %get3A_9 = arith.constant 0 : index
    %get3A_10 = vector.load %arg3[%get3A_8, %get3A_9] : memref<2500x128xi32, #tpu.memory_space<vmem>>, vector<2500x128xi32>
    %eq3A = arith.constant 3 : i32
    %eq3A_11 = vector.broadcast %eq3A : i32 to vector<2500x128xi32>
    %eq3A_12 = arith.cmpi eq, %get3A_10, %eq3A_11 : vector<2500x128xi32>
    %jit3A = arith.constant 0.000000e+00 : f32
    %jit3A_13 = arith.constant 1.000000e+00 : f32
    %broadcast_in_dim3A = vector.broadcast %jit3A : f32 to vector<2500x128xf32>
    %broadcast_in_dim3A_14 = vector.broadcast %jit3A_13 : f32 to vector<2500x128xf32>
    %select_n3A = arith.select %eq3A_12, %broadcast_in_dim3A, %broadcast_in_dim3A_14 : vector<2500x128xi1>, vector<2500x128xf32>
    %max3A = arith.constant 0.000000e+00 : f32
    %max3A_15 = vector.broadcast %max3A : f32 to vector<2500x128xf32>
    %max3A_16 = arith.maximumf %get3A_7, %max3A_15 : vector<2500x128xf32>
    %mul3A = arith.mulf %get3A_7, %select_n3A : vector<2500x128xf32>
    %sub3A = arith.subf %max3A_16, %mul3A : vector<2500x128xf32>
    %abs3A = math.absf %get3A_7 : vector<2500x128xf32>
    %neg3A = arith.constant 0.000000e+00 : f32
    %neg3A_17 = vector.broadcast %neg3A : f32 to vector<2500x128xf32>
    %neg3A_18 = arith.subf %neg3A_17, %abs3A : vector<2500x128xf32>
    %exp3A = math.exp %neg3A_18 : vector<2500x128xf32>
    %log1p3A = math.log1p %exp3A : vector<2500x128xf32>
    %add3A = arith.addf %sub3A, %log1p3A : vector<2500x128xf32>
    %reduce_sum3A = vector.shape_cast %add3A : vector<2500x128xf32> to vector<1x2500x128xf32>
    %reduce_sum3A_19 = arith.constant dense<0.000000e+00> : vector<1xf32>
    %reduce_sum3A_20 = vector.multi_reduction <add>, %reduce_sum3A, %reduce_sum3A_19 [1, 2] : vector<1x2500x128xf32> to vector<1xf32>
    %reduce_sum3A_21 = vector.shape_cast %reduce_sum3A_20 : vector<1xf32> to vector<1x1x1xf32>
    %reduce_sum3A_22 = vector.extract %reduce_sum3A_21[0, 0, 0] : f32 from vector<1x1x1xf32>
    %mul3A_23 = arith.constant 3.125000e-06 : f32
    %mul3A_24 = arith.mulf %reduce_sum3A_22, %mul3A_23 : f32
    %mul3A_25 = arith.mulf %get3A_1, %get3A_1 : vector<2500x128xf32>
    %add3A_26 = arith.constant 1.000000e+00 : f32
    %add3A_27 = vector.broadcast %add3A_26 : f32 to vector<2500x128xf32>
    %add3A_28 = arith.addf %get3A_4, %add3A_27 : vector<2500x128xf32>
    %integer_pow3A = arith.mulf %add3A_28, %add3A_28 : vector<2500x128xf32>
    %add3A_29 = arith.addf %mul3A_25, %integer_pow3A : vector<2500x128xf32>
    %sqrt3A = math.sqrt %add3A_29 : vector<2500x128xf32>
    %neg3A_30 = arith.constant 0.000000e+00 : f32
    %neg3A_31 = vector.broadcast %neg3A_30 : f32 to vector<2500x128xf32>
    %neg3A_32 = arith.subf %neg3A_31, %sqrt3A : vector<2500x128xf32>
    %mul3A_33 = arith.mulf %get3A_1, %get3A_1 : vector<2500x128xf32>
    %sub3A_34 = arith.constant 1.000000e+00 : f32
    %sub3A_35 = vector.broadcast %sub3A_34 : f32 to vector<2500x128xf32>
    %sub3A_36 = arith.subf %get3A_4, %sub3A_35 : vector<2500x128xf32>
    %integer_pow3A_37 = arith.mulf %sub3A_36, %sub3A_36 : vector<2500x128xf32>
    %add3A_38 = arith.addf %mul3A_33, %integer_pow3A_37 : vector<2500x128xf32>
    %sqrt3A_39 = math.sqrt %add3A_38 : vector<2500x128xf32>
    %neg3A_40 = arith.constant 0.000000e+00 : f32
    %neg3A_41 = vector.broadcast %neg3A_40 : f32 to vector<2500x128xf32>
    %neg3A_42 = arith.subf %neg3A_41, %sqrt3A_39 : vector<2500x128xf32>
    %sub3A_43 = arith.constant 1.000000e+00 : f32
    %sub3A_44 = vector.broadcast %sub3A_43 : f32 to vector<2500x128xf32>
    %sub3A_45 = arith.subf %get3A_1, %sub3A_44 : vector<2500x128xf32>
    %integer_pow3A_46 = arith.mulf %sub3A_45, %sub3A_45 : vector<2500x128xf32>
    %mul3A_47 = arith.mulf %get3A_4, %get3A_4 : vector<2500x128xf32>
    %add3A_48 = arith.addf %integer_pow3A_46, %mul3A_47 : vector<2500x128xf32>
    %sqrt3A_49 = math.sqrt %add3A_48 : vector<2500x128xf32>
    %neg3A_50 = arith.constant 0.000000e+00 : f32
    %neg3A_51 = vector.broadcast %neg3A_50 : f32 to vector<2500x128xf32>
    %neg3A_52 = arith.subf %neg3A_51, %sqrt3A_49 : vector<2500x128xf32>
    %mul3A_53 = arith.mulf %get3A_1, %get3A_1 : vector<2500x128xf32>
    %mul3A_54 = arith.mulf %get3A_4, %get3A_4 : vector<2500x128xf32>
    %add3A_55 = arith.addf %mul3A_53, %mul3A_54 : vector<2500x128xf32>
    %sqrt3A_56 = math.sqrt %add3A_55 : vector<2500x128xf32>
    %neg3A_57 = arith.constant 0.000000e+00 : f32
    %neg3A_58 = vector.broadcast %neg3A_57 : f32 to vector<2500x128xf32>
    %neg3A_59 = arith.subf %neg3A_58, %sqrt3A_56 : vector<2500x128xf32>
    %max3A_60 = arith.maximumf %neg3A_32, %neg3A_42 : vector<2500x128xf32>
    %max3A_61 = arith.maximumf %neg3A_52, %neg3A_59 : vector<2500x128xf32>
    %max3A_62 = arith.maximumf %max3A_60, %max3A_61 : vector<2500x128xf32>
    %sub3A_63 = arith.subf %neg3A_32, %max3A_62 : vector<2500x128xf32>
    %exp3A_64 = math.exp %sub3A_63 : vector<2500x128xf32>
    %sub3A_65 = arith.subf %neg3A_42, %max3A_62 : vector<2500x128xf32>
    %exp3A_66 = math.exp %sub3A_65 : vector<2500x128xf32>
    %add3A_67 = arith.addf %exp3A_64, %exp3A_66 : vector<2500x128xf32>
    %sub3A_68 = arith.subf %neg3A_52, %max3A_62 : vector<2500x128xf32>
    %exp3A_69 = math.exp %sub3A_68 : vector<2500x128xf32>
    %add3A_70 = arith.addf %add3A_67, %exp3A_69 : vector<2500x128xf32>
    %sub3A_71 = arith.subf %neg3A_59, %max3A_62 : vector<2500x128xf32>
    %exp3A_72 = math.exp %sub3A_71 : vector<2500x128xf32>
    %add3A_73 = arith.addf %add3A_70, %exp3A_72 : vector<2500x128xf32>
    %log3A = math.log %add3A_73 : vector<2500x128xf32>
    %add3A_74 = arith.addf %max3A_62, %log3A : vector<2500x128xf32>
    %eq3A_75 = arith.constant 0 : i32
    %eq3A_76 = vector.broadcast %eq3A_75 : i32 to vector<2500x128xi32>
    %eq3A_77 = arith.cmpi eq, %get3A_10, %eq3A_76 : vector<2500x128xi32>
    %eq3A_78 = arith.constant 1 : i32
    %eq3A_79 = vector.broadcast %eq3A_78 : i32 to vector<2500x128xi32>
    %eq3A_80 = arith.cmpi eq, %get3A_10, %eq3A_79 : vector<2500x128xi32>
    %eq3A_81 = arith.constant 2 : i32
    %eq3A_82 = vector.broadcast %eq3A_81 : i32 to vector<2500x128xi32>
    %eq3A_83 = arith.cmpi eq, %get3A_10, %eq3A_82 : vector<2500x128xi32>
    %select_n3A_84 = arith.select %eq3A_83, %neg3A_52, %neg3A_59 : vector<2500x128xi1>, vector<2500x128xf32>
    %select_n3A_85 = arith.select %eq3A_80, %neg3A_42, %select_n3A_84 : vector<2500x128xi1>, vector<2500x128xf32>
    %select_n3A_86 = arith.select %eq3A_77, %neg3A_32, %select_n3A_85 : vector<2500x128xi1>, vector<2500x128xf32>
    %eq3A_87 = arith.constant 3 : i32
    %eq3A_88 = vector.broadcast %eq3A_87 : i32 to vector<2500x128xi32>
    %eq3A_89 = arith.cmpi eq, %get3A_10, %eq3A_88 : vector<2500x128xi32>
    %jit3A_90 = arith.constant 2.000000e-01 : f32
    %jit3A_91 = arith.constant 1.000000e+00 : f32
    %broadcast_in_dim3A_92 = vector.broadcast %jit3A_90 : f32 to vector<2500x128xf32>
    %broadcast_in_dim3A_93 = vector.broadcast %jit3A_91 : f32 to vector<2500x128xf32>
    %select_n3A_94 = arith.select %eq3A_89, %broadcast_in_dim3A_92, %broadcast_in_dim3A_93 : vector<2500x128xi1>, vector<2500x128xf32>
    %sub3A_95 = arith.subf %add3A_74, %select_n3A_86 : vector<2500x128xf32>
    %mul3A_96 = arith.mulf %select_n3A_94, %sub3A_95 : vector<2500x128xf32>
    %reduce_sum3A_97 = vector.shape_cast %mul3A_96 : vector<2500x128xf32> to vector<1x2500x128xf32>
    %reduce_sum3A_98 = arith.constant dense<0.000000e+00> : vector<1xf32>
    %reduce_sum3A_99 = vector.multi_reduction <add>, %reduce_sum3A_97, %reduce_sum3A_98 [1, 2] : vector<1x2500x128xf32> to vector<1xf32>
    %reduce_sum3A_100 = vector.shape_cast %reduce_sum3A_99 : vector<1xf32> to vector<1x1x1xf32>
    %reduce_sum3A_101 = vector.extract %reduce_sum3A_100[0, 0, 0] : f32 from vector<1x1x1xf32>
    %mul3A_102 = arith.constant 3.125000e-06 : f32
    %mul3A_103 = arith.mulf %reduce_sum3A_101, %mul3A_102 : f32
    %get3A_104 = arith.constant 0 : index
    %get3A_105 = memref.load %arg4[%get3A_104] : memref<1xf32, #tpu.memory_space<smem>>
    %mul3A_106 = arith.mulf %get3A_105, %mul3A_24 : f32
    %add3A_107 = arith.addf %mul3A_103, %mul3A_106 : f32
    %swap3A = arith.constant 0 : index
    %swap3A_108 = arith.constant 0 : index
    %swap3A_109 = memref.load %arg5[%swap3A, %swap3A_108] : memref<1x1xf32, #tpu.memory_space<smem>>
    memref.store %add3A_107, %arg5[%swap3A, %swap3A_108] : memref<1x1xf32, #tpu.memory_space<smem>>
    return
  }
}

</mosaic_0001>

<sc_bundles>
// kernel: kernel.5.cloned.1.call-start
scs
__scs_entry_jumppad:
0x0: {  	(pc) =	sbr.rel $0x88, $3  }
0x1: {  	(tag) =	ssettag $0x0;
	lr =	simm.s32 $0x1  }
0x2: {  	[smem:$0x3F9D] =	sst lr;
	_ =	strace $0xD0000000  }
0x3: {  	_ = 	snop  }
0x4: {  	_ = 	snop  }
0x5: {  	_ = 	snop  }
0x6: {  	_ = 	snop  }
0x7: {  	_ = 	snop  }
__scs_overlays_trampoline_lowered:
0x8: {  	[smem:$0x3FAC] =	sst s0  }
0x9: {  	[smem:$0x3FAD] =	sst s1  }
0xa: {  	[smem:$0x3FAE] =	sst s2  }
0xb: {  	[smem:$0x3FAF] =	sst s3  }
0xc: {  	[smem:$0x3FB0] =	sst s4  }
0xd: {  	[smem:$0x3FB1] =	sst s5  }
0xe: {  	[smem:$0x3FB2] =	sst s6  }
0xf: {  	[smem:$0x3FB3] =	sst s7  }
0x10: {  	[smem:$0x3FB4] =	sst s8  }
0x11: {  	[smem:$0x3FB5] =	sst s9;
	s0 =	simm.s32 @!p0 $0x0  }
0x12: {  	s1 =	sld [smem:$0x3F9B];
	s0 =	simm.s32 @p0 $0x1  }
0x13: {  	[smem:$0x3FB6] =	sst s0;
	s0 =	simm.s32 @!p1 $0x0  }
0x14: {  	s2 =	sld [smem:$0x3F9A];
	s0 =	simm.s32 @p1 $0x1  }
0x15: {  	[smem:$0x3FB7] =	sst s0;
	s0 =	simm.s32 @!p2 $0x0  }
0x16: {  	s3 =	sld [smem:$0x3FDB];
	s0 =	simm.s32 @p2 $0x1  }
0x17: {  	s4 =	simm.s32 $0x1BF5;
	[smem:$0x3FB9] =	sst s0  }
0x18: {  	s0 =	sld [smem:$0x3F9C];
	_ =	swait.ge [sflag:s4], $0x0  }
0x19: {  	s7 =	sld [smem:$0x3F9D]  }
0x1a: {  	s8 =	sadd.s32 $0xFFFFE003, lr  }
0x1b: {  	s9 =	sadd.s32 $0xFFFFFEF7, lr;
	s5 =	simm.s32 $0xFFFFFFFF;
	p2 =	slt.u32 s8, $0xFFFFF086  }
0x1c: {  	p1 =	slt.u32 s9, $0xF7A;
	s5 =	simm.s32 @!p2 $0x0  }
0x1d: {  	s5 =	simm.s32 @p1 $0x1;
	p0 =	seq.s32 s7, s2  }
0x1e: {  	s7 =	smul.u32 @!p0 $0xF7A, s2;
	p2 =	seq.s32 @!p0 s5, $0x0  }
0x1f: {  	s9 =	smul.u32 $0xF7A, s1;
	s8 =	simm.s32 @!p0 $0x1BF5;
	p2 =	por !p2, p0  }
0x20: {  	[sflag:s8] =	ssyncset.s32 @!p0 $0xFFFFF086;
	s6 =	sadd.s32 @!p0 s3, s7;
	s7 =	simm.s32 @!p0 $0x108  }
0x21: {  	s3 =	sadd.s32 s3, s9;
	s6 =	sadd.s32 @!p0 $0x88, s6;
	s7 =	simm.s32 @p2 $0x1082  }
0x22: {  	[simem:s7], [sflag:s8] =	dma.local @!p0 [hbm:s6], $0xF7A  }
0x23: {  	s9 =	sor.u32 $0xD0000000, s2;
	s6 =	simm.s32 $0x108;
	_ =	swait.ge @!p0 [sflag:s8], $0x0  }
0x24: {  	s3 =	sadd.s32 $0x88, s3;
	s6 =	simm.s32 @!p1 $0x1082;
	[sflag:s4] =	ssyncset.s32 $0xFFFFF086  }
0x25: {  	[simem:s6], [sflag:s4] =	dma.local [hbm:s3], $0xF7A  }
0x26: {  	[smem:$0x3F9D] =	sst s1;
	(tag) =	ssettag s2;
	_ =	strace s9  }
0x27: {  	s1 =	sld [smem:$0x3FAD]  }
0x28: {  	s2 =	sld [smem:$0x3FAE]  }
0x29: {  	s4 =	sld [smem:$0x3FB0]  }
0x2a: {  	p0 =	seq.s32 s5, $0x0;
	s5 =	sld [smem:$0x3FB1]  }
0x2b: {  	s6 =	sld [smem:$0x3FB2]  }
0x2c: {  	s7 =	sld [smem:$0x3FB3]  }
0x2d: {  	s3 =	simm.s32 $0x108;
	s8 =	sld [smem:$0x3FB4]  }
0x2e: {  	s3 =	simm.s32 @!p0 $0x1082;
	s9 =	sld [smem:$0x3FB5]  }
0x2f: {  	lr =	sadd.s32 s0, s3;
	s0 =	sld [smem:$0x3FAC]  }
0x30: {  	s3 =	sld [smem:$0x3FAF]  }
0x31: {  	[smem:$0x3FB8] =	sst s10  }
0x32: {  	s10 =	sld [smem:$0x3FB6];
	_ =	sdelay $0x3  }
0x33: {  	p0 =	seq.s32 s10, $0x1;
	s10 =	sld [smem:$0x3FB8];
	_ =	sdelay $0x3  }
0x34: {  	[smem:$0x3FB8] =	sst s10  }
0x35: {  	s10 =	sld [smem:$0x3FB7];
	_ =	sdelay $0x3  }
0x36: {  	p1 =	seq.s32 s10, $0x1;
	s10 =	sld [smem:$0x3FB8];
	_ =	sdelay $0x3  }
0x37: {  	[smem:$0x3FB8] =	sst s10  }
0x38: {  	s10 =	sld [smem:$0x3FB9]  }
0x39: {  	_ = 	snop;
	(pc) =	sbr.ind lr, $3  }
0x3a: {  	_ = 	snop  }
0x3b: {  	_ = 	snop  }
0x3c: {  	p2 =	seq.s32 s10, $0x1;
	s10 =	sld [smem:$0x3FB8]  }
0x3d: {  	_ =	shalt  }
0x3e: {  	_ =	shalt  }
0x3f: {  	_ =	shalt  }
0x40: {  	_ =	shalt  }
0x41: {  	_ =	shalt  }
0x42: {  	_ =	shalt  }
0x43: {  	_ =	shalt  }
0x44: {  	_ =	shalt  }
0x45: {  	_ =	shalt  }
0x46: {  	_ =	shalt  }
0x47: {  	_ =	shalt  }
0x48: {  	_ =	shalt  }
0x49: {  	_ =	shalt  }
0x4a: {  	_ =	shalt  }
0x4b: {  	_ =	shalt  }
0x4c: {  	_ =	shalt  }
0x4d: {  	_ =	shalt  }
0x4e: {  	_ =	shalt  }
0x4f: {  	_ =	shalt  }
0x50: {  	_ =	shalt  }
0x51: {  	_ =	shalt  }
0x52: {  	_ =	shalt  }
0x53: {  	_ =	shalt  }
0x54: {  	_ =	shalt  }
0x55: {  	_ =	shalt  }
0x56: {  	_ =	shalt  }
0x57: {  	_ =	shalt  }
0x58: {  	_ =	shalt  }
0x59: {  	_ =	shalt  }
0x5a: {  	_ =	shalt  }
0x5b: {  	_ =	shalt  }
0x5c: {  	_ =	shalt  }
0x5d: {  	_ =	shalt  }
0x5e: {  	_ =	shalt  }
0x5f: {  	_ =	shalt  }
0x60: {  	_ =	shalt  }
0x61: {  	_ =	shalt  }
0x62: {  	_ =	shalt  }
0x63: {  	_ =	shalt  }
0x64: {  	_ =	shalt  }
0x65: {  	_ =	shalt  }
0x66: {  	_ =	shalt  }
0x67: {  	_ =	shalt  }
0x68: {  	_ =	shalt  }
0x69: {  	_ =	shalt  }
0x6a: {  	_ =	shalt  }
0x6b: {  	_ =	shalt  }
0x6c: {  	_ =	shalt  }
0x6d: {  	_ =	shalt  }
0x6e: {  	_ =	shalt  }
0x6f: {  	_ =	shalt  }
0x70: {  	_ =	shalt  }
0x71: {  	_ =	shalt  }
0x72: {  	_ =	shalt  }
0x73: {  	_ =	shalt  }
0x74: {  	_ =	shalt  }
0x75: {  	_ =	shalt  }
0x76: {  	_ =	shalt  }
0x77: {  	_ =	shalt  }
0x78: {  	_ =	shalt  }
0x79: {  	_ =	shalt  }
0x7a: {  	_ =	shalt  }
0x7b: {  	_ =	shalt  }
0x7c: {  	_ =	shalt  }
0x7d: {  	_ =	shalt  }
0x7e: {  	_ =	shalt  }
0x7f: {  	_ =	shalt  }
0x80: {  	_ =	shalt  }
0x81: {  	_ =	shalt  }
0x82: {  	_ =	shalt  }
0x83: {  	_ =	shalt  }
0x84: {  	_ =	shalt  }
0x85: {  	_ =	shalt  }
0x86: {  	_ =	shalt  }
0x87: {  	_ =	shalt  }
.Lfunc_end0:
.L_simem_size_0:
called_computation_lowered:
.L_overlay_start_0:
0x88: {  	s2 =	sld [smem:$0x3FD9]  }
0x89: {  	s3 =	sld [smem:$0x3FFE];
	_ =	sdelay $0x1  }
0x8a: {  	s1 =	srdreg.scid  }
0x8b: {  	s0 =	sand.u32 $0x1, s1  }
0x8c: {  	s16 =	sshll.u32 s0, $0xA;
	s2 =	sadd.s32 s3, s2  }
0x8d: {  	s2 =	sadd.s32 s2, s16  }
0x8e: {  	[smem:$0x3FC4] =	sst s2  }
0x8f: {  	_ = 	snop  }
0x90: {  	(tm) =	ssettm $0x1  }
0x91: {  	s17 =	sld [smem:$0x3FFB];
	_ =	sdelay $0x3  }
0x92: {  	_ =	strace s17  }
0x93: {  	s2 =	sld [smem:$0x3FFC];
	_ =	sdelay $0x3  }
0x94: {  	_ =	strace s2  }
0x95: {  	s2 =	sld [smem:$0x3FFD];
	_ =	sdelay $0x3  }
0x96: {  	_ =	strace s2  }
0x97: {  	_ =	strace $0x8FFFFFFF  }
0x98: {  	s18 =	sld [smem:$0x3FDB];
	_ =	sdelay $0x1  }
0x99: {  	s19 =	simm.s32 $_scs_section_size  }
0x9a: {  	s4 =	simm.s32 $_size__tile_overlayer_lowered;
	s5 =	simm.s32 $_tile_overlayer_lowered  }
0x9b: {  	s22 =	simm.s32 $0x1BFF;
	s21 =	sshll.u32 s5, $0x1;
	s2 =	sadd.s32 s19, s18  }
0x9c: {  	s6 =	simm.s32 $0x0;
	s20 =	sshll.u32 s4, $0x1;
	s4 =	sadd.s32 s21, s2  }
0x9d: {  	[timem:s6], [sflag:s22] =	dma.local [hbm:s4], s20  }
0x9e: {  	_ =	swait.ge [sflag:s22], s20  }
0x9f: {  	s3 =	ssub.s32 $0x0, s20;
	[sflag:s22] =	ssyncset.done $0x0  }
0xa0: {  	[sflag:s22] =	ssyncadd.s32 s3;
	_ =	sdelay $0x1  }
0xa1: {  	s23 =	simm.s32 $0x1B8B  }
0xa2: {  	_ =	swait.ge [sflag:s23], $0x1  }
0xa3: {  	[sflag:s23] =	ssyncset.done $0x0  }
0xa4: {  	s25 =	simm.s32 $0x1B8E;
	s24 =	sld [smem:$0x3FFE];
	[sflag:s23] =	ssyncadd.s32 $0xFFFFFFFF  }
0xa5: {  	s26 =	simm.s32 $execute0_lowered;
	[smem:$0x3FD2] =	sst s25  }
0xa6: {  	s4 =	sshll.u32 s26, $0x1;
	_ =	strace $0x80000046;
	[dreg:$0x1] =	wrdreg $0xFFFFFFFF  }
0xa7: {  	s28 =	simm.s32 $_size_execute0_lowered;
	s2 =	sadd.s32 s2, s4;
	[dreg:$0x0] =	wrdreg $0x0  }
0xa8: {  	s4 =	sshll.u32 s28, $0x1;
	[dreg:$0x2] =	wrdreg s2  }
0xa9: {  	[dreg:$0x3] =	wrdreg s4  }
0xaa: {  	[dreg:$0x4] =	wrdreg $0xC0  }
0xab: {  	_ =	task [dreg:s6], $0x5FFFF  }
0xac: {  	[dreg:$0x1] =	wrdreg $0xFFFFFFFF  }
0xad: {  	[dreg:$0x0] =	wrdreg $0x60  }
0xae: {  	[dreg:$0x2] =	wrdreg s24  }
0xaf: {  	[dreg:$0x3] =	wrdreg $0x9  }
0xb0: {  	_ =	task.clear_ibuf [dreg:s6], $0x4FFFF;
	_ =	strace $0x90000046  }
0xb1: {  	s29 =	simm.s32 $0x9;
	_ =	strace $0x80000048  }
0xb2: {  	_ =	swait.ge [sflag:s29], $0x1  }
0xb3: {  	[sflag:s29] =	ssyncadd.s32 $0xFFFFFFFF  }
0xb4: {  	_ =	strace $0x90000048  }
0xb5: {  	_ =	sfence  }
0xb6: {  	s30 =	sld [smem:$0x0];
	_ =	sdelay $0x2  }
0xb7: {  	s31 =	sshll.u32 s1, $0xD;
	s1 =	sshrl.u32 s1, $0x2  }
0xb8: {  	s3 =	sand.u32 $0x4000, s31;
	s1 =	sadd.s32 s1, s30  }
0xb9: {  	s0 =	sor.u32 s3, s0;
	s1 =	sshll.u32 s1, $0x11  }
0xba: {  	s0 =	sor.u32 s1, s0  }
0xbb: {  	s0 =	sadd.s32 $0x8F2B, s0  }
0xbc: {  	[sflag:s0] =	ssyncadd.remote.s32 $0x1  }
0xbd: {  	_ =	sfence.sel $0xFFFF  }
0xbe: {  	[dreg:$0x0] =	wrdreg $0xFFFFFFFF;
	(pc) =	sbr.abs _section_cstart, $3  }
0xbf: {  	[dreg:$0x1] =	wrdreg $0xFFFFFFFF  }
0xc0: {  	_ =	task.clear_ibuf [dreg:s6], $0x2FFFF;
	_ =	strace $0x9FFFFFFF  }
0xc1: {  	(tm) =	ssettm $0x7FFFFFFF  }
tec
execute0_lowered:
.L_overlay_start_1:
0x0: {  	(tag) =	ssettag $0x1  }
0x1: {  	s0 =	srdreg.scid  }
0x2: {  	s1 =	stileid.u32;
	s4 =	rddreg [dreg:$0x0]  }
0x3: {  	s2 =	simm.s32 $0x0;
	s9 =	simm.s32 $0x9;
	s10 =	simm.s32 $0x30  }
0x4: {  	s11 =	simm.s32 $0x4E20;
	s12 =	simm.s32 $0xDE20;
	s14 =	simm.s32 $0x7220  }
0x5: {  	s16 =	simm.s32 $0x10220;
	s18 =	simm.s32 $0x9620;
	s20 =	simm.s32 $0x12620  }
0x6: {  	s22 =	simm.s32 $0xBA20;
	s24 =	simm.s32 $0x14A20;
	s25 =	simm.s32 $0x1  }
0x7: {  	s28 =	simm.s32 $0x2;
	s0 =	sand.u32 $0x1, s0;
	s1 =	sshll.u32 s1, $0x1  }
0x8: {  	s29 =	simm.s32 $0x6;
	s30 =	simm.s32 $0x3;
	s1 =	sor.u32 s0, s1  }
0x9: {  	s31 =	simm.s32 $0x7;
	s19 =	simm.s32 $0x0;
	s5 =	smul.u32 $0x9C4, s1  }
0xa: {  	v57 =	vlaneseq.u32;
	[smem:$0x7FF] =	sst s2;
	s0 =	ssub.s32 $0x2, s0;
	s1 =	smul.u32 $0x4E2, s1  }
0xb: {  	s3 =	sadd.s32 $0x15A00, s4;
	v62 =	vmul.u32 $0xC0, v57;
	_ =	strace $0x80000047;
	s6 =	sshrl.u32 s0, $0x1  }
0xc: {  	v58 =	vor.u32 $0xFFFFFFC0, v57;
	s0 =	ssub.s32 s0, s6;
	s5 =	sadd.s32 s5, s4;
	s1 =	sadd.s32 s1, s4  }
0xd: {  	v55 =	vadd.s32 $0x40, v62;
	v2 =	vadd.s32 $0x80, v62;
	v1 =	vadd.s32 $0x1880, v62;
	s8 =	smax.u32 s0, $0x1;
	s0 =	simm.s32 $0x8;
	s26 =	sadd.s32 $0x1E00, s5  }
0xe: {  	v61 =	vadd.s32 $0xC00, v62;
	v59 =	vadd.s32 $0xC40, v62;
	[tilespmem:$0x1FFE0] =	vst v1;
	s5 =	sadd.s32 $0x50400, s1;
	s6 =	sadd.s32 $0x5A200, s1;
	s7 =	sadd.s32 $0x64000, s1  }
0xf: {  	v60 =	vadd.s32 $0xC80, v62;
	v63 =	vadd.s32 $0x1800, v62;
	v52 =	vadd.s32 $0x1840, v62;
	[tilespmem:$0x1FFF0] =	vst v2;
	s1 =	simm.s32 $0x4;
	[dreg:$0x2] =	wrdreg s26;
	s26 =	simm.s32 $0x5  }
.LBB2_1:
0x10: {  	s4 =	rddreg [dreg:$0x2]  }
0x11: {  	[tilespmem:s2], [sflag:$0x9] =	stream.linear.gather [hbm4b:s4+s2], $0x4E20, $0x38;
	[tilespmem:$0x1E350] =	vst v63  }
0x12: {  	_ =	swait.ge [sflag:s9], $0x4E20  }
0x13: {  	[sflag:s9] =	ssyncset.done $0x0  }
0x14: {  	[sflag:s9] =	ssyncadd.s32 $0xFFFFB1E0  }
0x15: {  	[tilespmem:s11], [sflag:$0x1] =	stream.indirect.gather [hbm4b:s3+s10], $0xC0, s2, s10, $0xb8;
	[tilespmem:$0x1E350] =	vst v63  }
0x16: {  	_ = 	snop  }
0x17: {  	[tilespmem:s12], [sflag:$0x5] =	stream.indirect.gather [hbm4b:s3+s10], $0xC0, s10, s10, $0xb8;
	[tilespmem:$0x1E350] =	vst v63  }
0x18: {  	s23 =	simm.s32 $0x60  }
0x19: {  	[tilespmem:s14], [sflag:$0x2] =	stream.indirect.gather [hbm4b:s3+s10], $0xC0, s23, s10, $0xb8;
	[tilespmem:$0x1E350] =	vst v63  }
0x1a: {  	s13 =	simm.s32 $0x90  }
0x1b: {  	[tilespmem:s16], [sflag:$0x6] =	stream.indirect.gather [hbm4b:s3+s10], $0xC0, s13, s10, $0xb8;
	[tilespmem:$0x1E350] =	vst v63  }
0x1c: {  	s15 =	simm.s32 $0xC0  }
0x1d: {  	[tilespmem:s18], [sflag:$0x3] =	stream.indirect.gather [hbm4b:s3+s10], $0xC0, s15, s10, $0xb8;
	[tilespmem:$0x1E350] =	vst v63  }
0x1e: {  	s17 =	simm.s32 $0xF0  }
0x1f: {  	[tilespmem:s20], [sflag:$0x7] =	stream.indirect.gather [hbm4b:s3+s10], $0xC0, s17, s10, $0xb8;
	[tilespmem:$0x1E350] =	vst v63  }
0x20: {  	s21 =	simm.s32 $0x120  }
0x21: {  	[tilespmem:s22], [sflag:$0x4] =	stream.indirect.gather [hbm4b:s3+s10], $0xC0, s21, s10, $0xb8;
	[tilespmem:$0x1E350] =	vst v63  }
0x22: {  	s23 =	simm.s32 $0x150;
	s21 =	simm.s32 $0x0  }
0x23: {  	[tilespmem:s24], [sflag:$0x8] =	stream.indirect.gather [hbm4b:s3+s10], $0xC0, s23, s10, $0xb8;
	[tilespmem:$0x1E350] =	vst v63  }
.LBB2_2:
0x24: {  	_ =	swait.ge [sflag:s25], $0x2400  }
0x25: {  	s13 =	sshll.u32 s21, $0x2;
	[sflag:s25] =	ssyncset.done $0x0  }
0x26: {  	p0 =	seq.s32 s21, $0x33;
	s13 =	sadd.s32 $0x4, s13;
	[sflag:s25] =	ssyncadd.s32 $0xFFFFDC00  }
0x27: {  	s15 =	smul.u32 @!p0 $0x180, s13;
	_ =	swait.ge [sflag:s26], $0x2400  }
0x28: {  	s4 =	simm.s32 $0x1;
	s17 =	simm.s32 @!p0 $0x30;
	[sflag:s26] =	ssyncset.done $0x0  }
0x29: {  	s23 =	simm.s32 @!p0 $0x4E20;
	v11 =	vadd.s32 s4, v57;
	s15 =	sshra.s32 @!p0 s15, $0x2;
	[sflag:s26] =	ssyncadd.s32 $0xFFFFDC00  }
0x2a: {  	v12 =	vadd.s32 s4, v58;
	vm0 =	vgt.u32 v11, $0x3F;
	[tilespmem:s23], [sflag:$0x1] =	stream.indirect.gather @!p0 [hbm4b:s3+s17], $0xC0, s15, s17, $0xb8;
	[tilespmem:$0x1E350] =	vst v63  }
0x2b: {  	s4 =	simm.s32 @!p0 $0xDE20;
	p1 =	sne.s32 s13, $0xD0;
	v11 =	vsel vm0, v12, v11;
	s15 =	sadd.s32 @!p0 $0x30, s15  }
0x2c: {  	v12 =	vadd.s32 v2, v11;
	[tilespmem:s4], [sflag:$0x5] =	stream.indirect.gather @!p0 [hbm4b:s3+s17], $0xC0, s15, s17, $0xb8;
	[tilespmem:$0x1E350] =	vst v63  }
0x2d: {  	s13 =	simm.s32 @!p1 $0x4E00;
	s4 =	simm.s32 @!p1 $0x10;
	s15 =	simm.s32 @!p1 $0x4E20  }
0x2e: {  	v13 =	vadd.s32 v59, v11;
	[tilespmem:s15], [sflag:$0x1] =	stream.indirect.gather @!p1 [hbm4b:s3+s4], $0xC0, s13, s4, $0xb8;
	[tilespmem:$0x1E350] =	vst v63  }
0x2f: {  	v14 =	vadd.s32 v60, v11;
	s13 =	simm.s32 @!p1 $0x4E10;
	s15 =	simm.s32 @!p1 $0xDE20  }
0x30: {  	[tilespmem:s15], [sflag:$0x5] =	stream.indirect.gather @!p1 [hbm4b:s3+s4], $0xC0, s13, s4, $0xb8;
	[tilespmem:$0x1E350] =	vst v63  }
0x31: {  	v15 =	vld.idx.msk [tilespmem:v12+s12+$0x0], $0xffff  }
0x32: {  	v16 =	vadd.s32 v55, v11;
	v12 =	vld.idx.msk [tilespmem:v12+s11+$0x0], $0xffff  }
0x33: {  	v18 =	vld.idx.msk [tilespmem:v13+s11+$0x0], $0xffff  }
0x34: {  	v19 =	vadd.s32 v62, v11;
	v21 =	vld.idx.msk [tilespmem:v14+s11+$0x0], $0xffff  }
0x35: {  	s23 =	simm.s32 $0x0;
	v14 =	vld.idx.msk [tilespmem:v14+s12+$0x0], $0xffff  }
0x36: {  	v23 =	vadd.s32 v1, v11;
	v17 =	vadd.s32 s23, v57;
	v13 =	vld.idx.msk [tilespmem:v13+s12+$0x0], $0xffff  }
0x37: {  	v20 =	vadd.s32 s23, v58;
	vm15 =	vgt.u32 v17, $0x3F;
	v25 =	vld.idx.msk [tilespmem:v16+s12+$0x0], $0xffff  }
0x38: {  	v30 =	vadd.s32 v61, v11;
	v22 =	vsel vm15, v20, v17;
	v16 =	vld.idx.msk [tilespmem:v16+s11+$0x0], $0xffff  }
0x39: {  	v24 =	vadd.s32 v55, v22;
	v28 =	vld.idx.msk [tilespmem:v19+s12+$0x0], $0xffff  }
0x3a: {  	v26 =	vadd.s32 v2, v22;
	v19 =	vld.idx.msk [tilespmem:v19+s11+$0x0], $0xffff  }
0x3b: {  	v41 =	vadd.s32 v52, v11;
	v33 =	vadd.s32 v60, v22;
	v32 =	vld.idx.msk [tilespmem:v23+s12+$0x0], $0xffff  }
0x3c: {  	v38 =	vadd.s32 v61, v22;
	v42 =	vadd.s32 v59, v22;
	v17 =	vadd.s32 v62, v22;
	v36 =	vld.idx.msk [tilespmem:v23+s11+$0x0], $0xffff  }
0x3d: {  	v20 =	vadd.s32 v63, v22;
	v31 =	vadd.s32 v52, v22;
	v23 =	vadd.s32 v1, v22;
	v22 =	vld.idx.msk [tilespmem:v30+s12+$0x0], $0xffff  }
0x3e: {  	v29 =	vld.idx.msk [tilespmem:v24+s11+$0x0], $0xffff  }
0x3f: {  	v35 =	vld.idx.msk [tilespmem:v26+s11+$0x0], $0xffff  }
0x40: {  	v26 =	vld.idx.msk [tilespmem:v26+s12+$0x0], $0xffff;
	v39 =	vmul.bf16 v14, v21;
	v34 =	vmul.bf16 v15, v12  }
0x41: {  	v24 =	vld.idx.msk [tilespmem:v24+s12+$0x0], $0xffff;
	v12 =	vmul.bf16 v12, v25;
	v25 =	vmul.bf16 v25, v16  }
0x42: {  	v37 =	vimm.f32 $0.0e+00;
	v44 =	vld.idx.msk [tilespmem:v41+s11+$0x0], $0xffff;
	v14 =	vmul.bf16 v14, v18;
	v15 =	vmul.bf16 v15, v16  }
0x43: {  	v27 =	vld.idx.msk [tilespmem:v33+s12+$0x0], $0xffff;
	v16 =	vmul.bf16 v21, v13;
	v21 =	vadd.s32 v63, v11;
	v34 =	vadd.bf16 v34, v25  }
0x44: {  	v40 =	vld.idx.msk [tilespmem:v38+s12+$0x0], $0xffff;
	v11 =	vsub.bf16 v12, v15;
	v12 =	vmul.bf16 v13, v18;
	v13 =	vmul.bf16 v28, v19  }
0x45: {  	v43 =	vld.idx.msk [tilespmem:v38+s11+$0x0], $0xffff;
	v15 =	vsub.bf16 v16, v14;
	v16 =	vmul.bf16 v26, v35;
	v19 =	vmul.bf16 v26, v29  }
0x46: {  	v18 =	vld.idx.msk [tilespmem:v30+s11+$0x0], $0xffff;
	v25 =	vmul.bf16 v24, v29;
	v24 =	vmul.bf16 v35, v24;
	v26 =	vimm.f32 $0.0e+00  }
0x47: {  	v30 =	vld.idx.msk [tilespmem:v42+s12+$0x0], $0xffff;
	v28 =	vadd.bf16 v39, v12;
	v12 =	vunpack.i.u.bf16.f32 v13;
	v14 =	vunpack.i.l.bf16.f32 v13  }
0x48: {  	v39 =	vld.idx.msk [tilespmem:v41+s12+$0x0], $0xffff;
	v13 =	vunpack.i.u.bf16.f32 v15;
	v15 =	vunpack.i.l.bf16.f32 v15;
	v46 =	vadd.bf16 v16, v25  }
0x49: {  	v45 =	vsub.bf16 v24, v19;
	v25 =	vimm.f32 $0.0e+00;
	v24 =	vimm.f32 $0.0e+00;
	v35 =	vld.idx.msk [tilespmem:v21+s12+$0x0], $0xffff  }
0x4a: {  	v19 =	vimm.f32 $0.0e+00;
	v16 =	vimm.f32 $0.0e+00;
	v41 =	vld.idx.msk [tilespmem:v21+s11+$0x0], $0xffff;
	v21 =	vimm.f32 $0.0e+00  }
0x4b: {  	v10 =	vmovc v52;
	v4 =	vmovc v55;
	s13 =	simm.s32 $0x2;
	v42 =	vld.idx.msk [tilespmem:v42+s11+$0x0], $0xffff;
	v38 =	vmul.bf16 v22, v18;
	v22 =	vimm.f32 $0.0e+00;
	v18 =	vimm.f32 $0.0e+00  }
.LBB2_3:
0x4c: {  	v47 =	vunpack.i.u.bf16.f32 v34;
	v29 =	vunpack.i.l.bf16.f32 v11  }
0x4d: {  	v53 =	vmul.bf16 v32, v36;
	v56 =	vunpack.i.l.bf16.f32 v34;
	v48 =	vunpack.i.l.bf16.f32 v28  }
0x4e: {  	v33 =	vld.idx.msk [tilespmem:v33+s11+$0x0], $0xffff;
	v49 =	vunpack.i.l.bf16.f32 v46;
	v50 =	vunpack.i.l.bf16.f32 v38;
	v52 =	vunpack.i.l.bf16.f32 v45  }
0x4f: {  	s15 =	smov.u32 s13;
	v46 =	vunpack.i.u.bf16.f32 v46;
	v28 =	vunpack.i.u.bf16.f32 v28;
	v51 =	vmul.bf16 v36, v39  }
0x50: {  	s4 =	sadd.s32 $0x1, s15;
	v25 =	vadd.f32 v49, v25;
	v43 =	vmul.bf16 v40, v43;
	v39 =	vmul.bf16 v39, v44  }
0x51: {  	v54 =	vld.idx.msk [tilespmem:v23+s11+$0x0], $0xffff;
	v36 =	vunpack.i.u.bf16.f32 v45;
	v32 =	vmul.bf16 v32, v44;
	v44 =	vadd.s32 s4, v57  }
0x52: {  	v55 =	vld.idx.msk [tilespmem:v31+s11+$0x0], $0xffff;
	v40 =	vadd.f32 v52, v37;
	v52 =	vmul.bf16 v30, v42;
	v35 =	vmul.bf16 v35, v41  }
0x53: {  	v1 =	vld [tilespmem:$0x1FFF0];
	v25 =	vadd.f32 v25, v46;
	v41 =	vunpack.i.u.bf16.f32 v38;
	v49 =	vmul.bf16 v27, v33  }
0x54: {  	v0 =	vld [tilespmem:$0x1FFE0];
	vm0 =	vgt.u32 v44, $0x3F;
	v27 =	vmul.bf16 v27, v42;
	v30 =	vmul.bf16 v33, v30  }
0x55: {  	v31 =	vld.idx.msk [tilespmem:v31+s12+$0x0], $0xffff;
	v45 =	vunpack.i.l.bf16.f32 v43;
	v37 =	vadd.bf16 v53, v39;
	v38 =	vunpack.i.u.bf16.f32 v43  }
0x56: {  	v23 =	vld.idx.msk [tilespmem:v23+s12+$0x0], $0xffff;
	v25 =	vadd.f32 v56, v25;
	v53 =	vadd.s32 s4, v58;
	v24 =	vadd.f32 v45, v24  }
0x57: {  	v33 =	vld.idx.msk [tilespmem:v20+s12+$0x0], $0xffff;
	v45 =	vadd.bf16 v49, v52;
	v44 =	vsel vm0, v53, v44;
	v30 =	vsub.bf16 v30, v27  }
0x58: {  	v20 =	vld.idx.msk [tilespmem:v20+s11+$0x0], $0xffff;
	v34 =	vadd.s32 v1, v44;
	v49 =	vadd.s32 v61, v44;
	v53 =	vadd.s32 v59, v44  }
0x59: {  	v43 =	vld.idx.msk [tilespmem:v17+s12+$0x0], $0xffff;
	v46 =	vadd.s32 v60, v44;
	v25 =	vadd.f32 v25, v47;
	v47 =	vadd.s32 v0, v44  }
0x5a: {  	v17 =	vld.idx.msk [tilespmem:v17+s11+$0x0], $0xffff;
	v24 =	vadd.f32 v24, v38;
	v38 =	vsub.bf16 v51, v32;
	v32 =	vadd.s32 v4, v44  }
0x5b: {  	v56 =	vunpack.i.l.bf16.f32 v45;
	v51 =	vmul.bf16 v31, v55;
	v31 =	vmul.bf16 v54, v31  }
0x5c: {  	v45 =	vunpack.i.u.bf16.f32 v45;
	v54 =	vmul.bf16 v23, v54;
	v19 =	vadd.f32 v56, v19  }
0x5d: {  	v23 =	vmul.bf16 v23, v55;
	v56 =	vadd.s32 v62, v44;
	v24 =	vadd.f32 v50, v24  }
0x5e: {  	v20 =	vmul.bf16 v33, v20;
	v50 =	vadd.bf16 v54, v51;
	v19 =	vadd.f32 v19, v45  }
0x5f: {  	v43 =	vmul.bf16 v43, v17;
	v17 =	vsub.bf16 v31, v23;
	v23 =	vadd.s32 s15, v58  }
0x60: {  	v31 =	vunpack.i.l.bf16.f32 v20;
	v45 =	vld.idx.msk [tilespmem:v34+s12+$0x0], $0xffff;
	v24 =	vadd.f32 v24, v41;
	v19 =	vadd.f32 v48, v19  }
0x61: {  	v34 =	vld.idx.msk [tilespmem:v34+s11+$0x0], $0xffff;
	v51 =	vunpack.i.u.bf16.f32 v50;
	v26 =	vadd.f32 v31, v26;
	v31 =	vunpack.i.l.bf16.f32 v50  }
0x62: {  	v2 =	vmovc v58;
	v7 =	vmovc v59;
	v50 =	vunpack.i.u.bf16.f32 v20;
	v54 =	vld.idx.msk [tilespmem:v32+s12+$0x0], $0xffff;
	v19 =	vadd.f32 v19, v28;
	v28 =	vadd.s32 s15, v57  }
0x63: {  	v8 =	vmovc v60;
	v6 =	vmovc v61;
	v55 =	vunpack.i.l.bf16.f32 v43;
	v20 =	vunpack.i.l.bf16.f32 v17;
	v32 =	vld.idx.msk [tilespmem:v32+s11+$0x0], $0xffff;
	vm15 =	vgt.u32 v28, $0x3F  }
0x64: {  	v41 =	vld.idx.msk [tilespmem:v46+s11+$0x0], $0xffff;
	v22 =	vadd.f32 v20, v22;
	v21 =	vadd.f32 v31, v21;
	v28 =	vsel vm15, v23, v28  }
0x65: {  	v46 =	vld.idx.msk [tilespmem:v46+s12+$0x0], $0xffff;
	v18 =	vadd.f32 v55, v18;
	v57 =	vadd.s32 v4, v28;
	v58 =	vadd.s32 v1, v28  }
0x66: {  	v9 =	vmovc v62;
	v48 =	vld.idx.msk [tilespmem:v53+s11+$0x0], $0xffff;
	v59 =	vadd.s32 v59, v28;
	v33 =	vadd.s32 v60, v28;
	v60 =	vunpack.i.u.bf16.f32 v17  }
0x67: {  	v53 =	vld.idx.msk [tilespmem:v53+s12+$0x0], $0xffff;
	v17 =	vadd.s32 v62, v28;
	v23 =	vadd.s32 v0, v28;
	v0 =	vmul.bf16 v45, v34  }
0x68: {  	v61 =	vadd.s32 v61, v28;
	v62 =	vld.idx.msk [tilespmem:v56+s12+$0x0], $0xffff;
	v5 =	vmul.bf16 v34, v54;
	v45 =	vmul.bf16 v45, v32  }
0x69: {  	v52 =	vunpack.i.l.bf16.f32 v38;
	v20 =	vadd.s32 v63, v28;
	v1 =	vmovc v63;
	v56 =	vld.idx.msk [tilespmem:v56+s11+$0x0], $0xffff;
	v22 =	vadd.f32 v22, v60  }
0x6a: {  	v63 =	vmul.bf16 v46, v41;
	v34 =	vmul.bf16 v54, v32;
	v32 =	vld.idx.msk [tilespmem:v47+s12+$0x0], $0xffff;
	v5 =	vsub.bf16 v5, v45  }
0x6b: {  	v31 =	vadd.s32 v10, v28;
	v22 =	vadd.f32 v52, v22;
	v52 =	vadd.f32 v40, v36;
	v36 =	vld.idx.msk [tilespmem:v47+s11+$0x0], $0xffff  }
0x6c: {  	v28 =	vmul.bf16 v53, v48;
	v41 =	vmul.bf16 v41, v53;
	v53 =	vunpack.i.u.bf16.f32 v11;
	v11 =	vmovc v5;
	v5 =	vld.idx.msk [tilespmem:v49+s11+$0x0], $0xffff  }
0x6d: {  	v39 =	vunpack.i.l.bf16.f32 v35;
	v43 =	vunpack.i.u.bf16.f32 v43;
	v26 =	vadd.f32 v26, v50;
	v60 =	vld.idx.msk [tilespmem:v57+s11+$0x0], $0xffff  }
0x6e: {  	v55 =	vunpack.i.l.bf16.f32 v30;
	v21 =	vadd.f32 v21, v51;
	v18 =	vadd.f32 v18, v43;
	v51 =	vld.idx.msk [tilespmem:v58+s11+$0x0], $0xffff  }
0x6f: {  	v42 =	vunpack.i.l.bf16.f32 v37;
	v16 =	vadd.f32 v55, v16;
	v26 =	vadd.f32 v39, v26;
	v27 =	vld.idx.msk [tilespmem:v33+s12+$0x0], $0xffff  }
0x70: {  	v37 =	vunpack.i.u.bf16.f32 v37;
	v21 =	vadd.f32 v42, v21;
	v14 =	vadd.f32 v14, v18;
	v40 =	vld.idx.msk [tilespmem:v61+s12+$0x0], $0xffff  }
0x71: {  	v18 =	vunpack.i.u.bf16.f32 v35;
	v34 =	vadd.bf16 v0, v34;
	v0 =	vunpack.i.u.bf16.f32 v30;
	v30 =	vld.idx.msk [tilespmem:v59+s12+$0x0], $0xffff  }
0x72: {  	v46 =	vmul.bf16 v46, v48;
	v26 =	vadd.f32 v26, v18;
	v45 =	vadd.s32 v10, v44;
	v48 =	vld.idx.msk [tilespmem:v58+s12+$0x0], $0xffff  }
0x73: {  	v21 =	vadd.f32 v21, v37;
	v18 =	vadd.f32 v14, v12;
	v50 =	vld.idx.msk [tilespmem:v57+s12+$0x0], $0xffff  }
0x74: {  	v47 =	vadd.s32 v1, v44;
	v0 =	vadd.f32 v16, v0;
	v16 =	vadd.f32 v29, v52;
	v29 =	vld.idx.msk [tilespmem:v49+s12+$0x0], $0xffff  }
0x75: {  	v28 =	vadd.bf16 v63, v28;
	v41 =	vsub.bf16 v41, v46;
	v43 =	vld.idx.msk [tilespmem:v61+s11+$0x0], $0xffff  }
0x76: {  	p1 =	slt.u32 s13, $0x3E;
	v63 =	vmovc v1;
	v58 =	vmovc v2;
	v57 =	vlaneseq.u32;
	v0 =	vadd.f32 v15, v0;
	v15 =	vunpack.i.u.bf16.f32 v38;
	v42 =	vld.idx.msk [tilespmem:v59+s11+$0x0], $0xffff  }
.Ltmp0:
0x77: {  	v22 =	vadd.f32 v22, v15;
	v15 =	vmul.bf16 v62, v56;
	v37 =	vadd.f32 v16, v53;
	v39 =	vld.idx.msk [tilespmem:v45+s12+$0x0], $0xffff;
	(pc) =	sbr.rel @p1 .LBB2_3-.Ltmp0, $4  }
0x78: {  	v16 =	vadd.f32 v0, v13;
	v44 =	vld.idx.msk [tilespmem:v45+s11+$0x0], $0xffff;
	v0 =	vmul.bf16 v48, v51;
	v54 =	vmul.bf16 v48, v60  }
0x79: {  	v61 =	vmovc v6;
	v13 =	vunpack.i.u.bf16.f32 v41;
	v35 =	vld.idx.msk [tilespmem:v47+s12+$0x0], $0xffff;
	v55 =	vmul.bf16 v50, v60;
	v56 =	vmul.bf16 v51, v50  }
0x7a: {  	v59 =	vmovc v7;
	v62 =	vmovc v9;
	v12 =	vunpack.i.u.bf16.f32 v15;
	v14 =	vunpack.i.l.bf16.f32 v15;
	v15 =	vunpack.i.l.bf16.f32 v41;
	v41 =	vld.idx.msk [tilespmem:v47+s11+$0x0], $0xffff  }
0x7b: {  	s13 =	sadd.s32 $0x2, s13;
	v60 =	vmovc v8;
	v38 =	vmul.bf16 v29, v5;
	v46 =	vadd.bf16 v0, v55;
	v45 =	vsub.bf16 v56, v54  }
0x7c: {  	_ =	sdelay $0x2  }
0x7d: {  	v5 =	vunpack.i.u.bf16.f32 v34;
	v29 =	vunpack.i.l.bf16.f32 v11;
	v49 =	vmul.bf16 v36, v39  }
0x7e: {  	v0 =	vld.idx.msk [tilespmem:v33+s11+$0x0], $0xffff;
	v33 =	vunpack.i.l.bf16.f32 v28;
	v40 =	vmul.bf16 v40, v43;
	v54 =	vmul.bf16 v32, v36  }
0x7f: {  	v55 =	vmul.bf16 v30, v42;
	v52 =	vunpack.i.l.bf16.f32 v34;
	v11 =	vunpack.i.u.bf16.f32 v11  }
0x80: {  	v47 =	vunpack.i.l.bf16.f32 v46;
	v48 =	vunpack.i.l.bf16.f32 v38;
	v43 =	vunpack.i.u.bf16.f32 v46;
	v46 =	vld.idx.msk [tilespmem:v23+s11+$0x0], $0xffff  }
0x81: {  	v50 =	vunpack.i.l.bf16.f32 v45;
	v39 =	vmul.bf16 v39, v44;
	v32 =	vmul.bf16 v32, v44;
	v44 =	vld.idx.msk [tilespmem:v31+s11+$0x0], $0xffff  }
0x82: {  	v45 =	vunpack.i.u.bf16.f32 v45;
	v31 =	vld.idx.msk [tilespmem:v31+s12+$0x0], $0xffff;
	v51 =	vunpack.i.l.bf16.f32 v40;
	v25 =	vadd.f32 v47, v25  }
0x83: {  	v23 =	vld.idx.msk [tilespmem:v23+s12+$0x0], $0xffff;
	v37 =	vadd.f32 v50, v37;
	v40 =	vunpack.i.u.bf16.f32 v40;
	v56 =	vmul.bf16 v27, v0  }
0x84: {  	v36 =	vadd.bf16 v54, v39;
	v35 =	vmul.bf16 v35, v41;
	v24 =	vadd.f32 v51, v24;
	v54 =	vld.idx.msk [tilespmem:v20+s12+$0x0], $0xffff  }
0x85: {  	v20 =	vld.idx.msk [tilespmem:v20+s11+$0x0], $0xffff;
	v25 =	vadd.f32 v25, v43;
	v27 =	vmul.bf16 v27, v42;
	v53 =	vadd.bf16 v56, v55  }
0x86: {  	v24 =	vadd.f32 v24, v40;
	v0 =	vmul.bf16 v0, v30;
	v30 =	vsub.bf16 v49, v32  }
0x87: {  	v25 =	vadd.f32 v52, v25;
	v49 =	vmul.bf16 v31, v44;
	v56 =	vld.idx.msk [tilespmem:v17+s12+$0x0], $0xffff;
	v47 =	vunpack.i.l.bf16.f32 v53  }
0x88: {  	v31 =	vmul.bf16 v46, v31;
	v50 =	vmul.bf16 v23, v46;
	v17 =	vld.idx.msk [tilespmem:v17+s11+$0x0], $0xffff;
	v19 =	vadd.f32 v47, v19  }
0x89: {  	v23 =	vmul.bf16 v23, v44;
	v24 =	vadd.f32 v48, v24;
	v39 =	vunpack.i.u.bf16.f32 v53  }
0x8a: {  	v0 =	vsub.bf16 v0, v27;
	v20 =	vmul.bf16 v54, v20;
	v19 =	vadd.f32 v19, v39  }
0x8b: {  	v5 =	vadd.f32 v25, v5;
	v25 =	vunpack.i.u.bf16.f32 v28;
	v28 =	vadd.bf16 v50, v49  }
0x8c: {  	v23 =	vsub.bf16 v31, v23;
	v31 =	vunpack.i.l.bf16.f32 v20;
	v19 =	vadd.f32 v33, v19  }
0x8d: {  	s23 =	smul.u32 $0xC0, s21;
	v27 =	vunpack.i.u.bf16.f32 v28;
	v28 =	vunpack.i.l.bf16.f32 v28;
	v17 =	vmul.bf16 v56, v17  }
0x8e: {  	v19 =	vadd.f32 v19, v25;
	v25 =	vadd.f32 v31, v26;
	v31 =	vunpack.i.l.bf16.f32 v23  }
0x8f: {  	[tilespmem:s23+$0x16E20] =	vst v5;
	v5 =	vunpack.i.u.bf16.f32 v20;
	v26 =	vunpack.i.l.bf16.f32 v17;
	v22 =	vadd.f32 v31, v22  }
0x90: {  	v18 =	vadd.f32 v26, v18;
	v26 =	vadd.f32 v37, v45;
	v31 =	vunpack.i.l.bf16.f32 v0  }
0x91: {  	v17 =	vunpack.i.u.bf16.f32 v17;
	v16 =	vadd.f32 v31, v16;
	v5 =	vadd.f32 v25, v5  }
0x92: {  	v0 =	vunpack.i.u.bf16.f32 v0;
	v17 =	vadd.f32 v18, v17;
	v18 =	vadd.f32 v28, v21  }
0x93: {  	v51 =	vunpack.i.l.bf16.f32 v36;
	v21 =	vadd.f32 v29, v26;
	v0 =	vadd.f32 v16, v0  }
0x94: {  	v55 =	vunpack.i.u.bf16.f32 v38;
	v14 =	vadd.f32 v14, v17;
	v17 =	vadd.f32 v18, v27  }
0x95: {  	v11 =	vadd.f32 v21, v11;
	v18 =	vunpack.i.u.bf16.f32 v23;
	v0 =	vadd.f32 v15, v0  }
0x96: {  	[tilespmem:s23+$0x16E30] =	vst v19;
	v16 =	vunpack.i.l.bf16.f32 v35;
	v12 =	vadd.f32 v14, v12;
	v14 =	vadd.f32 v22, v18  }
0x97: {  	v15 =	vadd.f32 v51, v17;
	[tilespmem:s23+$0x19530] =	vst v11;
	v11 =	vunpack.i.l.bf16.f32 v30;
	v0 =	vadd.f32 v0, v13  }
0x98: {  	v13 =	vunpack.i.u.bf16.f32 v36;
	[tilespmem:s23+$0x1BC40] =	vst v12;
	v12 =	vadd.f32 v24, v55;
	v11 =	vadd.f32 v11, v14  }
0x99: {  	v5 =	vadd.f32 v16, v5;
	v13 =	vadd.f32 v15, v13;
	v14 =	vunpack.i.u.bf16.f32 v30;
	[tilespmem:s23+$0x19540] =	vst v0  }
0x9a: {  	v0 =	vunpack.i.u.bf16.f32 v35;
	v11 =	vadd.f32 v11, v14;
	[tilespmem:s23+$0x1BC50] =	vst v12  }
0x9b: {  	v0 =	vadd.f32 v5, v0;
	[tilespmem:s23+$0x16E40] =	vst v13  }
0x9c: {  	[tilespmem:s23+$0x19550] =	vst v11  }
0x9d: {  	[tilespmem:s23+$0x1BC60] =	vst v0  }
0x9e: {  	s4 =	simm.s32 $0x1;
	_ =	swait.ge [sflag:s28], $0x2400  }
0x9f: {  	v0 =	vadd.s32 s4, v57;
	[sflag:s28] =	ssyncset.done $0x0  }
0xa0: {  	s13 =	smul.u32 @!p0 $0x600, s21;
	v5 =	vadd.s32 s4, v58;
	vm0 =	vgt.u32 v0, $0x3F;
	[sflag:s28] =	ssyncadd.s32 $0xFFFFDC00  }
0xa1: {  	v0 =	vsel vm0, v5, v0;
	_ =	swait.ge [sflag:s29], $0x2400  }
0xa2: {  	s15 =	simm.s32 @!p0 $0x30;
	s13 =	sshra.s32 @!p0 s13, $0x2;
	v11 =	vadd.s32 v59, v0;
	[sflag:s29] =	ssyncset.done $0x0  }
0xa3: {  	s17 =	simm.s32 @!p0 $0x7220;
	s4 =	sadd.s32 @!p0 $0x1E0, s13;
	v12 =	vadd.s32 v60, v0;
	[sflag:s29] =	ssyncadd.s32 $0xFFFFDC00  }
0xa4: {  	[tilespmem:s17], [sflag:$0x2] =	stream.indirect.gather @!p0 [hbm4b:s3+s15], $0xC0, s4, s15, $0xb8;
	[tilespmem:$0x1E350] =	vst v63  }
0xa5: {  	v14 =	vadd.s32 v4, v0;
	v3 =	vld [tilespmem:$0x1FFF0];
	s4 =	sadd.s32 @!p0 $0x210, s13;
	s17 =	simm.s32 @!p0 $0x10220  }
0xa6: {  	v30 =	vld [tilespmem:$0x1FFE0];
	[tilespmem:s17], [sflag:$0x6] =	stream.indirect.gather @!p0 [hbm4b:s3+s15], $0xC0, s4, s15, $0xb8  }
0xa7: {  	v17 =	vadd.s32 v62, v0;
	v15 =	vld.idx.msk [tilespmem:v11+s14+$0x0], $0xffff  }
0xa8: {  	v19 =	vld.idx.msk [tilespmem:v12+s14+$0x0], $0xffff  }
0xa9: {  	v55 =	vadd.s32 v10, v0;
	v12 =	vld.idx.msk [tilespmem:v12+s16+$0x0], $0xffff  }
0xaa: {  	v21 =	vld.idx.msk [tilespmem:v14+s16+$0x0], $0xffff  }
0xab: {  	v14 =	vld.idx.msk [tilespmem:v14+s14+$0x0], $0xffff  }
0xac: {  	s17 =	simm.s32 $0x0;
	v5 =	vadd.s32 v3, v0;
	v24 =	vld.idx.msk [tilespmem:v17+s16+$0x0], $0xffff  }
0xad: {  	v16 =	vadd.s32 s17, v57;
	v25 =	vld.idx.msk [tilespmem:v17+s14+$0x0], $0xffff  }
0xae: {  	v18 =	vadd.s32 s17, v58;
	v23 =	vadd.s32 v30, v0;
	v39 =	vld.idx.msk [tilespmem:v55+s16+$0x0], $0xffff;
	vm15 =	vgt.u32 v16, $0x3F  }
0xaf: {  	v44 =	vld.idx.msk [tilespmem:v55+s14+$0x0], $0xffff;
	v16 =	vsel vm15, v18, v16  }
0xb0: {  	v18 =	vld.idx.msk [tilespmem:v11+s16+$0x0], $0xffff;
	v11 =	vadd.s32 v4, v16  }
0xb1: {  	v22 =	vadd.s32 v3, v16;
	v13 =	vld.idx.msk [tilespmem:v5+s16+$0x0], $0xffff  }
0xb2: {  	v5 =	vld.idx.msk [tilespmem:v5+s14+$0x0], $0xffff  }
0xb3: {  	v32 =	vld.idx.msk [tilespmem:v23+s16+$0x0], $0xffff  }
0xb4: {  	v37 =	vimm.f32 $0.0e+00;
	v28 =	vadd.s32 v61, v0;
	v0 =	vadd.s32 v63, v0;
	v36 =	vld.idx.msk [tilespmem:v23+s14+$0x0], $0xffff  }
0xb5: {  	v33 =	vadd.s32 v60, v16;
	v52 =	vadd.s32 v61, v16;
	v53 =	vadd.s32 v59, v16;
	v26 =	vld.idx.msk [tilespmem:v11+s14+$0x0], $0xffff  }
0xb6: {  	v17 =	vadd.s32 v62, v16;
	v54 =	vmul.bf16 v12, v19;
	v12 =	vmul.bf16 v12, v15;
	v29 =	vld.idx.msk [tilespmem:v22+s14+$0x0], $0xffff  }
0xb7: {  	v23 =	vadd.s32 v30, v16;
	v22 =	vld.idx.msk [tilespmem:v22+s16+$0x0], $0xffff;
	v30 =	vmul.bf16 v13, v5;
	v5 =	vmul.bf16 v5, v21  }
0xb8: {  	v20 =	vadd.s32 v63, v16;
	v56 =	vld.idx.msk [tilespmem:v11+s16+$0x0], $0xffff;
	v21 =	vmul.bf16 v21, v14;
	v11 =	vmul.bf16 v13, v14  }
0xb9: {  	v31 =	vadd.s32 v10, v16;
	v16 =	vld.idx.msk [tilespmem:v28+s16+$0x0], $0xffff;
	v13 =	vmul.bf16 v19, v18;
	v14 =	vmul.bf16 v24, v25  }
0xba: {  	v35 =	vld.idx.msk [tilespmem:v0+s16+$0x0], $0xffff;
	v25 =	vimm.f32 $0.0e+00;
	v24 =	vimm.f32 $0.0e+00;
	v34 =	vadd.bf16 v30, v21  }
0xbb: {  	v41 =	vld.idx.msk [tilespmem:v0+s14+$0x0], $0xffff;
	v11 =	vsub.bf16 v5, v11;
	v5 =	vmul.bf16 v18, v15;
	v15 =	vsub.bf16 v13, v12  }
0xbc: {  	v18 =	vld.idx.msk [tilespmem:v28+s14+$0x0], $0xffff;
	v12 =	vunpack.i.u.bf16.f32 v14;
	v14 =	vunpack.i.l.bf16.f32 v14;
	v19 =	vmul.bf16 v22, v29  }
0xbd: {  	v27 =	vld.idx.msk [tilespmem:v33+s16+$0x0], $0xffff;
	v21 =	vmul.bf16 v22, v26;
	v22 =	vmul.bf16 v29, v56;
	v28 =	vadd.bf16 v54, v5  }
0xbe: {  	v40 =	vld.idx.msk [tilespmem:v52+s16+$0x0], $0xffff;
	v5 =	vmul.bf16 v56, v26;
	v13 =	vunpack.i.u.bf16.f32 v15;
	v15 =	vunpack.i.l.bf16.f32 v15  }
0xbf: {  	v43 =	vld.idx.msk [tilespmem:v52+s14+$0x0], $0xffff;
	v26 =	vimm.f32 $0.0e+00;
	v45 =	vsub.bf16 v22, v21;
	v22 =	vimm.f32 $0.0e+00  }
0xc0: {  	v42 =	vld.idx.msk [tilespmem:v53+s14+$0x0], $0xffff;
	v21 =	vimm.f32 $0.0e+00;
	v46 =	vadd.bf16 v19, v5;
	v19 =	vimm.f32 $0.0e+00  }
0xc1: {  	s15 =	simm.s32 $0x2;
	v55 =	vmovc v4;
	v52 =	vmovc v10;
	v30 =	vld.idx.msk [tilespmem:v53+s16+$0x0], $0xffff;
	v38 =	vmul.bf16 v16, v18;
	v18 =	vimm.f32 $0.0e+00;
	v16 =	vimm.f32 $0.0e+00  }
.LBB2_5:
0xc2: {  	v29 =	vunpack.i.l.bf16.f32 v11  }
0xc3: {  	v0 =	vld.idx.msk [tilespmem:v33+s14+$0x0], $0xffff;
	v51 =	vmul.bf16 v32, v36;
	v5 =	vunpack.i.u.bf16.f32 v34;
	v33 =	vunpack.i.l.bf16.f32 v28  }
0xc4: {  	v47 =	vunpack.i.l.bf16.f32 v46;
	v48 =	vunpack.i.l.bf16.f32 v38;
	v50 =	vunpack.i.l.bf16.f32 v45  }
0xc5: {  	v10 =	vmovc v52;
	v46 =	vunpack.i.u.bf16.f32 v46;
	v56 =	vunpack.i.l.bf16.f32 v34;
	v28 =	vunpack.i.u.bf16.f32 v28  }
0xc6: {  	s17 =	smov.u32 s15;
	v52 =	vld.idx.msk [tilespmem:v23+s14+$0x0], $0xffff;
	v25 =	vadd.f32 v47, v25;
	v49 =	vmul.bf16 v36, v39;
	v43 =	vmul.bf16 v40, v43  }
0xc7: {  	v53 =	vld.idx.msk [tilespmem:v31+s14+$0x0], $0xffff;
	s4 =	sadd.s32 $0x1, s17;
	v39 =	vmul.bf16 v39, v44;
	v36 =	vunpack.i.u.bf16.f32 v45;
	v32 =	vmul.bf16 v32, v44  }
0xc8: {  	v31 =	vld.idx.msk [tilespmem:v31+s16+$0x0], $0xffff;
	v44 =	vadd.s32 s4, v57;
	v40 =	vadd.f32 v50, v37;
	v50 =	vmul.bf16 v30, v42  }
0xc9: {  	v23 =	vld.idx.msk [tilespmem:v23+s16+$0x0], $0xffff;
	v35 =	vmul.bf16 v35, v41;
	v25 =	vadd.f32 v25, v46;
	v41 =	vunpack.i.u.bf16.f32 v38  }
0xca: {  	vm0 =	vgt.u32 v44, $0x3F;
	v47 =	vmul.bf16 v27, v0;
	v27 =	vmul.bf16 v27, v42  }
0xcb: {  	v0 =	vmul.bf16 v0, v30;
	v45 =	vunpack.i.l.bf16.f32 v43;
	v37 =	vadd.bf16 v51, v39  }
0xcc: {  	v39 =	vunpack.i.l.bf16.f32 v35;
	v30 =	vunpack.i.u.bf16.f32 v43;
	v25 =	vadd.f32 v56, v25  }
0xcd: {  	v3 =	vld [tilespmem:$0x1FFE0];
	v38 =	vsub.bf16 v49, v32;
	v49 =	vmul.bf16 v31, v53;
	v31 =	vmul.bf16 v52, v31  }
0xce: {  	v51 =	vadd.s32 s4, v58;
	v43 =	vld.idx.msk [tilespmem:v17+s16+$0x0], $0xffff;
	v52 =	vmul.bf16 v23, v52;
	v23 =	vmul.bf16 v23, v53  }
0xcf: {  	v56 =	vld [tilespmem:$0x1FFF0];
	v24 =	vadd.f32 v45, v24;
	v45 =	vadd.bf16 v47, v50;
	v44 =	vsel vm0, v51, v44  }
0xd0: {  	v17 =	vld.idx.msk [tilespmem:v17+s14+$0x0], $0xffff;
	v0 =	vsub.bf16 v0, v27;
	v42 =	vunpack.i.l.bf16.f32 v37;
	v32 =	vadd.s32 v55, v44  }
0xd1: {  	v47 =	vadd.s32 v61, v44;
	v46 =	vadd.s32 v60, v44;
	v24 =	vadd.f32 v24, v30;
	v30 =	vld.idx.msk [tilespmem:v20+s16+$0x0], $0xffff  }
0xd2: {  	v50 =	vunpack.i.l.bf16.f32 v38;
	v51 =	vadd.s32 v59, v44;
	v54 =	vunpack.i.l.bf16.f32 v45;
	v20 =	vld.idx.msk [tilespmem:v20+s14+$0x0], $0xffff  }
0xd3: {  	v25 =	vadd.f32 v25, v5;
	v45 =	vunpack.i.u.bf16.f32 v45;
	v19 =	vadd.f32 v54, v19  }
0xd4: {  	v54 =	vadd.s32 v62, v44;
	v34 =	vadd.s32 v56, v44;
	v24 =	vadd.f32 v48, v24  }
0xd5: {  	v48 =	vadd.bf16 v52, v49;
	v43 =	vmul.bf16 v43, v17;
	v19 =	vadd.f32 v19, v45  }
0xd6: {  	v17 =	vsub.bf16 v31, v23;
	v23 =	vadd.s32 s17, v58;
	v24 =	vadd.f32 v24, v41;
	v41 =	vld.idx.msk [tilespmem:v46+s14+$0x0], $0xffff  }
0xd7: {  	v45 =	vadd.s32 v3, v44;
	v46 =	vld.idx.msk [tilespmem:v46+s16+$0x0], $0xffff;
	v20 =	vmul.bf16 v30, v20;
	v19 =	vadd.f32 v33, v19  }
0xd8: {  	v49 =	vunpack.i.u.bf16.f32 v48;
	v52 =	vld.idx.msk [tilespmem:v32+s16+$0x0], $0xffff;
	v53 =	vunpack.i.l.bf16.f32 v43;
	v58 =	vunpack.i.u.bf16.f32 v17  }
0xd9: {  	v5 =	vld.idx.msk [tilespmem:v34+s16+$0x0], $0xffff;
	v31 =	vunpack.i.l.bf16.f32 v20;
	v19 =	vadd.f32 v19, v28;
	v28 =	vadd.s32 s17, v57  }
0xda: {  	v18 =	vadd.f32 v53, v18;
	v34 =	vld.idx.msk [tilespmem:v34+s14+$0x0], $0xffff;
	v26 =	vadd.f32 v31, v26;
	vm15 =	vgt.u32 v28, $0x3F  }
0xdb: {  	v4 =	vmovc v55;
	v32 =	vld.idx.msk [tilespmem:v32+s14+$0x0], $0xffff;
	v31 =	vunpack.i.l.bf16.f32 v48;
	v48 =	vunpack.i.u.bf16.f32 v20;
	v20 =	vunpack.i.l.bf16.f32 v17  }
0xdc: {  	v30 =	vld.idx.msk [tilespmem:v51+s14+$0x0], $0xffff;
	v28 =	vsel vm15, v23, v28;
	v22 =	vadd.f32 v20, v22;
	v21 =	vadd.f32 v31, v21  }
0xdd: {  	v51 =	vld.idx.msk [tilespmem:v51+s16+$0x0], $0xffff;
	v55 =	vadd.s32 v55, v28;
	v56 =	vadd.s32 v56, v28;
	v57 =	vadd.s32 v59, v28  }
0xde: {  	v33 =	vadd.s32 v60, v28;
	v17 =	vadd.s32 v62, v28;
	v20 =	vadd.s32 v63, v28;
	v60 =	vld.idx.msk [tilespmem:v54+s16+$0x0], $0xffff  }
0xdf: {  	v54 =	vld.idx.msk [tilespmem:v54+s14+$0x0], $0xffff;
	v22 =	vadd.f32 v22, v58;
	v62 =	vmul.bf16 v5, v34;
	v63 =	vmul.bf16 v34, v52  }
0xe0: {  	v59 =	vadd.s32 v61, v28;
	v34 =	vmul.bf16 v52, v32;
	v5 =	vmul.bf16 v5, v32;
	v32 =	vld.idx.msk [tilespmem:v45+s16+$0x0], $0xffff  }
0xe1: {  	v43 =	vunpack.i.u.bf16.f32 v43;
	v22 =	vadd.f32 v50, v22;
	v50 =	vadd.f32 v40, v36;
	v36 =	vld.idx.msk [tilespmem:v45+s14+$0x0], $0xffff  }
0xe2: {  	v18 =	vadd.f32 v18, v43;
	v61 =	vmul.bf16 v46, v41;
	v23 =	vadd.s32 v3, v28;
	v58 =	vld.idx.msk [tilespmem:v55+s14+$0x0], $0xffff  }
0xe3: {  	v31 =	vadd.s32 v10, v28;
	v28 =	vmul.bf16 v51, v30;
	v21 =	vadd.f32 v21, v49;
	v49 =	vld.idx.msk [tilespmem:v56+s14+$0x0], $0xffff  }
0xe4: {  	v46 =	vmul.bf16 v46, v30;
	v26 =	vadd.f32 v26, v48;
	v41 =	vmul.bf16 v41, v51;
	v27 =	vld.idx.msk [tilespmem:v33+s16+$0x0], $0xffff  }
0xe5: {  	v53 =	vunpack.i.u.bf16.f32 v11;
	v14 =	vadd.f32 v14, v18;
	v28 =	vadd.bf16 v61, v28;
	v40 =	vld.idx.msk [tilespmem:v59+s16+$0x0], $0xffff  }
0xe6: {  	v18 =	vunpack.i.u.bf16.f32 v35;
	v41 =	vsub.bf16 v41, v46;
	v26 =	vadd.f32 v39, v26;
	v30 =	vld.idx.msk [tilespmem:v57+s16+$0x0], $0xffff  }
0xe7: {  	v21 =	vadd.f32 v42, v21;
	v42 =	vunpack.i.u.bf16.f32 v0;
	v0 =	vunpack.i.l.bf16.f32 v0;
	v48 =	vld.idx.msk [tilespmem:v56+s16+$0x0], $0xffff  }
0xe8: {  	v51 =	vadd.s32 v1, v44;
	v34 =	vadd.bf16 v62, v34;
	v0 =	vadd.f32 v0, v16;
	v46 =	vld.idx.msk [tilespmem:v55+s16+$0x0], $0xffff  }
0xe9: {  	v45 =	vadd.s32 v10, v44;
	v5 =	vsub.bf16 v63, v5;
	v29 =	vadd.f32 v29, v50;
	v50 =	vld.idx.msk [tilespmem:v47+s16+$0x0], $0xffff  }
0xea: {  	v52 =	vmovc v10;
	v16 =	vunpack.i.u.bf16.f32 v37;
	v26 =	vadd.f32 v26, v18;
	v43 =	vld.idx.msk [tilespmem:v59+s14+$0x0], $0xffff;
	v0 =	vadd.f32 v0, v42  }
0xeb: {  	v61 =	vmovc v6;
	v18 =	vadd.f32 v14, v12;
	v21 =	vadd.f32 v21, v16;
	v11 =	vmov v5;
	v5 =	vld.idx.msk [tilespmem:v47+s14+$0x0], $0xffff  }
0xec: {  	p1 =	slt.u32 s15, $0x3E;
	v55 =	vmovc v4;
	v59 =	vmovc v7;
	v42 =	vld.idx.msk [tilespmem:v57+s14+$0x0], $0xffff;
	v57 =	vlaneseq.u32;
	v0 =	vadd.f32 v15, v0;
	v15 =	vunpack.i.u.bf16.f32 v38  }
.Ltmp1:
0xed: {  	v35 =	vld.idx.msk [tilespmem:v51+s16+$0x0], $0xffff;
	v37 =	vadd.f32 v29, v53;
	v22 =	vadd.f32 v22, v15;
	v15 =	vmul.bf16 v60, v54;
	(pc) =	sbr.rel @p1 .LBB2_5-.Ltmp1, $4  }
0xee: {  	v62 =	vmovc v9;
	v16 =	vadd.f32 v0, v13;
	v0 =	vmul.bf16 v48, v49;
	v29 =	vmul.bf16 v48, v58  }
0xef: {  	v63 =	vmovc v1;
	v39 =	vld.idx.msk [tilespmem:v45+s16+$0x0], $0xffff;
	v54 =	vmul.bf16 v46, v58;
	v56 =	vmul.bf16 v49, v46;
	v13 =	vunpack.i.u.bf16.f32 v41  }
0xf0: {  	v44 =	vld.idx.msk [tilespmem:v45+s14+$0x0], $0xffff;
	v60 =	vmovc v8;
	v58 =	vmovc v2;
	v12 =	vunpack.i.u.bf16.f32 v15;
	v14 =	vunpack.i.l.bf16.f32 v15;
	v15 =	vunpack.i.l.bf16.f32 v41  }
0xf1: {  	s15 =	sadd.s32 $0x2, s15;
	v41 =	vld.idx.msk [tilespmem:v51+s14+$0x0], $0xffff;
	v38 =	vmul.bf16 v50, v5;
	v46 =	vadd.bf16 v0, v54;
	v45 =	vsub.bf16 v56, v29  }
0xf2: {  	_ =	sdelay $0x3  }
0xf3: {  	v0 =	vld.idx.msk [tilespmem:v33+s14+$0x0], $0xffff;
	v5 =	vunpack.i.u.bf16.f32 v34;
	v29 =	vunpack.i.l.bf16.f32 v11;
	v33 =	vunpack.i.l.bf16.f32 v28  }
0xf4: {  	v40 =	vmul.bf16 v40, v43;
	v53 =	vmul.bf16 v30, v42;
	v56 =	vunpack.i.l.bf16.f32 v34  }
0xf5: {  	v47 =	vunpack.i.l.bf16.f32 v46;
	v50 =	vunpack.i.l.bf16.f32 v45;
	v43 =	vunpack.i.u.bf16.f32 v46;
	v46 =	vld.idx.msk [tilespmem:v23+s14+$0x0], $0xffff  }
0xf6: {  	v11 =	vunpack.i.u.bf16.f32 v11;
	v48 =	vunpack.i.l.bf16.f32 v38;
	v37 =	vadd.f32 v50, v37;
	v50 =	vld.idx.msk [tilespmem:v20+s16+$0x0], $0xffff  }
0xf7: {  	v49 =	vmul.bf16 v36, v39;
	v36 =	vmul.bf16 v32, v36;
	v51 =	vunpack.i.l.bf16.f32 v40;
	v20 =	vld.idx.msk [tilespmem:v20+s14+$0x0], $0xffff  }
0xf8: {  	v25 =	vadd.f32 v47, v25;
	v39 =	vmul.bf16 v39, v44;
	v32 =	vmul.bf16 v32, v44;
	v44 =	vld.idx.msk [tilespmem:v31+s14+$0x0], $0xffff  }
0xf9: {  	v45 =	vunpack.i.u.bf16.f32 v45;
	v31 =	vld.idx.msk [tilespmem:v31+s16+$0x0], $0xffff;
	v24 =	vadd.f32 v51, v24;
	v54 =	vmul.bf16 v27, v0  }
0xfa: {  	v23 =	vld.idx.msk [tilespmem:v23+s16+$0x0], $0xffff;
	v40 =	vunpack.i.u.bf16.f32 v40;
	v25 =	vadd.f32 v25, v43;
	v36 =	vadd.bf16 v36, v39  }
0xfb: {  	v51 =	vunpack.i.u.bf16.f32 v38;
	v24 =	vadd.f32 v24, v40;
	v47 =	vadd.bf16 v54, v53  }
0xfc: {  	v27 =	vmul.bf16 v27, v42;
	v0 =	vmul.bf16 v0, v30;
	v30 =	vsub.bf16 v49, v32  }
0xfd: {  	v25 =	vadd.f32 v56, v25;
	v53 =	vld.idx.msk [tilespmem:v17+s16+$0x0], $0xffff;
	v24 =	vadd.f32 v48, v24;
	v54 =	vunpack.i.l.bf16.f32 v47  }
0xfe: {  	v17 =	vld.idx.msk [tilespmem:v17+s14+$0x0], $0xffff;
	v20 =	vmul.bf16 v50, v20;
	v56 =	vmul.bf16 v31, v44;
	v19 =	vadd.f32 v54, v19  }
0xff: {  	v31 =	vmul.bf16 v46, v31;
	v39 =	vunpack.i.u.bf16.f32 v47;
	v47 =	vmul.bf16 v23, v46  }
0x100: {  	v5 =	vadd.f32 v25, v5;
	v23 =	vmul.bf16 v23, v44;
	v19 =	vadd.f32 v19, v39  }
0x101: {  	v0 =	vsub.bf16 v0, v27;
	v25 =	vunpack.i.u.bf16.f32 v28;
	v28 =	vadd.bf16 v47, v56  }
0x102: {  	[tilespmem:s23+$0x16E50] =	vst v5;
	v5 =	vunpack.i.u.bf16.f32 v20;
	v23 =	vsub.bf16 v31, v23;
	v19 =	vadd.f32 v33, v19  }
0x103: {  	v31 =	vunpack.i.l.bf16.f32 v20;
	v17 =	vmul.bf16 v53, v17;
	v27 =	vunpack.i.u.bf16.f32 v28  }
0x104: {  	v19 =	vadd.f32 v19, v25;
	v25 =	vadd.f32 v31, v26;
	v31 =	vunpack.i.l.bf16.f32 v23  }
0x105: {  	v28 =	vunpack.i.l.bf16.f32 v28;
	v26 =	vunpack.i.l.bf16.f32 v17;
	v22 =	vadd.f32 v31, v22  }
0x106: {  	v18 =	vadd.f32 v26, v18;
	v26 =	vadd.f32 v37, v45;
	v31 =	vunpack.i.l.bf16.f32 v0  }
0x107: {  	v17 =	vunpack.i.u.bf16.f32 v17;
	v16 =	vadd.f32 v31, v16;
	v5 =	vadd.f32 v25, v5  }
0x108: {  	v0 =	vunpack.i.u.bf16.f32 v0;
	v17 =	vadd.f32 v18, v17;
	v18 =	vadd.f32 v28, v21  }
0x109: {  	v35 =	vmul.bf16 v35, v41;
	v21 =	vadd.f32 v29, v26;
	v0 =	vadd.f32 v16, v0  }
0x10a: {  	v49 =	vunpack.i.l.bf16.f32 v36;
	v14 =	vadd.f32 v14, v17;
	v17 =	vadd.f32 v18, v27  }
0x10b: {  	v11 =	vadd.f32 v21, v11;
	v18 =	vunpack.i.u.bf16.f32 v23;
	v0 =	vadd.f32 v15, v0  }
0x10c: {  	[tilespmem:s23+$0x16E60] =	vst v19;
	v16 =	vunpack.i.l.bf16.f32 v35;
	v12 =	vadd.f32 v14, v12;
	v14 =	vadd.f32 v22, v18  }
0x10d: {  	v15 =	vadd.f32 v49, v17;
	[tilespmem:s23+$0x19560] =	vst v11;
	v11 =	vunpack.i.l.bf16.f32 v30;
	v0 =	vadd.f32 v0, v13  }
0x10e: {  	v13 =	vunpack.i.u.bf16.f32 v36;
	[tilespmem:s23+$0x1BC70] =	vst v12;
	v12 =	vadd.f32 v24, v51;
	v11 =	vadd.f32 v11, v14  }
0x10f: {  	v5 =	vadd.f32 v16, v5;
	v13 =	vadd.f32 v15, v13;
	v14 =	vunpack.i.u.bf16.f32 v30;
	[tilespmem:s23+$0x19570] =	vst v0  }
0x110: {  	v0 =	vunpack.i.u.bf16.f32 v35;
	v11 =	vadd.f32 v11, v14;
	[tilespmem:s23+$0x1BC80] =	vst v12  }
0x111: {  	v0 =	vadd.f32 v5, v0;
	[tilespmem:s23+$0x16E70] =	vst v13  }
0x112: {  	[tilespmem:s23+$0x19580] =	vst v11  }
0x113: {  	[tilespmem:s23+$0x1BC90] =	vst v0  }
0x114: {  	s4 =	simm.s32 $0x1;
	_ =	swait.ge [sflag:s30], $0x2400  }
0x115: {  	v0 =	vadd.s32 s4, v57;
	[sflag:s30] =	ssyncset.done $0x0  }
0x116: {  	v5 =	vadd.s32 s4, v58;
	vm0 =	vgt.u32 v0, $0x3F;
	[sflag:s30] =	ssyncadd.s32 $0xFFFFDC00  }
0x117: {  	v0 =	vsel vm0, v5, v0;
	_ =	swait.ge [sflag:s31], $0x2400  }
0x118: {  	s15 =	simm.s32 @!p0 $0x30;
	v11 =	vadd.s32 v59, v0;
	[sflag:s31] =	ssyncset.done $0x0  }
0x119: {  	s17 =	simm.s32 @!p0 $0x9620;
	s4 =	sadd.s32 @!p0 $0x240, s13;
	v12 =	vadd.s32 v60, v0;
	[sflag:s31] =	ssyncadd.s32 $0xFFFFDC00  }
0x11a: {  	[tilespmem:s17], [sflag:$0x3] =	stream.indirect.gather @!p0 [hbm4b:s3+s15], $0xC0, s4, s15, $0xb8;
	[tilespmem:$0x1E350] =	vst v63  }
0x11b: {  	v14 =	vadd.s32 v55, v0;
	s4 =	sadd.s32 @!p0 $0x270, s13;
	s17 =	simm.s32 @!p0 $0x12620  }
0x11c: {  	v3 =	vld [tilespmem:$0x1FFF0];
	[tilespmem:s17], [sflag:$0x7] =	stream.indirect.gather @!p0 [hbm4b:s3+s15], $0xC0, s4, s15, $0xb8  }
0x11d: {  	v17 =	vadd.s32 v62, v0;
	v15 =	vld.idx.msk [tilespmem:v11+s18+$0x0], $0xffff  }
0x11e: {  	v19 =	vld.idx.msk [tilespmem:v12+s18+$0x0], $0xffff  }
0x11f: {  	v54 =	vadd.s32 v52, v0;
	v12 =	vld.idx.msk [tilespmem:v12+s20+$0x0], $0xffff  }
0x120: {  	v21 =	vld.idx.msk [tilespmem:v14+s20+$0x0], $0xffff  }
0x121: {  	s17 =	simm.s32 $0x0;
	v14 =	vld.idx.msk [tilespmem:v14+s18+$0x0], $0xffff  }
0x122: {  	v5 =	vadd.s32 v3, v0;
	v16 =	vadd.s32 s17, v57;
	v24 =	vld.idx.msk [tilespmem:v17+s20+$0x0], $0xffff  }
0x123: {  	v18 =	vadd.s32 s17, v58;
	v25 =	vld.idx.msk [tilespmem:v17+s18+$0x0], $0xffff;
	vm15 =	vgt.u32 v16, $0x3F  }
0x124: {  	v39 =	vld.idx.msk [tilespmem:v54+s20+$0x0], $0xffff;
	v16 =	vsel vm15, v18, v16  }
0x125: {  	v18 =	vld.idx.msk [tilespmem:v11+s20+$0x0], $0xffff;
	v11 =	vadd.s32 v55, v16  }
0x126: {  	v22 =	vadd.s32 v3, v16;
	v3 =	vld [tilespmem:$0x1FFE0]  }
0x127: {  	v33 =	vadd.s32 v60, v16;
	v13 =	vld.idx.msk [tilespmem:v5+s20+$0x0], $0xffff  }
0x128: {  	v5 =	vld.idx.msk [tilespmem:v5+s18+$0x0], $0xffff  }
0x129: {  	v44 =	vld.idx.msk [tilespmem:v54+s18+$0x0], $0xffff  }
0x12a: {  	v50 =	vadd.s32 v61, v16;
	v26 =	vld.idx.msk [tilespmem:v11+s18+$0x0], $0xffff  }
0x12b: {  	v37 =	vimm.f32 $0.0e+00;
	v28 =	vadd.s32 v61, v0;
	v29 =	vld.idx.msk [tilespmem:v22+s18+$0x0], $0xffff  }
0x12c: {  	v51 =	vadd.s32 v59, v16;
	v53 =	vmul.bf16 v12, v19;
	v23 =	vadd.s32 v3, v0;
	v27 =	vld.idx.msk [tilespmem:v33+s20+$0x0], $0xffff  }
0x12d: {  	v17 =	vadd.s32 v62, v16;
	v12 =	vmul.bf16 v12, v15;
	v22 =	vld.idx.msk [tilespmem:v22+s20+$0x0], $0xffff;
	v30 =	vmul.bf16 v13, v5  }
0x12e: {  	v20 =	vadd.s32 v63, v16;
	v56 =	vld.idx.msk [tilespmem:v11+s20+$0x0], $0xffff;
	v5 =	vmul.bf16 v5, v21;
	v11 =	vmul.bf16 v13, v14  }
0x12f: {  	v31 =	vadd.s32 v52, v16;
	v40 =	vld.idx.msk [tilespmem:v50+s20+$0x0], $0xffff;
	v21 =	vmul.bf16 v21, v14;
	v13 =	vmul.bf16 v19, v18  }
0x130: {  	v14 =	vmul.bf16 v24, v25;
	v11 =	vsub.bf16 v5, v11;
	v5 =	vmul.bf16 v18, v15;
	v18 =	vld.idx.msk [tilespmem:v28+s18+$0x0], $0xffff  }
0x131: {  	v0 =	vadd.s32 v63, v0;
	v25 =	vimm.f32 $0.0e+00;
	v24 =	vimm.f32 $0.0e+00;
	v32 =	vld.idx.msk [tilespmem:v23+s20+$0x0], $0xffff  }
0x132: {  	v34 =	vadd.bf16 v30, v21;
	v15 =	vsub.bf16 v13, v12;
	v12 =	vunpack.i.u.bf16.f32 v14;
	v36 =	vld.idx.msk [tilespmem:v23+s18+$0x0], $0xffff  }
0x133: {  	v14 =	vunpack.i.l.bf16.f32 v14;
	v23 =	vadd.s32 v3, v16;
	v16 =	vld.idx.msk [tilespmem:v28+s20+$0x0], $0xffff;
	v19 =	vmul.bf16 v22, v29  }
0x134: {  	v43 =	vld.idx.msk [tilespmem:v50+s18+$0x0], $0xffff;
	v21 =	vmul.bf16 v22, v26;
	v22 =	vmul.bf16 v29, v56;
	v28 =	vadd.bf16 v53, v5  }
0x135: {  	v42 =	vld.idx.msk [tilespmem:v51+s18+$0x0], $0xffff;
	v5 =	vmul.bf16 v56, v26;
	v13 =	vunpack.i.u.bf16.f32 v15;
	v15 =	vunpack.i.l.bf16.f32 v15  }
0x136: {  	v30 =	vld.idx.msk [tilespmem:v51+s20+$0x0], $0xffff;
	v26 =	vimm.f32 $0.0e+00;
	v45 =	vsub.bf16 v22, v21;
	v22 =	vimm.f32 $0.0e+00  }
0x137: {  	v35 =	vld.idx.msk [tilespmem:v0+s20+$0x0], $0xffff;
	v21 =	vimm.f32 $0.0e+00;
	v46 =	vadd.bf16 v19, v5;
	v19 =	vimm.f32 $0.0e+00  }
0x138: {  	s15 =	simm.s32 $0x2;
	v41 =	vld.idx.msk [tilespmem:v0+s18+$0x0], $0xffff;
	v38 =	vmul.bf16 v16, v18;
	v18 =	vimm.f32 $0.0e+00;
	v16 =	vimm.f32 $0.0e+00  }
.LBB2_7:
0x139: {  	v5 =	vunpack.i.u.bf16.f32 v34;
	v29 =	vunpack.i.l.bf16.f32 v11;
	v51 =	vmul.bf16 v32, v36  }
0x13a: {  	v0 =	vld.idx.msk [tilespmem:v33+s18+$0x0], $0xffff;
	v56 =	vunpack.i.l.bf16.f32 v34;
	v33 =	vunpack.i.l.bf16.f32 v28;
	v47 =	vunpack.i.l.bf16.f32 v46  }
0x13b: {  	v48 =	vunpack.i.l.bf16.f32 v38;
	v50 =	vunpack.i.l.bf16.f32 v45;
	v46 =	vunpack.i.u.bf16.f32 v46  }
0x13c: {  	s17 =	smov.u32 s15;
	v52 =	vld.idx.msk [tilespmem:v23+s18+$0x0], $0xffff;
	v28 =	vunpack.i.u.bf16.f32 v28;
	v25 =	vadd.f32 v47, v25;
	v49 =	vmul.bf16 v36, v39  }
0x13d: {  	v53 =	vld.idx.msk [tilespmem:v31+s18+$0x0], $0xffff;
	s4 =	sadd.s32 $0x1, s17;
	v43 =	vmul.bf16 v40, v43;
	v39 =	vmul.bf16 v39, v44;
	v36 =	vunpack.i.u.bf16.f32 v45  }
0x13e: {  	v31 =	vld.idx.msk [tilespmem:v31+s20+$0x0], $0xffff;
	v32 =	vmul.bf16 v32, v44;
	v44 =	vadd.s32 s4, v57;
	v40 =	vadd.f32 v50, v37  }
0x13f: {  	v23 =	vld.idx.msk [tilespmem:v23+s20+$0x0], $0xffff;
	v50 =	vmul.bf16 v30, v42;
	v35 =	vmul.bf16 v35, v41;
	v25 =	vadd.f32 v25, v46  }
0x140: {  	v41 =	vunpack.i.u.bf16.f32 v38;
	vm0 =	vgt.u32 v44, $0x3F;
	v47 =	vmul.bf16 v27, v0  }
0x141: {  	v27 =	vmul.bf16 v27, v42;
	v0 =	vmul.bf16 v0, v30;
	v45 =	vunpack.i.l.bf16.f32 v43  }
0x142: {  	v37 =	vadd.bf16 v51, v39;
	v39 =	vunpack.i.l.bf16.f32 v35;
	v30 =	vunpack.i.u.bf16.f32 v43  }
0x143: {  	v3 =	vld [tilespmem:$0x1FFE0];
	v25 =	vadd.f32 v56, v25;
	v38 =	vsub.bf16 v49, v32;
	v49 =	vmul.bf16 v31, v53  }
0x144: {  	v51 =	vadd.s32 s4, v58;
	v43 =	vld.idx.msk [tilespmem:v17+s20+$0x0], $0xffff;
	v31 =	vmul.bf16 v52, v31;
	v52 =	vmul.bf16 v23, v52  }
0x145: {  	v56 =	vld [tilespmem:$0x1FFF0];
	v23 =	vmul.bf16 v23, v53;
	v24 =	vadd.f32 v45, v24;
	v44 =	vsel vm0, v51, v44  }
0x146: {  	v17 =	vld.idx.msk [tilespmem:v17+s18+$0x0], $0xffff;
	v45 =	vadd.bf16 v47, v50;
	v0 =	vsub.bf16 v0, v27;
	v32 =	vadd.s32 v55, v44  }
0x147: {  	v47 =	vadd.s32 v61, v44;
	v46 =	vadd.s32 v60, v44;
	v24 =	vadd.f32 v24, v30;
	v30 =	vld.idx.msk [tilespmem:v20+s20+$0x0], $0xffff  }
0x148: {  	v50 =	vunpack.i.l.bf16.f32 v38;
	v51 =	vadd.s32 v59, v44;
	v25 =	vadd.f32 v25, v5;
	v20 =	vld.idx.msk [tilespmem:v20+s18+$0x0], $0xffff  }
0x149: {  	v55 =	vadd.bf16 v52, v49;
	v54 =	vunpack.i.l.bf16.f32 v45;
	v45 =	vunpack.i.u.bf16.f32 v45  }
0x14a: {  	v19 =	vadd.f32 v54, v19;
	v34 =	vadd.s32 v56, v44;
	v24 =	vadd.f32 v48, v24  }
0x14b: {  	v54 =	vadd.s32 v62, v44;
	v43 =	vmul.bf16 v43, v17;
	v17 =	vsub.bf16 v31, v23  }
0x14c: {  	v49 =	vunpack.i.u.bf16.f32 v55;
	v19 =	vadd.f32 v19, v45;
	v24 =	vadd.f32 v24, v41;
	v41 =	vld.idx.msk [tilespmem:v46+s18+$0x0], $0xffff  }
0x14d: {  	v23 =	vadd.s32 s17, v58;
	v45 =	vadd.s32 v3, v44;
	v46 =	vld.idx.msk [tilespmem:v46+s20+$0x0], $0xffff;
	v20 =	vmul.bf16 v30, v20  }
0x14e: {  	v52 =	vld.idx.msk [tilespmem:v32+s20+$0x0], $0xffff;
	v53 =	vunpack.i.l.bf16.f32 v43;
	v58 =	vunpack.i.u.bf16.f32 v17;
	v19 =	vadd.f32 v33, v19  }
0x14f: {  	v43 =	vunpack.i.u.bf16.f32 v43;
	v18 =	vadd.f32 v53, v18;
	v5 =	vld.idx.msk [tilespmem:v34+s20+$0x0], $0xffff;
	v31 =	vunpack.i.l.bf16.f32 v20  }
0x150: {  	v34 =	vld.idx.msk [tilespmem:v34+s18+$0x0], $0xffff;
	v19 =	vadd.f32 v19, v28;
	v28 =	vadd.s32 s17, v57;
	v48 =	vunpack.i.u.bf16.f32 v20  }
0x151: {  	v32 =	vld.idx.msk [tilespmem:v32+s18+$0x0], $0xffff;
	v20 =	vunpack.i.l.bf16.f32 v17;
	v18 =	vadd.f32 v18, v43;
	vm15 =	vgt.u32 v28, $0x3F  }
0x152: {  	v30 =	vld.idx.msk [tilespmem:v51+s18+$0x0], $0xffff;
	v26 =	vadd.f32 v31, v26;
	v31 =	vunpack.i.l.bf16.f32 v55;
	v28 =	vsel vm15, v23, v28  }
0x153: {  	v51 =	vld.idx.msk [tilespmem:v51+s20+$0x0], $0xffff;
	v22 =	vadd.f32 v20, v22;
	v55 =	vadd.s32 v4, v28;
	v56 =	vadd.s32 v56, v28  }
0x154: {  	v33 =	vadd.s32 v60, v28;
	v17 =	vadd.s32 v62, v28;
	v20 =	vadd.s32 v63, v28;
	v60 =	vld.idx.msk [tilespmem:v54+s20+$0x0], $0xffff  }
0x155: {  	v54 =	vld.idx.msk [tilespmem:v54+s18+$0x0], $0xffff;
	v22 =	vadd.f32 v22, v58;
	v62 =	vmul.bf16 v5, v34;
	v63 =	vmul.bf16 v34, v52  }
0x156: {  	v57 =	vadd.s32 v59, v28;
	v52 =	vmul.bf16 v52, v32;
	v5 =	vmul.bf16 v5, v32;
	v32 =	vld.idx.msk [tilespmem:v45+s20+$0x0], $0xffff  }
0x157: {  	v59 =	vadd.s32 v61, v28;
	v22 =	vadd.f32 v50, v22;
	v50 =	vadd.f32 v40, v36;
	v36 =	vld.idx.msk [tilespmem:v45+s18+$0x0], $0xffff  }
0x158: {  	v21 =	vadd.f32 v31, v21;
	v61 =	vmul.bf16 v46, v41;
	v34 =	vadd.bf16 v62, v52;
	v52 =	vld.idx.msk [tilespmem:v47+s20+$0x0], $0xffff  }
0x159: {  	v23 =	vadd.s32 v3, v28;
	v46 =	vmul.bf16 v46, v30;
	v31 =	vadd.s32 v10, v28;
	v58 =	vld.idx.msk [tilespmem:v55+s18+$0x0], $0xffff  }
0x15a: {  	v28 =	vmul.bf16 v51, v30;
	v41 =	vmul.bf16 v41, v51;
	v21 =	vadd.f32 v21, v49;
	v49 =	vld.idx.msk [tilespmem:v56+s18+$0x0], $0xffff  }
0x15b: {  	v42 =	vunpack.i.l.bf16.f32 v37;
	v14 =	vadd.f32 v14, v18;
	v26 =	vadd.f32 v26, v48;
	v27 =	vld.idx.msk [tilespmem:v33+s20+$0x0], $0xffff  }
0x15c: {  	v51 =	vadd.s32 v1, v44;
	v28 =	vadd.bf16 v61, v28;
	v41 =	vsub.bf16 v41, v46;
	v40 =	vld.idx.msk [tilespmem:v59+s20+$0x0], $0xffff  }
0x15d: {  	v21 =	vadd.f32 v42, v21;
	v42 =	vunpack.i.u.bf16.f32 v0;
	v0 =	vunpack.i.l.bf16.f32 v0;
	v30 =	vld.idx.msk [tilespmem:v57+s20+$0x0], $0xffff  }
0x15e: {  	v18 =	vunpack.i.u.bf16.f32 v35;
	v26 =	vadd.f32 v39, v26;
	v0 =	vadd.f32 v0, v16;
	v48 =	vld.idx.msk [tilespmem:v56+s20+$0x0], $0xffff  }
0x15f: {  	v45 =	vadd.s32 v10, v44;
	v5 =	vsub.bf16 v63, v5;
	v29 =	vadd.f32 v29, v50;
	v46 =	vld.idx.msk [tilespmem:v55+s20+$0x0], $0xffff  }
0x160: {  	v16 =	vunpack.i.u.bf16.f32 v37;
	v26 =	vadd.f32 v26, v18;
	v43 =	vld.idx.msk [tilespmem:v59+s18+$0x0], $0xffff;
	v0 =	vadd.f32 v0, v42  }
0x161: {  	v53 =	vunpack.i.u.bf16.f32 v11;
	v61 =	vmovc v6;
	v18 =	vadd.f32 v14, v12;
	v21 =	vadd.f32 v21, v16;
	v35 =	vld.idx.msk [tilespmem:v51+s20+$0x0], $0xffff  }
0x162: {  	p1 =	slt.u32 s15, $0x3E;
	v11 =	vmovc v5;
	v5 =	vld.idx.msk [tilespmem:v47+s18+$0x0], $0xffff;
	v37 =	vadd.f32 v29, v53;
	v0 =	vadd.f32 v15, v0;
	v15 =	vunpack.i.u.bf16.f32 v38  }
.Ltmp2:
0x163: {  	v55 =	vmovc v4;
	v59 =	vmovc v7;
	v42 =	vld.idx.msk [tilespmem:v57+s18+$0x0], $0xffff;
	v57 =	vlaneseq.u32;
	v22 =	vadd.f32 v22, v15;
	v15 =	vmul.bf16 v60, v54;
	(pc) =	sbr.rel @p1 .LBB2_7-.Ltmp2, $4  }
0x164: {  	v62 =	vmovc v9;
	v16 =	vadd.f32 v0, v13;
	v0 =	vmul.bf16 v48, v49;
	v29 =	vmul.bf16 v48, v58  }
0x165: {  	v63 =	vmovc v1;
	v39 =	vld.idx.msk [tilespmem:v45+s20+$0x0], $0xffff;
	v54 =	vmul.bf16 v46, v58;
	v56 =	vmul.bf16 v49, v46;
	v13 =	vunpack.i.u.bf16.f32 v41  }
0x166: {  	v44 =	vld.idx.msk [tilespmem:v45+s18+$0x0], $0xffff;
	v60 =	vmovc v8;
	v58 =	vmovc v2;
	v12 =	vunpack.i.u.bf16.f32 v15;
	v14 =	vunpack.i.l.bf16.f32 v15;
	v15 =	vunpack.i.l.bf16.f32 v41  }
0x167: {  	s15 =	sadd.s32 $0x2, s15;
	v41 =	vld.idx.msk [tilespmem:v51+s18+$0x0], $0xffff;
	v38 =	vmul.bf16 v52, v5;
	v46 =	vadd.bf16 v0, v54;
	v45 =	vsub.bf16 v56, v29  }
0x168: {  	_ =	sdelay $0x3  }
0x169: {  	v0 =	vld.idx.msk [tilespmem:v33+s18+$0x0], $0xffff;
	v5 =	vunpack.i.u.bf16.f32 v34;
	v29 =	vunpack.i.l.bf16.f32 v11;
	v33 =	vunpack.i.l.bf16.f32 v28  }
0x16a: {  	v40 =	vmul.bf16 v40, v43;
	v53 =	vmul.bf16 v30, v42;
	v56 =	vunpack.i.l.bf16.f32 v34  }
0x16b: {  	v52 =	vld.idx.msk [tilespmem:v20+s20+$0x0], $0xffff;
	v11 =	vunpack.i.u.bf16.f32 v11;
	v47 =	vunpack.i.l.bf16.f32 v46;
	v48 =	vunpack.i.l.bf16.f32 v38  }
0x16c: {  	v20 =	vld.idx.msk [tilespmem:v20+s18+$0x0], $0xffff;
	v50 =	vunpack.i.l.bf16.f32 v45;
	v43 =	vunpack.i.u.bf16.f32 v46;
	v45 =	vunpack.i.u.bf16.f32 v45  }
0x16d: {  	v46 =	vld.idx.msk [tilespmem:v23+s18+$0x0], $0xffff;
	v49 =	vmul.bf16 v36, v39;
	v36 =	vmul.bf16 v32, v36;
	v51 =	vunpack.i.l.bf16.f32 v40  }
0x16e: {  	v23 =	vld.idx.msk [tilespmem:v23+s20+$0x0], $0xffff;
	v25 =	vadd.f32 v47, v25;
	v37 =	vadd.f32 v50, v37;
	v39 =	vmul.bf16 v39, v44  }
0x16f: {  	v40 =	vunpack.i.u.bf16.f32 v40;
	v32 =	vmul.bf16 v32, v44;
	v44 =	vld.idx.msk [tilespmem:v31+s18+$0x0], $0xffff;
	v54 =	vmul.bf16 v27, v0  }
0x170: {  	v31 =	vld.idx.msk [tilespmem:v31+s20+$0x0], $0xffff;
	v24 =	vadd.f32 v51, v24;
	v25 =	vadd.f32 v25, v43;
	v35 =	vmul.bf16 v35, v41  }
0x171: {  	v36 =	vadd.bf16 v36, v39;
	v27 =	vmul.bf16 v27, v42;
	v51 =	vadd.bf16 v54, v53  }
0x172: {  	v24 =	vadd.f32 v24, v40;
	v0 =	vmul.bf16 v0, v30;
	v30 =	vsub.bf16 v49, v32  }
0x173: {  	v20 =	vmul.bf16 v52, v20;
	v25 =	vadd.f32 v56, v25;
	v54 =	vld.idx.msk [tilespmem:v17+s20+$0x0], $0xffff;
	v56 =	vunpack.i.l.bf16.f32 v51  }
0x174: {  	v49 =	vmul.bf16 v23, v46;
	v17 =	vld.idx.msk [tilespmem:v17+s18+$0x0], $0xffff;
	v24 =	vadd.f32 v48, v24;
	v19 =	vadd.f32 v56, v19  }
0x175: {  	v0 =	vsub.bf16 v0, v27;
	v47 =	vmul.bf16 v31, v44;
	v39 =	vunpack.i.u.bf16.f32 v51  }
0x176: {  	v31 =	vmul.bf16 v46, v31;
	v23 =	vmul.bf16 v23, v44;
	v19 =	vadd.f32 v19, v39  }
0x177: {  	v5 =	vadd.f32 v25, v5;
	v25 =	vunpack.i.u.bf16.f32 v28;
	v28 =	vadd.bf16 v49, v47  }
0x178: {  	v23 =	vsub.bf16 v31, v23;
	v31 =	vunpack.i.l.bf16.f32 v20;
	v19 =	vadd.f32 v33, v19  }
0x179: {  	[tilespmem:s23+$0x16E80] =	vst v5;
	v5 =	vunpack.i.u.bf16.f32 v20;
	v17 =	vmul.bf16 v54, v17;
	v27 =	vunpack.i.u.bf16.f32 v28  }
0x17a: {  	v19 =	vadd.f32 v19, v25;
	v25 =	vadd.f32 v31, v26;
	v31 =	vunpack.i.l.bf16.f32 v23  }
0x17b: {  	v28 =	vunpack.i.l.bf16.f32 v28;
	v26 =	vunpack.i.l.bf16.f32 v17;
	v22 =	vadd.f32 v31, v22  }
0x17c: {  	v18 =	vadd.f32 v26, v18;
	v26 =	vadd.f32 v37, v45;
	v31 =	vunpack.i.l.bf16.f32 v0  }
0x17d: {  	v17 =	vunpack.i.u.bf16.f32 v17;
	v16 =	vadd.f32 v31, v16;
	v5 =	vadd.f32 v25, v5  }
0x17e: {  	v0 =	vunpack.i.u.bf16.f32 v0;
	v17 =	vadd.f32 v18, v17;
	v18 =	vadd.f32 v28, v21  }
0x17f: {  	v53 =	vunpack.i.u.bf16.f32 v38;
	v21 =	vadd.f32 v29, v26;
	v0 =	vadd.f32 v16, v0  }
0x180: {  	v50 =	vunpack.i.l.bf16.f32 v36;
	v14 =	vadd.f32 v14, v17;
	v17 =	vadd.f32 v18, v27  }
0x181: {  	v11 =	vadd.f32 v21, v11;
	v18 =	vunpack.i.u.bf16.f32 v23;
	v0 =	vadd.f32 v15, v0  }
0x182: {  	[tilespmem:s23+$0x16E90] =	vst v19;
	v16 =	vunpack.i.l.bf16.f32 v35;
	v12 =	vadd.f32 v14, v12;
	v14 =	vadd.f32 v22, v18  }
0x183: {  	v15 =	vadd.f32 v50, v17;
	[tilespmem:s23+$0x19590] =	vst v11;
	v11 =	vunpack.i.l.bf16.f32 v30;
	v0 =	vadd.f32 v0, v13  }
0x184: {  	v13 =	vunpack.i.u.bf16.f32 v36;
	[tilespmem:s23+$0x1BCA0] =	vst v12;
	v12 =	vadd.f32 v24, v53;
	v11 =	vadd.f32 v11, v14  }
0x185: {  	v5 =	vadd.f32 v16, v5;
	v13 =	vadd.f32 v15, v13;
	v14 =	vunpack.i.u.bf16.f32 v30;
	[tilespmem:s23+$0x195A0] =	vst v0  }
0x186: {  	v0 =	vunpack.i.u.bf16.f32 v35;
	v11 =	vadd.f32 v11, v14;
	[tilespmem:s23+$0x1BCB0] =	vst v12  }
0x187: {  	v0 =	vadd.f32 v5, v0;
	[tilespmem:s23+$0x16EA0] =	vst v13  }
0x188: {  	[tilespmem:s23+$0x195B0] =	vst v11  }
0x189: {  	[tilespmem:s23+$0x1BCC0] =	vst v0  }
0x18a: {  	s4 =	simm.s32 $0x1;
	_ =	swait.ge [sflag:s1], $0x2400  }
0x18b: {  	v0 =	vadd.s32 s4, v57;
	[sflag:s1] =	ssyncset.done $0x0  }
0x18c: {  	v5 =	vadd.s32 s4, v58;
	vm0 =	vgt.u32 v0, $0x3F;
	[sflag:s1] =	ssyncadd.s32 $0xFFFFDC00  }
0x18d: {  	v0 =	vsel vm0, v5, v0;
	_ =	swait.ge [sflag:s0], $0x2400  }
0x18e: {  	s15 =	simm.s32 @!p0 $0x30;
	v11 =	vadd.s32 v59, v0;
	[sflag:s0] =	ssyncset.done $0x0  }
0x18f: {  	s17 =	simm.s32 @!p0 $0xBA20;
	s4 =	sadd.s32 @!p0 $0x2A0, s13;
	v12 =	vadd.s32 v60, v0;
	[sflag:s0] =	ssyncadd.s32 $0xFFFFDC00  }
0x190: {  	[tilespmem:s17], [sflag:$0x4] =	stream.indirect.gather @!p0 [hbm4b:s3+s15], $0xC0, s4, s15, $0xb8;
	[tilespmem:$0x1E350] =	vst v63  }
0x191: {  	s4 =	sadd.s32 @!p0 $0x2D0, s13;
	s13 =	simm.s32 @!p0 $0x14A20  }
0x192: {  	v14 =	vadd.s32 v55, v0;
	v3 =	vld [tilespmem:$0x1FFF0];
	[tilespmem:s13], [sflag:$0x8] =	stream.indirect.gather @!p0 [hbm4b:s3+s15], $0xC0, s4, s15, $0xb8  }
0x193: {  	s17 =	simm.s32 $0x0;
	v15 =	vld.idx.msk [tilespmem:v11+s22+$0x0], $0xffff  }
0x194: {  	v17 =	vadd.s32 v62, v0;
	v16 =	vadd.s32 s17, v57;
	v19 =	vld.idx.msk [tilespmem:v12+s22+$0x0], $0xffff  }
0x195: {  	v18 =	vadd.s32 s17, v58;
	vm15 =	vgt.u32 v16, $0x3F;
	v12 =	vld.idx.msk [tilespmem:v12+s24+$0x0], $0xffff  }
0x196: {  	v54 =	vadd.s32 v10, v0;
	v16 =	vsel vm15, v18, v16;
	v18 =	vld.idx.msk [tilespmem:v11+s24+$0x0], $0xffff  }
0x197: {  	v21 =	vld.idx.msk [tilespmem:v14+s24+$0x0], $0xffff  }
0x198: {  	v14 =	vld.idx.msk [tilespmem:v14+s22+$0x0], $0xffff  }
0x199: {  	v5 =	vadd.s32 v3, v0;
	v24 =	vld.idx.msk [tilespmem:v17+s24+$0x0], $0xffff  }
0x19a: {  	v25 =	vld.idx.msk [tilespmem:v17+s22+$0x0], $0xffff  }
0x19b: {  	v39 =	vld.idx.msk [tilespmem:v54+s24+$0x0], $0xffff;
	v11 =	vadd.s32 v55, v16  }
0x19c: {  	v22 =	vadd.s32 v3, v16;
	v3 =	vld [tilespmem:$0x1FFE0]  }
0x19d: {  	v44 =	vld.idx.msk [tilespmem:v54+s22+$0x0], $0xffff  }
0x19e: {  	v33 =	vadd.s32 v60, v16;
	v13 =	vld.idx.msk [tilespmem:v5+s24+$0x0], $0xffff  }
0x19f: {  	v5 =	vld.idx.msk [tilespmem:v5+s22+$0x0], $0xffff  }
0x1a0: {  	v51 =	vadd.s32 v61, v16;
	v26 =	vld.idx.msk [tilespmem:v11+s22+$0x0], $0xffff  }
0x1a1: {  	v37 =	vimm.f32 $0.0e+00;
	v23 =	vadd.s32 v3, v0;
	v29 =	vld.idx.msk [tilespmem:v22+s22+$0x0], $0xffff  }
0x1a2: {  	v28 =	vadd.s32 v61, v0;
	v52 =	vadd.s32 v59, v16;
	v17 =	vadd.s32 v62, v16;
	v22 =	vld.idx.msk [tilespmem:v22+s24+$0x0], $0xffff  }
0x1a3: {  	v20 =	vadd.s32 v63, v16;
	v53 =	vmul.bf16 v12, v19;
	v12 =	vmul.bf16 v12, v15;
	v27 =	vld.idx.msk [tilespmem:v33+s24+$0x0], $0xffff  }
0x1a4: {  	v31 =	vadd.s32 v10, v16;
	v56 =	vld.idx.msk [tilespmem:v11+s24+$0x0], $0xffff;
	v30 =	vmul.bf16 v13, v5;
	v5 =	vmul.bf16 v5, v21  }
0x1a5: {  	v40 =	vld.idx.msk [tilespmem:v51+s24+$0x0], $0xffff;
	v0 =	vadd.s32 v63, v0;
	v21 =	vmul.bf16 v21, v14;
	v11 =	vmul.bf16 v13, v14  }
0x1a6: {  	v13 =	vmul.bf16 v19, v18;
	v14 =	vmul.bf16 v24, v25;
	v25 =	vimm.f32 $0.0e+00;
	v32 =	vld.idx.msk [tilespmem:v23+s24+$0x0], $0xffff  }
0x1a7: {  	v24 =	vimm.f32 $0.0e+00;
	v36 =	vld.idx.msk [tilespmem:v23+s22+$0x0], $0xffff;
	v23 =	vadd.s32 v3, v16;
	v19 =	vmul.bf16 v22, v29  }
0x1a8: {  	v16 =	vld.idx.msk [tilespmem:v28+s24+$0x0], $0xffff;
	v34 =	vadd.bf16 v30, v21;
	v11 =	vsub.bf16 v5, v11;
	v5 =	vmul.bf16 v18, v15  }
0x1a9: {  	v18 =	vld.idx.msk [tilespmem:v28+s22+$0x0], $0xffff;
	v15 =	vsub.bf16 v13, v12;
	v21 =	vmul.bf16 v22, v26;
	v22 =	vmul.bf16 v29, v56  }
0x1aa: {  	v43 =	vld.idx.msk [tilespmem:v51+s22+$0x0], $0xffff;
	v12 =	vunpack.i.u.bf16.f32 v14;
	v14 =	vunpack.i.l.bf16.f32 v14;
	v28 =	vadd.bf16 v53, v5  }
0x1ab: {  	v42 =	vld.idx.msk [tilespmem:v52+s22+$0x0], $0xffff;
	v5 =	vmul.bf16 v56, v26;
	v13 =	vunpack.i.u.bf16.f32 v15;
	v15 =	vunpack.i.l.bf16.f32 v15  }
0x1ac: {  	v35 =	vld.idx.msk [tilespmem:v0+s24+$0x0], $0xffff;
	v45 =	vsub.bf16 v22, v21;
	v26 =	vimm.f32 $0.0e+00;
	v22 =	vimm.f32 $0.0e+00  }
0x1ad: {  	v41 =	vld.idx.msk [tilespmem:v0+s22+$0x0], $0xffff;
	v21 =	vimm.f32 $0.0e+00;
	v46 =	vadd.bf16 v19, v5;
	v19 =	vimm.f32 $0.0e+00  }
0x1ae: {  	s13 =	simm.s32 $0x2;
	v30 =	vld.idx.msk [tilespmem:v52+s24+$0x0], $0xffff;
	v38 =	vmul.bf16 v16, v18;
	v18 =	vimm.f32 $0.0e+00;
	v16 =	vimm.f32 $0.0e+00  }
.LBB2_9:
0x1af: {  	v5 =	vunpack.i.u.bf16.f32 v34;
	v29 =	vunpack.i.l.bf16.f32 v11;
	v51 =	vmul.bf16 v32, v36  }
0x1b0: {  	v0 =	vld.idx.msk [tilespmem:v33+s22+$0x0], $0xffff;
	v56 =	vunpack.i.l.bf16.f32 v34;
	v33 =	vunpack.i.l.bf16.f32 v28;
	v47 =	vunpack.i.l.bf16.f32 v46  }
0x1b1: {  	v48 =	vunpack.i.l.bf16.f32 v38;
	v50 =	vunpack.i.l.bf16.f32 v45;
	v46 =	vunpack.i.u.bf16.f32 v46  }
0x1b2: {  	s15 =	smov.u32 s13;
	v52 =	vld.idx.msk [tilespmem:v23+s22+$0x0], $0xffff;
	v28 =	vunpack.i.u.bf16.f32 v28;
	v25 =	vadd.f32 v47, v25;
	v49 =	vmul.bf16 v36, v39  }
0x1b3: {  	v53 =	vld.idx.msk [tilespmem:v31+s22+$0x0], $0xffff;
	s4 =	sadd.s32 $0x1, s15;
	v43 =	vmul.bf16 v40, v43;
	v39 =	vmul.bf16 v39, v44;
	v36 =	vunpack.i.u.bf16.f32 v45  }
0x1b4: {  	v31 =	vld.idx.msk [tilespmem:v31+s24+$0x0], $0xffff;
	v32 =	vmul.bf16 v32, v44;
	v44 =	vadd.s32 s4, v57;
	v40 =	vadd.f32 v50, v37  }
0x1b5: {  	v23 =	vld.idx.msk [tilespmem:v23+s24+$0x0], $0xffff;
	v50 =	vmul.bf16 v30, v42;
	v35 =	vmul.bf16 v35, v41;
	v25 =	vadd.f32 v25, v46  }
0x1b6: {  	v41 =	vunpack.i.u.bf16.f32 v38;
	vm0 =	vgt.u32 v44, $0x3F;
	v47 =	vmul.bf16 v27, v0  }
0x1b7: {  	v27 =	vmul.bf16 v27, v42;
	v0 =	vmul.bf16 v0, v30;
	v45 =	vunpack.i.l.bf16.f32 v43  }
0x1b8: {  	v37 =	vadd.bf16 v51, v39;
	v39 =	vunpack.i.l.bf16.f32 v35;
	v30 =	vunpack.i.u.bf16.f32 v43  }
0x1b9: {  	v3 =	vld [tilespmem:$0x1FFE0];
	v25 =	vadd.f32 v56, v25;
	v38 =	vsub.bf16 v49, v32;
	v49 =	vmul.bf16 v31, v53  }
0x1ba: {  	v51 =	vadd.s32 s4, v58;
	v43 =	vld.idx.msk [tilespmem:v17+s24+$0x0], $0xffff;
	v31 =	vmul.bf16 v52, v31;
	v52 =	vmul.bf16 v23, v52  }
0x1bb: {  	v56 =	vld [tilespmem:$0x1FFF0];
	v23 =	vmul.bf16 v23, v53;
	v24 =	vadd.f32 v45, v24;
	v44 =	vsel vm0, v51, v44  }
0x1bc: {  	v17 =	vld.idx.msk [tilespmem:v17+s22+$0x0], $0xffff;
	v45 =	vadd.bf16 v47, v50;
	v0 =	vsub.bf16 v0, v27;
	v32 =	vadd.s32 v55, v44  }
0x1bd: {  	v47 =	vadd.s32 v61, v44;
	v46 =	vadd.s32 v60, v44;
	v24 =	vadd.f32 v24, v30;
	v30 =	vld.idx.msk [tilespmem:v20+s24+$0x0], $0xffff  }
0x1be: {  	v50 =	vunpack.i.l.bf16.f32 v38;
	v51 =	vadd.s32 v59, v44;
	v25 =	vadd.f32 v25, v5;
	v20 =	vld.idx.msk [tilespmem:v20+s22+$0x0], $0xffff  }
0x1bf: {  	v55 =	vadd.bf16 v52, v49;
	v54 =	vunpack.i.l.bf16.f32 v45;
	v45 =	vunpack.i.u.bf16.f32 v45  }
0x1c0: {  	v19 =	vadd.f32 v54, v19;
	v34 =	vadd.s32 v56, v44;
	v24 =	vadd.f32 v48, v24  }
0x1c1: {  	v54 =	vadd.s32 v62, v44;
	v43 =	vmul.bf16 v43, v17;
	v17 =	vsub.bf16 v31, v23  }
0x1c2: {  	v49 =	vunpack.i.u.bf16.f32 v55;
	v19 =	vadd.f32 v19, v45;
	v24 =	vadd.f32 v24, v41;
	v41 =	vld.idx.msk [tilespmem:v46+s22+$0x0], $0xffff  }
0x1c3: {  	v23 =	vadd.s32 s15, v58;
	v45 =	vadd.s32 v3, v44;
	v46 =	vld.idx.msk [tilespmem:v46+s24+$0x0], $0xffff;
	v20 =	vmul.bf16 v30, v20  }
0x1c4: {  	v52 =	vld.idx.msk [tilespmem:v32+s24+$0x0], $0xffff;
	v53 =	vunpack.i.l.bf16.f32 v43;
	v58 =	vunpack.i.u.bf16.f32 v17;
	v19 =	vadd.f32 v33, v19  }
0x1c5: {  	v43 =	vunpack.i.u.bf16.f32 v43;
	v18 =	vadd.f32 v53, v18;
	v5 =	vld.idx.msk [tilespmem:v34+s24+$0x0], $0xffff;
	v31 =	vunpack.i.l.bf16.f32 v20  }
0x1c6: {  	v34 =	vld.idx.msk [tilespmem:v34+s22+$0x0], $0xffff;
	v19 =	vadd.f32 v19, v28;
	v28 =	vadd.s32 s15, v57;
	v48 =	vunpack.i.u.bf16.f32 v20  }
0x1c7: {  	v32 =	vld.idx.msk [tilespmem:v32+s22+$0x0], $0xffff;
	v20 =	vunpack.i.l.bf16.f32 v17;
	v18 =	vadd.f32 v18, v43;
	vm15 =	vgt.u32 v28, $0x3F  }
0x1c8: {  	v30 =	vld.idx.msk [tilespmem:v51+s22+$0x0], $0xffff;
	v26 =	vadd.f32 v31, v26;
	v31 =	vunpack.i.l.bf16.f32 v55;
	v28 =	vsel vm15, v23, v28  }
0x1c9: {  	v51 =	vld.idx.msk [tilespmem:v51+s24+$0x0], $0xffff;
	v22 =	vadd.f32 v20, v22;
	v55 =	vadd.s32 v4, v28;
	v56 =	vadd.s32 v56, v28  }
0x1ca: {  	v33 =	vadd.s32 v60, v28;
	v17 =	vadd.s32 v62, v28;
	v20 =	vadd.s32 v63, v28;
	v60 =	vld.idx.msk [tilespmem:v54+s24+$0x0], $0xffff  }
0x1cb: {  	v54 =	vld.idx.msk [tilespmem:v54+s22+$0x0], $0xffff;
	v22 =	vadd.f32 v22, v58;
	v62 =	vmul.bf16 v5, v34;
	v63 =	vmul.bf16 v34, v52  }
0x1cc: {  	v57 =	vadd.s32 v59, v28;
	v52 =	vmul.bf16 v52, v32;
	v5 =	vmul.bf16 v5, v32;
	v32 =	vld.idx.msk [tilespmem:v45+s24+$0x0], $0xffff  }
0x1cd: {  	v59 =	vadd.s32 v61, v28;
	v22 =	vadd.f32 v50, v22;
	v50 =	vadd.f32 v40, v36;
	v36 =	vld.idx.msk [tilespmem:v45+s22+$0x0], $0xffff  }
0x1ce: {  	v21 =	vadd.f32 v31, v21;
	v61 =	vmul.bf16 v46, v41;
	v34 =	vadd.bf16 v62, v52;
	v52 =	vld.idx.msk [tilespmem:v47+s24+$0x0], $0xffff  }
0x1cf: {  	v23 =	vadd.s32 v3, v28;
	v46 =	vmul.bf16 v46, v30;
	v31 =	vadd.s32 v10, v28;
	v58 =	vld.idx.msk [tilespmem:v55+s22+$0x0], $0xffff  }
0x1d0: {  	v28 =	vmul.bf16 v51, v30;
	v41 =	vmul.bf16 v41, v51;
	v21 =	vadd.f32 v21, v49;
	v49 =	vld.idx.msk [tilespmem:v56+s22+$0x0], $0xffff  }
0x1d1: {  	v42 =	vunpack.i.l.bf16.f32 v37;
	v14 =	vadd.f32 v14, v18;
	v26 =	vadd.f32 v26, v48;
	v27 =	vld.idx.msk [tilespmem:v33+s24+$0x0], $0xffff  }
0x1d2: {  	v51 =	vadd.s32 v1, v44;
	v28 =	vadd.bf16 v61, v28;
	v41 =	vsub.bf16 v41, v46;
	v40 =	vld.idx.msk [tilespmem:v59+s24+$0x0], $0xffff  }
0x1d3: {  	v21 =	vadd.f32 v42, v21;
	v42 =	vunpack.i.u.bf16.f32 v0;
	v0 =	vunpack.i.l.bf16.f32 v0;
	v30 =	vld.idx.msk [tilespmem:v57+s24+$0x0], $0xffff  }
0x1d4: {  	v18 =	vunpack.i.u.bf16.f32 v35;
	v26 =	vadd.f32 v39, v26;
	v0 =	vadd.f32 v0, v16;
	v48 =	vld.idx.msk [tilespmem:v56+s24+$0x0], $0xffff  }
0x1d5: {  	v45 =	vadd.s32 v10, v44;
	v5 =	vsub.bf16 v63, v5;
	v29 =	vadd.f32 v29, v50;
	v46 =	vld.idx.msk [tilespmem:v55+s24+$0x0], $0xffff  }
0x1d6: {  	v16 =	vunpack.i.u.bf16.f32 v37;
	v26 =	vadd.f32 v26, v18;
	v43 =	vld.idx.msk [tilespmem:v59+s22+$0x0], $0xffff;
	v0 =	vadd.f32 v0, v42  }
0x1d7: {  	v53 =	vunpack.i.u.bf16.f32 v11;
	v61 =	vmovc v6;
	v18 =	vadd.f32 v14, v12;
	v21 =	vadd.f32 v21, v16;
	v35 =	vld.idx.msk [tilespmem:v51+s24+$0x0], $0xffff  }
0x1d8: {  	p0 =	slt.u32 s13, $0x3E;
	v11 =	vmovc v5;
	v5 =	vld.idx.msk [tilespmem:v47+s22+$0x0], $0xffff;
	v37 =	vadd.f32 v29, v53;
	v0 =	vadd.f32 v15, v0;
	v15 =	vunpack.i.u.bf16.f32 v38  }
.Ltmp3:
0x1d9: {  	v55 =	vmovc v4;
	v59 =	vmovc v7;
	v42 =	vld.idx.msk [tilespmem:v57+s22+$0x0], $0xffff;
	v57 =	vlaneseq.u32;
	v22 =	vadd.f32 v22, v15;
	v15 =	vmul.bf16 v60, v54;
	(pc) =	sbr.rel @p0 .LBB2_9-.Ltmp3, $4  }
0x1da: {  	v62 =	vmovc v9;
	v16 =	vadd.f32 v0, v13;
	v0 =	vmul.bf16 v48, v49;
	v29 =	vmul.bf16 v48, v58  }
0x1db: {  	v63 =	vmovc v1;
	v39 =	vld.idx.msk [tilespmem:v45+s24+$0x0], $0xffff;
	v54 =	vmul.bf16 v46, v58;
	v56 =	vmul.bf16 v49, v46;
	v13 =	vunpack.i.u.bf16.f32 v41  }
0x1dc: {  	v44 =	vld.idx.msk [tilespmem:v45+s22+$0x0], $0xffff;
	v60 =	vmovc v8;
	v58 =	vmovc v2;
	v12 =	vunpack.i.u.bf16.f32 v15;
	v14 =	vunpack.i.l.bf16.f32 v15;
	v15 =	vunpack.i.l.bf16.f32 v41  }
0x1dd: {  	s13 =	sadd.s32 $0x2, s13;
	v41 =	vld.idx.msk [tilespmem:v51+s22+$0x0], $0xffff;
	v38 =	vmul.bf16 v52, v5;
	v46 =	vadd.bf16 v0, v54;
	v45 =	vsub.bf16 v56, v29  }
0x1de: {  	_ =	sdelay $0x2  }
0x1df: {  	v5 =	vunpack.i.u.bf16.f32 v34  }
0x1e0: {  	v0 =	vld.idx.msk [tilespmem:v33+s22+$0x0], $0xffff;
	v29 =	vunpack.i.l.bf16.f32 v11;
	v33 =	vunpack.i.l.bf16.f32 v28;
	v40 =	vmul.bf16 v40, v43  }
0x1e1: {  	v52 =	vmovc v10;
	v56 =	vmul.bf16 v32, v36;
	v4 =	vmul.bf16 v30, v42;
	v10 =	vunpack.i.l.bf16.f32 v34  }
0x1e2: {  	v47 =	vunpack.i.l.bf16.f32 v46;
	v48 =	vunpack.i.l.bf16.f32 v38;
	v50 =	vunpack.i.l.bf16.f32 v45  }
0x1e3: {  	v7 =	vld.idx.msk [tilespmem:v31+s24+$0x0], $0xffff;
	v9 =	vunpack.i.u.bf16.f32 v46;
	v45 =	vunpack.i.u.bf16.f32 v45;
	v38 =	vunpack.i.u.bf16.f32 v38  }
0x1e4: {  	v46 =	vld.idx.msk [tilespmem:v23+s22+$0x0], $0xffff;
	v49 =	vmul.bf16 v36, v39;
	v51 =	vunpack.i.l.bf16.f32 v40;
	v25 =	vadd.f32 v47, v25  }
0x1e5: {  	v23 =	vld.idx.msk [tilespmem:v23+s24+$0x0], $0xffff;
	v37 =	vadd.f32 v50, v37;
	v40 =	vunpack.i.u.bf16.f32 v40;
	v50 =	vunpack.i.u.bf16.f32 v28  }
0x1e6: {  	v54 =	vmul.bf16 v39, v44;
	v32 =	vmul.bf16 v32, v44;
	v24 =	vadd.f32 v51, v24  }
0x1e7: {  	v44 =	vld.idx.msk [tilespmem:v31+s22+$0x0], $0xffff;
	v25 =	vadd.f32 v25, v9;
	v35 =	vmul.bf16 v35, v41;
	v6 =	vmul.bf16 v27, v0  }
0x1e8: {  	v36 =	vadd.bf16 v56, v54;
	v27 =	vmul.bf16 v27, v42;
	v24 =	vadd.f32 v24, v40  }
0x1e9: {  	v8 =	vld.idx.msk [tilespmem:v17+s24+$0x0], $0xffff;
	v0 =	vmul.bf16 v0, v30;
	v30 =	vsub.bf16 v49, v32;
	v40 =	vadd.f32 v37, v45  }
0x1ea: {  	v54 =	vld.idx.msk [tilespmem:v20+s24+$0x0], $0xffff;
	v25 =	vadd.f32 v10, v25;
	v31 =	vmul.bf16 v46, v7;
	v49 =	vmul.bf16 v23, v46  }
0x1eb: {  	v56 =	vld.idx.msk [tilespmem:v20+s22+$0x0], $0xffff;
	v45 =	vunpack.i.l.bf16.f32 v35;
	v53 =	vadd.bf16 v6, v4;
	v24 =	vadd.f32 v48, v24  }
0x1ec: {  	v10 =	vld.idx.msk [tilespmem:v17+s22+$0x0], $0xffff;
	v0 =	vsub.bf16 v0, v27;
	v43 =	vadd.f32 v29, v40;
	v47 =	vmul.bf16 v7, v44  }
0x1ed: {  	v5 =	vadd.f32 v25, v5;
	v23 =	vmul.bf16 v23, v44;
	v44 =	vunpack.i.u.bf16.f32 v11  }
0x1ee: {  	v9 =	vunpack.i.l.bf16.f32 v53;
	v39 =	vunpack.i.u.bf16.f32 v53;
	v41 =	vunpack.i.l.bf16.f32 v0  }
0x1ef: {  	v0 =	vunpack.i.u.bf16.f32 v0;
	v11 =	vadd.f32 v43, v44;
	v19 =	vadd.f32 v9, v19  }
0x1f0: {  	v20 =	vmul.bf16 v54, v56;
	v51 =	vadd.bf16 v49, v47;
	v23 =	vsub.bf16 v31, v23  }
0x1f1: {  	v54 =	vunpack.i.l.bf16.f32 v36;
	v16 =	vadd.f32 v41, v16;
	v17 =	vmul.bf16 v8, v10  }
0x1f2: {  	v19 =	vadd.f32 v19, v39;
	v53 =	vunpack.i.l.bf16.f32 v20;
	v34 =	vunpack.i.l.bf16.f32 v23  }
0x1f3: {  	v28 =	vunpack.i.l.bf16.f32 v51;
	v0 =	vadd.f32 v16, v0;
	v56 =	vadd.f32 v53, v26  }
0x1f4: {  	v39 =	vunpack.i.u.bf16.f32 v51;
	v22 =	vadd.f32 v34, v22;
	v42 =	vadd.f32 v28, v21  }
0x1f5: {  	v53 =	vadd.f32 v24, v38;
	v19 =	vadd.f32 v33, v19;
	v33 =	vunpack.i.l.bf16.f32 v17  }
0x1f6: {  	v47 =	vunpack.i.u.bf16.f32 v23;
	v0 =	vadd.f32 v15, v0;
	v18 =	vadd.f32 v33, v18  }
0x1f7: {  	v48 =	vunpack.i.u.bf16.f32 v20;
	v46 =	vadd.f32 v42, v39;
	v49 =	vadd.f32 v22, v47  }
0x1f8: {  	[tilespmem:s23+$0x16EB0] =	vst v5;
	v51 =	vunpack.i.l.bf16.f32 v30;
	v5 =	vadd.f32 v56, v48;
	v19 =	vadd.f32 v19, v50  }
0x1f9: {  	[tilespmem:s23+$0x195C0] =	vst v11;
	v17 =	vunpack.i.u.bf16.f32 v17;
	v0 =	vadd.f32 v0, v13;
	v50 =	vadd.f32 v54, v46  }
0x1fa: {  	s21 =	sadd.s32 $0x1, s21;
	[tilespmem:s23+$0x1BCE0] =	vst v53;
	v17 =	vadd.f32 v18, v17;
	v11 =	vadd.f32 v51, v49;
	v54 =	vunpack.i.u.bf16.f32 v36  }
0x1fb: {  	p0 =	sne.s32 s21, $0x34;
	v56 =	vunpack.i.u.bf16.f32 v30;
	v5 =	vadd.f32 v45, v5;
	[tilespmem:s23+$0x16EC0] =	vst v19;
	v13 =	vadd.f32 v50, v54  }
.Ltmp4:
0x1fc: {  	[tilespmem:s23+$0x195D0] =	vst v0;
	v0 =	vunpack.i.u.bf16.f32 v35;
	v14 =	vadd.f32 v14, v17;
	v11 =	vadd.f32 v11, v56;
	(pc) =	sbr.rel @p0 .LBB2_2-.Ltmp4, $4  }
0x1fd: {  	v0 =	vadd.f32 v5, v0;
	[tilespmem:s23+$0x16ED0] =	vst v13  }
0x1fe: {  	v12 =	vadd.f32 v14, v12;
	[tilespmem:s23+$0x195E0] =	vst v11  }
0x1ff: {  	v1 =	vld [tilespmem:$0x1FFE0];
	[tilespmem:s23+$0x1BCF0] =	vst v0  }
0x200: {  	v2 =	vld [tilespmem:$0x1FFF0];
	[tilespmem:s23+$0x1BCD0] =	vst v12  }
0x201: {  	s4 =	simm.s32 $0x0  }
0x202: {  	v0 =	vadd.s32 s4, v57  }
0x203: {  	v5 =	vadd.s32 s4, v58;
	vm0 =	vgt.u32 v0, $0x3F  }
0x204: {  	_ =	swait.ge [sflag:s25], $0xC00;
	v0 =	vsel vm0, v5, v0  }
0x205: {  	[sflag:s25] =	ssyncset.done $0x0;
	v5 =	vadd.s32 v62, v0  }
0x206: {  	[sflag:s25] =	ssyncadd.s32 $0xFFFFF400  }
0x207: {  	s21 =	simm.s32 $0x1;
	_ =	swait.ge [sflag:s26], $0xC00;
	v11 =	vadd.s32 v55, v0  }
0x208: {  	v12 =	vadd.s32 s21, v57;
	[sflag:s26] =	ssyncset.done $0x0  }
0x209: {  	v13 =	vadd.s32 s21, v58;
	vm14 =	vgt.u32 v12, $0x3F;
	v0 =	vadd.s32 v2, v0;
	[sflag:s26] =	ssyncadd.s32 $0xFFFFF400  }
0x20a: {  	v12 =	vsel vm14, v13, v12;
	v13 =	vld.idx.msk [tilespmem:v5+s11+$0x0], $0xffff  }
0x20b: {  	v14 =	vadd.s32 v62, v12;
	v5 =	vld.idx.msk [tilespmem:v5+s12+$0x0], $0xffff  }
0x20c: {  	v16 =	vld.idx.msk [tilespmem:v11+s11+$0x0], $0xffff  }
0x20d: {  	v15 =	vadd.s32 v55, v12;
	v11 =	vld.idx.msk [tilespmem:v11+s12+$0x0], $0xffff  }
0x20e: {  	v21 =	vld.idx.msk [tilespmem:v0+s11+$0x0], $0xffff  }
0x20f: {  	v12 =	vadd.s32 v2, v12;
	v0 =	vld.idx.msk [tilespmem:v0+s12+$0x0], $0xffff  }
0x210: {  	v22 =	vld.idx.msk [tilespmem:v14+s11+$0x0], $0xffff  }
0x211: {  	v14 =	vld.idx.msk [tilespmem:v14+s12+$0x0], $0xffff  }
0x212: {  	s13 =	simm.s32 $0x3;
	v23 =	vld.idx.msk [tilespmem:v15+s11+$0x0], $0xffff  }
0x213: {  	s23 =	simm.s32 $0x2;
	v18 =	vadd.s32 s13, v57;
	v25 =	vld.idx.msk [tilespmem:v15+s12+$0x0], $0xffff  }
0x214: {  	v17 =	vadd.s32 s23, v57;
	v19 =	vadd.s32 s13, v58;
	vm1 =	vgt.u32 v18, $0x3F;
	v26 =	vld.idx.msk [tilespmem:v12+s11+$0x0], $0xffff  }
0x215: {  	vm15 =	vgt.u32 v17, $0x3F;
	v15 =	vadd.s32 s23, v58;
	v27 =	vld.idx.msk [tilespmem:v12+s12+$0x0], $0xffff;
	v12 =	vsel vm1, v19, v18  }
0x216: {  	v15 =	vsel vm15, v15, v17;
	v17 =	vimm.f32 $0.0e+00;
	v18 =	vadd.s32 v62, v12  }
0x217: {  	v28 =	vadd.s32 v62, v15;
	v20 =	vadd.s32 v55, v15;
	v24 =	vmul.bf16 v11, v16  }
0x218: {  	v19 =	vadd.s32 v2, v15;
	v5 =	vmul.bf16 v5, v13;
	v13 =	vmul.bf16 v0, v21  }
0x219: {  	v15 =	vadd.s32 v55, v12;
	v11 =	vmul.bf16 v21, v11;
	v0 =	vmul.bf16 v0, v16  }
0x21a: {  	v12 =	vadd.s32 v2, v12;
	v16 =	vmul.bf16 v14, v22;
	v21 =	vmul.bf16 v25, v23  }
0x21b: {  	v31 =	vmul.bf16 v27, v26;
	v25 =	vmul.bf16 v26, v25;
	v22 =	vadd.bf16 v13, v24  }
0x21c: {  	v27 =	vmul.bf16 v27, v23;
	v24 =	vsub.bf16 v11, v0;
	v11 =	vld.idx.msk [tilespmem:v28+s11+$0x0], $0xffff;
	v26 =	vunpack.i.u.bf16.f32 v5  }
0x21d: {  	v14 =	vld.idx.msk [tilespmem:v28+s12+$0x0], $0xffff;
	v29 =	vunpack.i.l.bf16.f32 v5;
	v23 =	vadd.bf16 v31, v21;
	v0 =	vunpack.i.l.bf16.f32 v22  }
0x21e: {  	s13 =	simm.s32 $0x4;
	v13 =	vld.idx.msk [tilespmem:v20+s11+$0x0], $0xffff;
	v21 =	vimm.f32 $0.0e+00;
	v30 =	vunpack.i.l.bf16.f32 v24;
	v28 =	vadd.f32 v0, v17  }
.LBB2_12:
0x21f: {  	p0 =	slt.u32 s13, $0x3E;
	v0 =	vld.idx.msk [tilespmem:v20+s12+$0x0], $0xffff;
	v5 =	vunpack.i.u.bf16.f32 v22;
	v17 =	vadd.f32 v30, v17;
	v20 =	vadd.f32 v29, v21  }
0x220: {  	v21 =	vunpack.i.u.bf16.f32 v24;
	v24 =	vsub.bf16 v25, v27;
	v22 =	vld.idx.msk [tilespmem:v19+s11+$0x0], $0xffff;
	v5 =	vadd.f32 v28, v5  }
0x221: {  	v25 =	vld.idx.msk [tilespmem:v19+s12+$0x0], $0xffff;
	v17 =	vadd.f32 v17, v21;
	v19 =	vadd.f32 v20, v26;
	v20 =	vunpack.i.l.bf16.f32 v23  }
0x222: {  	v27 =	vunpack.i.l.bf16.f32 v16;
	v21 =	vunpack.i.l.bf16.f32 v24;
	v26 =	vld.idx.msk [tilespmem:v18+s11+$0x0], $0xffff;
	v5 =	vadd.f32 v20, v5  }
0x223: {  	v28 =	vld.idx.msk [tilespmem:v18+s12+$0x0], $0xffff;
	v18 =	vunpack.i.u.bf16.f32 v23;
	v17 =	vadd.f32 v21, v17;
	v19 =	vadd.f32 v27, v19  }
0x224: {  	v16 =	vunpack.i.u.bf16.f32 v16;
	v20 =	vunpack.i.u.bf16.f32 v24;
	v23 =	vld.idx.msk [tilespmem:v15+s11+$0x0], $0xffff;
	v5 =	vadd.f32 v5, v18  }
0x225: {  	s4 =	sadd.s32 $0x1, s13;
	v27 =	vld.idx.msk [tilespmem:v15+s12+$0x0], $0xffff;
	v17 =	vadd.f32 v17, v20;
	v21 =	vadd.f32 v19, v16  }
0x226: {  	v18 =	vadd.s32 s4, v57;
	v15 =	vadd.s32 s13, v57;
	v16 =	vadd.s32 s13, v58;
	v29 =	vld.idx.msk [tilespmem:v12+s11+$0x0], $0xffff  }
0x227: {  	vm1 =	vgt.u32 v18, $0x3F;
	v19 =	vadd.s32 s4, v58;
	vm0 =	vgt.u32 v15, $0x3F;
	v30 =	vld.idx.msk [tilespmem:v12+s12+$0x0], $0xffff  }
0x228: {  	v12 =	vsel vm0, v16, v15;
	v16 =	vsel vm1, v19, v18  }
0x229: {  	v31 =	vadd.s32 v62, v12;
	v20 =	vadd.s32 v55, v12;
	v19 =	vadd.s32 v2, v12  }
0x22a: {  	v32 =	vmul.bf16 v14, v11;
	v24 =	vmul.bf16 v0, v13;
	v18 =	vadd.s32 v62, v16  }
0x22b: {  	v0 =	vmul.bf16 v22, v0;
	v11 =	vmul.bf16 v25, v22;
	v15 =	vadd.s32 v55, v16  }
.Ltmp5:
0x22c: {  	v13 =	vmul.bf16 v25, v13;
	v12 =	vadd.s32 v2, v16;
	v16 =	vmul.bf16 v28, v26;
	(pc) =	sbr.rel @p0 .LBB2_12-.Ltmp5, $4  }
0x22d: {  	v22 =	vadd.bf16 v11, v24;
	v33 =	vmul.bf16 v27, v23;
	v34 =	vmul.bf16 v30, v29  }
0x22e: {  	v24 =	vsub.bf16 v0, v13;
	v25 =	vmul.bf16 v29, v27;
	v27 =	vmul.bf16 v30, v23;
	v11 =	vld.idx.msk [tilespmem:v31+s11+$0x0], $0xffff  }
0x22f: {  	v26 =	vunpack.i.u.bf16.f32 v32;
	v0 =	vunpack.i.l.bf16.f32 v22;
	v29 =	vunpack.i.l.bf16.f32 v32;
	v14 =	vld.idx.msk [tilespmem:v31+s12+$0x0], $0xffff  }
0x230: {  	s13 =	sadd.s32 $0x2, s13;
	v28 =	vadd.f32 v0, v5;
	v30 =	vunpack.i.l.bf16.f32 v24;
	v23 =	vadd.bf16 v34, v33;
	v13 =	vld.idx.msk [tilespmem:v20+s11+$0x0], $0xffff  }
0x231: {  	_ =	sdelay $0x3  }
0x232: {  	v0 =	vld.idx.msk [tilespmem:v20+s12+$0x0], $0xffff  }
0x233: {  	v5 =	vld.idx.msk [tilespmem:v19+s11+$0x0], $0xffff  }
0x234: {  	v51 =	vld.idx.msk [tilespmem:v19+s12+$0x0], $0xffff  }
0x235: {  	v54 =	vld.idx.msk [tilespmem:v18+s11+$0x0], $0xffff  }
0x236: {  	v56 =	vld.idx.msk [tilespmem:v18+s12+$0x0], $0xffff  }
0x237: {  	v17 =	vadd.f32 v30, v17;
	v32 =	vld.idx.msk [tilespmem:v15+s11+$0x0], $0xffff  }
0x238: {  	v53 =	vadd.f32 v29, v21;
	v22 =	vunpack.i.u.bf16.f32 v22;
	v24 =	vunpack.i.u.bf16.f32 v24;
	v34 =	vld.idx.msk [tilespmem:v15+s12+$0x0], $0xffff  }
0x239: {  	v25 =	vsub.bf16 v25, v27;
	v35 =	vunpack.i.l.bf16.f32 v16;
	v37 =	vld.idx.msk [tilespmem:v12+s11+$0x0], $0xffff;
	v39 =	vunpack.i.u.bf16.f32 v16  }
0x23a: {  	v38 =	vld.idx.msk [tilespmem:v12+s12+$0x0], $0xffff;
	v22 =	vadd.f32 v28, v22;
	v33 =	vunpack.i.l.bf16.f32 v23;
	v36 =	vunpack.i.u.bf16.f32 v23  }
0x23b: {  	v17 =	vadd.f32 v17, v24;
	v20 =	vadd.f32 v53, v26;
	v27 =	vunpack.i.l.bf16.f32 v25  }
0x23c: {  	v25 =	vunpack.i.u.bf16.f32 v25;
	v11 =	vmul.bf16 v14, v11;
	v40 =	vmul.bf16 v0, v13  }
0x23d: {  	v22 =	vadd.f32 v33, v22;
	v41 =	vmul.bf16 v51, v5;
	v0 =	vmul.bf16 v5, v0  }
0x23e: {  	v17 =	vadd.f32 v27, v17;
	v42 =	vmul.bf16 v51, v13;
	v43 =	vmul.bf16 v56, v54  }
0x23f: {  	v20 =	vadd.f32 v35, v20;
	v44 =	vmul.bf16 v34, v32;
	v45 =	vmul.bf16 v38, v37  }
0x240: {  	v22 =	vadd.f32 v22, v36;
	v46 =	vmul.bf16 v37, v34;
	v12 =	vmul.bf16 v38, v32  }
0x241: {  	v48 =	vunpack.i.l.bf16.f32 v11;
	v16 =	vadd.f32 v20, v39;
	v14 =	vadd.bf16 v41, v40  }
0x242: {  	v11 =	vunpack.i.u.bf16.f32 v11;
	v17 =	vadd.f32 v17, v25;
	v0 =	vsub.bf16 v0, v42  }
0x243: {  	v18 =	vadd.bf16 v45, v44;
	v16 =	vadd.f32 v48, v16;
	v47 =	vunpack.i.l.bf16.f32 v14  }
0x244: {  	v5 =	vsub.bf16 v46, v12;
	v49 =	vunpack.i.l.bf16.f32 v0;
	v15 =	vadd.f32 v47, v22  }
0x245: {  	v14 =	vunpack.i.u.bf16.f32 v14;
	v17 =	vadd.f32 v49, v17;
	v11 =	vadd.f32 v16, v11  }
0x246: {  	v53 =	vunpack.i.l.bf16.f32 v43;
	v0 =	vunpack.i.u.bf16.f32 v0;
	v14 =	vadd.f32 v15, v14  }
0x247: {  	v50 =	vunpack.i.l.bf16.f32 v18;
	v0 =	vadd.f32 v17, v0;
	v11 =	vadd.f32 v53, v11  }
0x248: {  	v13 =	vunpack.i.u.bf16.f32 v43;
	v51 =	vunpack.i.l.bf16.f32 v5;
	v12 =	vadd.f32 v50, v14  }
0x249: {  	v54 =	vunpack.i.u.bf16.f32 v18;
	v0 =	vadd.f32 v51, v0;
	v56 =	vadd.f32 v11, v13  }
0x24a: {  	v5 =	vunpack.i.u.bf16.f32 v5;
	v12 =	vadd.f32 v12, v54  }
0x24b: {  	v0 =	vadd.f32 v0, v5;
	[tilespmem:$0x1E340] =	vst v56  }
0x24c: {  	[tilespmem:$0x19520] =	vst v12  }
0x24d: {  	s4 =	simm.s32 $0x16E20;
	[tilespmem:$0x1BC30] =	vst v0  }
0x24e: {  	[hbm4b:s5+s2] =	stream.linear.scatter [tilespmem:s4], [sflag:$0x9], $0x2710, $0x38;
	[tilespmem:$0x1E350] =	vst v63  }
0x24f: {  	_ =	swait.ge [sflag:s9], $0x2710  }
0x250: {  	[sflag:s9] =	ssyncset.done $0x0  }
0x251: {  	s21 =	simm.s32 $0x19530;
	[sflag:s9] =	ssyncadd.s32 $0xFFFFD8F0  }
0x252: {  	[hbm4b:s6+s2] =	stream.linear.scatter [tilespmem:s21], [sflag:$0x9], $0x2710, $0x38;
	[tilespmem:$0x1E350] =	vst v63  }
0x253: {  	s19 =	sadd.s32 $0x1, s19;
	_ =	swait.ge [sflag:s9], $0x2710  }
0x254: {  	p0 =	sne.s32 s19, s8;
	[sflag:s9] =	ssyncset.done $0x0  }
.Ltmp6:
0x255: {  	s23 =	simm.s32 $0x1BC40;
	[sflag:s9] =	ssyncadd.s32 $0xFFFFD8F0;
	(pc) =	sbr.rel @p0 .LBB2_1-.Ltmp6, $4  }
0x256: {  	[hbm4b:s7+s2] =	stream.linear.scatter [tilespmem:s23], [sflag:$0x9], $0x2710, $0x38;
	[tilespmem:$0x1E350] =	vst v63  }
0x257: {  	_ =	swait.ge [sflag:s9], $0x2710  }
0x258: {  	[sflag:s9] =	ssyncset.done $0x0  }
0x259: {  	[sflag:s9] =	ssyncadd.s32 $0xFFFFD8F0  }
0x25a: {  	_ =	sfence.sel $0x180000  }
0x25b: {  	[bflag:$0x0] =	sbarrier.arrive $0xFFFF  }
0x25c: {  	_ =	strace $0x90000047  }
0x25d: {  	s0 =	stileid.u32;
	[bflag:$0x2] =	sbarrier.arrive $0xFFFF  }
0x25e: {  	p0 =	sne.s32 s0, $0x0;
	s0 =	rddreg [dreg:$0x1]  }
0x25f: {  	s0 =	sadd.s32 @!p0 $0x100000, s0  }
0x260: {  	[sflag:s0] =	ssyncadd.tile.s32 @!p0 $0x1;
	_ =	shalt  }
.Lfunc_end2:
_tile_overlayer_lowered:
.L_overlay_start_2:
0x261: {  	(tag) =	ssettag $0x2  }
0x262: {  	s0 =	rddreg [dreg:$0x0];
	s2 =	stileid.u32  }
0x263: {  	s1 =	rddreg [dreg:$0x1];
	p0 =	sne.s32 s2, $0x0  }
0x264: {  	s3 =	rddreg [dreg:$0x2];
	[bflag:$0x3] =	sbarrier.arrive $0xFFFF;
	s2 =	simm.s32 @!p0 $0x1C09  }
0x265: {  	[timem:s3], [sflag:s2] =	dma.local @!p0 [hbm:s0], s1  }
0x266: {  	s0 =	simm.s32 @!p0 $0x9  }
0x267: {  	_ =	swait.ge @!p0 [sflag:s0], s1  }
0x268: {  	s1 =	ssub.s32 @!p0 $0x0, s1;
	[sflag:s0] =	ssyncset.done @!p0 $0x0  }
0x269: {  	[sflag:s0] =	ssyncadd.s32 @!p0 s1  }
0x26a: {  	[bflag:$0x3] =	sbarrier.arrive $0xFFFF  }
0x26b: {  	_ =	shalt  }

</sc_bundles>
